<compile_context>
chip_gen: v7x
topology: tpu7x:2x2x1
jax: 0.10.2.dev20260603
libtpu: 0.0.44.dev20260713+nightly
codegen_flags: <defaults>
</compile_context>

<pallas_src>
import jax
import jax.numpy as jnp
from jax import lax
from jax.experimental import pallas as pl
from jax.experimental.pallas import tpu as pltpu
from jax.experimental.pallas import tpu_sc as plsc

N = 16 * 1 * 512 * 512
NC, NS, L = 2, 16, 16
NW = NC * NS
PER_W = N // NW
CHUNK = 8192
NCHUNK = PER_W // CHUNK
B = 2048
E = 8.0
SCALE = B / E
HL = 2 * B


def _sc_body(lo_hbm, tg_hbm, out_h, out_g, shist, stage):
    sid = lax.axis_index("s")
    wid = sid * NC + lax.axis_index("c")

    lpairs = ((stage[0], stage[1], stage[8]), (stage[2], stage[3], stage[9]))
    pairs = ((stage[4], stage[5], stage[10]), (stage[6], stage[7], stage[11]))

    def zero_body(i, _):
        stage[5][pl.ds(i * L, L)] = jnp.zeros((L,), jnp.float32)
        return 0

    lax.fori_loop(0, HL // L, zero_body, 0)
    pltpu.sync_copy(stage[5].at[pl.ds(0, HL)], shist.at[pl.ds(sid * HL, HL)])

    hbase = sid * HL

    loads = [None, None]

    def start_load(j):
        lb, tb, sem = lpairs[j % 2]
        base = wid * PER_W + j * CHUNK
        loads[j % 2] = (
            pltpu.async_copy(lo_hbm.at[pl.ds(base, CHUNK)], lb, sem),
            pltpu.async_copy(tg_hbm.at[pl.ds(base, CHUNK)], tb, sem),
        )

    start_load(0)
    gsum = jnp.zeros((L,), jnp.float32)
    scatters = [None, None]
    for j in range(NCHUNK):
        lb, tb, _lsem = lpairs[j % 2]
        for h in loads[j % 2]:
            h.wait()
        if j + 1 < NCHUNK:
            start_load(j + 1)

        ib, vb, sem = pairs[j % 2]
        if scatters[j % 2] is not None:
            scatters[j % 2].wait()

        @plsc.parallel_loop(0, CHUNK // L, carry=gsum, unroll=8)
        def vec_body(i, acc):
            l = lb[pl.ds(i * L, L)]
            t = tb[pl.ds(i * L, L)]
            tf = t.astype(jnp.float32)
            e = 1.0 - l * (2.0 * tf - 1.0)
            val = jnp.where(e > 0.0, 1.0, 0.0).astype(jnp.float32)
            idx = jnp.clip((e * SCALE).astype(jnp.int32), 0, B - 1)
            ib[pl.ds(i * L, L)] = hbase + t * B + idx
            vb[pl.ds(i * L, L)] = val
            return acc + tf

        gsum = vec_body
        scatters[j % 2] = pltpu.async_copy(vb, shist.at[ib], sem, add=True)
    for cp in scatters:
        cp.wait()

    pltpu.sync_copy(shist.at[pl.ds(sid * HL, HL)], out_h.at[wid])
    gbuf = stage[12]
    gbuf[...] = gsum
    pltpu.sync_copy(gbuf, out_g.at[wid])


_sc_hist = pl.kernel(
    _sc_body,
    out_type=(
        jax.ShapeDtypeStruct((NW, HL), jnp.float32),
        jax.ShapeDtypeStruct((NW, L), jnp.float32),
    ),
    mesh=plsc.VectorSubcoreMesh(core_axis_name="c", subcore_axis_name="s",
                                num_cores=NC, num_subcores=NS),
    scratch_types=[
        pltpu.VMEM_SHARED((NS * HL,), jnp.float32),
        (
            pltpu.VMEM((CHUNK,), jnp.float32),
            pltpu.VMEM((CHUNK,), jnp.int32),
            pltpu.VMEM((CHUNK,), jnp.float32),
            pltpu.VMEM((CHUNK,), jnp.int32),
            pltpu.VMEM((CHUNK,), jnp.int32),
            pltpu.VMEM((CHUNK,), jnp.float32),
            pltpu.VMEM((CHUNK,), jnp.int32),
            pltpu.VMEM((CHUNK,), jnp.float32),
            pltpu.SemaphoreType.DMA,
            pltpu.SemaphoreType.DMA,
            pltpu.SemaphoreType.DMA,
            pltpu.SemaphoreType.DMA,
            pltpu.VMEM((L,), jnp.float32),
        ),
    ],
)


def _epi_body(h_ref, g_ref, out_ref):
    R, C = B // 128, 128
    s = jnp.sum(h_ref[...], axis=0)
    n0 = s[:B]
    n1 = s[B:]
    c = (n0 + n1).reshape(R, C)
    p = n1.reshape(R, C)
    G = jnp.sum(g_ref[...])

    hp = jax.lax.Precision.HIGHEST
    U = (lax.broadcasted_iota(jnp.int32, (C, C), 0)
         >= lax.broadcasted_iota(jnp.int32, (C, C), 1)).astype(jnp.float32)
    within_c = jax.lax.dot(c, U, precision=hp)
    within_p = jax.lax.dot(p, U, precision=hp)
    W = (lax.broadcasted_iota(jnp.int32, (R, R), 1)
         > lax.broadcasted_iota(jnp.int32, (R, R), 0)).astype(jnp.float32)
    rows_c = jnp.sum(c, axis=1, keepdims=True)
    rows_p = jnp.sum(p, axis=1, keepdims=True)
    n = within_c + jax.lax.dot(W, rows_c, precision=hp)
    P = within_p + jax.lax.dot(W, rows_p, precision=hp)

    def J(n_, P_):
        den = G + n_ - P_
        den = jnp.where(n_ > 0, den, 1.0)
        return jnp.where(n_ > 0, 1.0 - (G - P_) / den, 0.0)

    bidx = (lax.broadcasted_iota(jnp.int32, (R, C), 0) * C
            + lax.broadcasted_iota(jnp.int32, (R, C), 1)).astype(jnp.float32)
    m = (bidx + 0.5) * (E / B)
    out_ref[...] = jnp.sum(m * (J(n, P) - J(n - c, P - p))).reshape(1, 1)


_epilogue = pl.pallas_call(
    _epi_body,
    out_shape=jax.ShapeDtypeStruct((1, 1), jnp.float32),
)


def kernel(logits, target):
    lf = logits.reshape(-1)
    tg = target.reshape(-1)
    h_parts, g_parts = _sc_hist(lf, tg)
    loss = _epilogue(h_parts, g_parts)
    return loss[0, 0]

# --- scband reference (transcript-rebuilt; emitter-appended) ---
"""Pipeline reference for scband-lovasz-with-logits-loss-87033217286404 (READ-ONLY COPY).

The authoritative reference and input builder live on the scoring server;
editing this copy changes nothing except your own understanding.
"""

import jax, jax.numpy as jnp
import numpy as np


def lovasz_grad(gt_sorted):
    # gt_sorted: float32[N], sorted by descending errors
    gts = jnp.sum(gt_sorted)
    intersection = gts - jnp.cumsum(gt_sorted)
    union = gts + jnp.cumsum(1.0 - gt_sorted)
    jaccard = 1.0 - intersection / union
    # jaccard[1:] = jaccard[1:] - jaccard[:-1]
    jaccard = jnp.concatenate([jaccard[:1], jaccard[1:] - jaccard[:-1]])
    return jaccard


def setup_inputs(seed: int = 0) -> dict:
    key = jax.random.key(seed)
    k1, k2 = jax.random.split(key)
    logits = jax.random.normal(k1, (16, 1, 512, 512), dtype=jnp.float32)
    target = jax.random.randint(k2, (16, 1, 512, 512), 0, 2).astype(jnp.int32)
    return {"logits": logits, "target": target}


def reference(logits, target):
    # Lovasz hinge, per_image=False: flatten everything into one big vector
    logits_flat = logits.reshape(-1)
    labels_flat = target.reshape(-1).astype(jnp.float32)
    signs = 2.0 * labels_flat - 1.0
    errors = 1.0 - logits_flat * signs
    # sort errors in descending order
    perm = jnp.argsort(-errors)
    errors_sorted = errors[perm]
    gt_sorted = labels_flat[perm]
    grad = lovasz_grad(gt_sorted)
    loss = jnp.dot(jax.nn.relu(errors_sorted), grad)
    return loss

if __name__ == "__main__":
    import jax
    _d = setup_inputs()
    print(jax.jit(kernel)(*tuple(_d.values())))

</pallas_src>

<mosaic_0001>
#map = affine_map<(d0, d1) -> (0)>
#map1 = affine_map<(d0, d1) -> (0, 0)>
module attributes {stable_mosaic.version = 14 : i64} {
  func.func @_sc_body(%arg0: i32, %arg1: i32, %arg2: memref<4194304xf32, #tpu.memory_space<hbm>>, %arg3: memref<4194304xi32, #tpu.memory_space<hbm>>, %arg4: memref<32x4096xf32, #tpu.memory_space<hbm>>, %arg5: memref<32x16xf32, #tpu.memory_space<hbm>>, %arg6: memref<65536xf32, #tpu.memory_space<vmem_shared>>, %arg7: memref<8192xf32, #tpu.memory_space<vmem>>, %arg8: memref<8192xi32, #tpu.memory_space<vmem>>, %arg9: memref<8192xf32, #tpu.memory_space<vmem>>, %arg10: memref<8192xi32, #tpu.memory_space<vmem>>, %arg11: memref<8192xi32, #tpu.memory_space<vmem>>, %arg12: memref<8192xf32, #tpu.memory_space<vmem>>, %arg13: memref<8192xi32, #tpu.memory_space<vmem>>, %arg14: memref<8192xf32, #tpu.memory_space<vmem>>, %arg15: memref<!tpu.dma_semaphore, #tpu.memory_space<semaphore_mem>>, %arg16: memref<!tpu.dma_semaphore, #tpu.memory_space<semaphore_mem>>, %arg17: memref<!tpu.dma_semaphore, #tpu.memory_space<semaphore_mem>>, %arg18: memref<!tpu.dma_semaphore, #tpu.memory_space<semaphore_mem>>, %arg19: memref<16xf32, #tpu.memory_space<vmem>>) attributes {dimension_semantics = [#tpu.dimension_semantics<core_parallel>, #tpu.dimension_semantics<subcore_parallel>], iteration_bounds = array<i64: 2, 16>, scalar_prefetch = 0 : i64, scratch_operands = 14 : i64, tpu.core_type = #tpu.core_type<sc_vector_subcore>, window_params = [{transform_indices = #map}, {transform_indices = #map}, {transform_indices = #map1}, {transform_indices = #map1}]} {
    %mul3A = arith.constant 2 : i32
    %mul3A_0 = arith.muli %arg1, %mul3A : i32
    %add3A = arith.addi %mul3A_0, %arg0 : i32
    %scan3A = arith.constant 0 : i32
    %scan3A_1 = arith.constant 0 : i32
    %scan3A_2 = arith.constant 256 : i32
    %scan3A_3 = arith.addi %scan3A_1, %scan3A_2 : i32
    %scan3A_4 = arith.constant 1 : i32
    %scan3A_5 = scf.for %scan3A_334 = %scan3A_1 to %scan3A_3 step %scan3A_4 iter_args(%scan3A_335 = %scan3A) -> (i32)  : i32 {
      %broadcast_in_dim3A_336 = arith.constant 0.000000e+00 : f32
      %broadcast_in_dim3A_337 = vector.broadcast %broadcast_in_dim3A_336 : f32 to vector<16xf32>
      %mul3A_338 = arith.constant 16 : i32
      %mul3A_339 = arith.muli %scan3A_334, %mul3A_338 : i32
      %swap3A_340 = arith.index_cast %mul3A_339 : i32 to index
      %swap3A_341 = tpu.vector_load %arg12[%swap3A_340] {strides = array<i32>} : memref<8192xf32, #tpu.memory_space<vmem>>, vector<16xf32>,
      %swap3A_342 = vector.shape_cast %swap3A_341 : vector<16xf32> to vector<16xf32>
      %swap3A_343 = vector.shape_cast %broadcast_in_dim3A_337 : vector<16xf32> to vector<16xf32>
      tpu.vector_store %arg12[%swap3A_340], %swap3A_343 {strides = array<i32>} : memref<8192xf32, #tpu.memory_space<vmem>>, vector<16xf32>,
      %scan3A_344 = arith.constant 0 : i32
      scf.yield %scan3A_344 : i32
    }
    %scan3A_6 = arith.constant 256 : i32
    %mul3A_7 = arith.constant 4096 : i32
    %mul3A_8 = arith.muli %arg1, %mul3A_7 : i32
    "tpu.region"() ({
      %run_scoped3A = tpu.sem_alloc : memref<!tpu.dma_semaphore, #tpu.memory_space<semaphore_mem>>
      %dma_start3A_334 = arith.constant 0 : i32
      %dma_start3A_335 = tpu.memref_slice %arg12[%dma_start3A_334] : memref<8192xf32, #tpu.memory_space<vmem>> -> memref<4096xf32, #tpu.memory_space<vmem>>
      %dma_start3A_336 = tpu.memref_slice %arg6[%mul3A_8] : memref<65536xf32, #tpu.memory_space<vmem_shared>> -> memref<4096xf32, #tpu.memory_space<vmem_shared>>
      %dma_start3A_337 = tpu.memref_slice %arg6[%mul3A_8] : memref<65536xf32, #tpu.memory_space<vmem_shared>> -> memref<4096xf32, #tpu.memory_space<vmem_shared>>
      %dma_start3A_338 = arith.constant 0 : i32
      %dma_start3A_339 = tpu.memref_slice %arg12[%dma_start3A_338] : memref<8192xf32, #tpu.memory_space<vmem>> -> memref<4096xf32, #tpu.memory_space<vmem>>
      tpu.enqueue_dma source(%dma_start3A_339 : memref<4096xf32, #tpu.memory_space<vmem>>) target(%dma_start3A_337 : memref<4096xf32, #tpu.memory_space<vmem_shared>>) target_semaphore(%run_scoped3A : memref<!tpu.dma_semaphore, #tpu.memory_space<semaphore_mem>>)
      %dma_wait3A_340 = arith.constant 0 : i32
      %dma_wait3A_341 = tpu.memref_slice %arg12[%dma_wait3A_340] : memref<8192xf32, #tpu.memory_space<vmem>> -> memref<4096xf32, #tpu.memory_space<vmem>>
      %dma_wait3A_342 = tpu.memref_slice %arg6[%mul3A_8] : memref<65536xf32, #tpu.memory_space<vmem_shared>> -> memref<4096xf32, #tpu.memory_space<vmem_shared>>
      %dma_wait3A_343 = tpu.memref_slice %arg6[%mul3A_8] : memref<65536xf32, #tpu.memory_space<vmem_shared>> -> memref<4096xf32, #tpu.memory_space<vmem_shared>>
      %dma_wait3A_344 = arith.constant 0 : i32
      %dma_wait3A_345 = tpu.memref_slice %arg12[%dma_wait3A_344] : memref<8192xf32, #tpu.memory_space<vmem>> -> memref<4096xf32, #tpu.memory_space<vmem>>
      tpu.wait_dma2 semaphore(%run_scoped3A : memref<!tpu.dma_semaphore, #tpu.memory_space<semaphore_mem>>) src(%dma_wait3A_345 : memref<4096xf32, #tpu.memory_space<vmem>>) dst(%dma_wait3A_343 : memref<4096xf32, #tpu.memory_space<vmem_shared>>)
      tpu.yield
    }) : () -> ()
    %mul3A_9 = arith.constant 4096 : i32
    %mul3A_10 = arith.muli %arg1, %mul3A_9 : i32
    %mul3A_11 = arith.constant 131072 : i32
    %mul3A_12 = arith.muli %add3A, %mul3A_11 : i32
    %add3A_13 = arith.constant 0 : i32
    %add3A_14 = arith.addi %mul3A_12, %add3A_13 : i32
    %dma_start3A = tpu.memref_slice %arg2[%add3A_14] : memref<4194304xf32, #tpu.memory_space<hbm>> -> memref<8192xf32, #tpu.memory_space<hbm>>
    %dma_start3A_15 = tpu.memref_slice %arg2[%add3A_14] : memref<4194304xf32, #tpu.memory_space<hbm>> -> memref<8192xf32, #tpu.memory_space<hbm>>
    tpu.enqueue_dma source(%dma_start3A_15 : memref<8192xf32, #tpu.memory_space<hbm>>) target(%arg7 : memref<8192xf32, #tpu.memory_space<vmem>>) target_semaphore(%arg15 : memref<!tpu.dma_semaphore, #tpu.memory_space<semaphore_mem>>)
    %dma_start3A_16 = tpu.memref_slice %arg3[%add3A_14] : memref<4194304xi32, #tpu.memory_space<hbm>> -> memref<8192xi32, #tpu.memory_space<hbm>>
    %dma_start3A_17 = tpu.memref_slice %arg3[%add3A_14] : memref<4194304xi32, #tpu.memory_space<hbm>> -> memref<8192xi32, #tpu.memory_space<hbm>>
    tpu.enqueue_dma source(%dma_start3A_17 : memref<8192xi32, #tpu.memory_space<hbm>>) target(%arg8 : memref<8192xi32, #tpu.memory_space<vmem>>) target_semaphore(%arg15 : memref<!tpu.dma_semaphore, #tpu.memory_space<semaphore_mem>>)
    %broadcast_in_dim3A = arith.constant 0.000000e+00 : f32
    %broadcast_in_dim3A_18 = vector.broadcast %broadcast_in_dim3A : f32 to vector<16xf32>
    %dma_wait3A = tpu.memref_slice %arg2[%add3A_14] : memref<4194304xf32, #tpu.memory_space<hbm>> -> memref<8192xf32, #tpu.memory_space<hbm>>
    %dma_wait3A_19 = tpu.memref_slice %arg2[%add3A_14] : memref<4194304xf32, #tpu.memory_space<hbm>> -> memref<8192xf32, #tpu.memory_space<hbm>>
    tpu.wait_dma2 semaphore(%arg15 : memref<!tpu.dma_semaphore, #tpu.memory_space<semaphore_mem>>) src(%dma_wait3A_19 : memref<8192xf32, #tpu.memory_space<hbm>>) dst(%arg7 : memref<8192xf32, #tpu.memory_space<vmem>>)
    %dma_wait3A_20 = tpu.memref_slice %arg3[%add3A_14] : memref<4194304xi32, #tpu.memory_space<hbm>> -> memref<8192xi32, #tpu.memory_space<hbm>>
    %dma_wait3A_21 = tpu.memref_slice %arg3[%add3A_14] : memref<4194304xi32, #tpu.memory_space<hbm>> -> memref<8192xi32, #tpu.memory_space<hbm>>
    tpu.wait_dma2 semaphore(%arg15 : memref<!tpu.dma_semaphore, #tpu.memory_space<semaphore_mem>>) src(%dma_wait3A_21 : memref<8192xi32, #tpu.memory_space<hbm>>) dst(%arg8 : memref<8192xi32, #tpu.memory_space<vmem>>)
    %mul3A_22 = arith.constant 131072 : i32
    %mul3A_23 = arith.muli %add3A, %mul3A_22 : i32
    %add3A_24 = arith.constant 8192 : i32
    %add3A_25 = arith.addi %mul3A_23, %add3A_24 : i32
    %dma_start3A_26 = tpu.memref_slice %arg2[%add3A_25] : memref<4194304xf32, #tpu.memory_space<hbm>> -> memref<8192xf32, #tpu.memory_space<hbm>>
    %dma_start3A_27 = tpu.memref_slice %arg2[%add3A_25] : memref<4194304xf32, #tpu.memory_space<hbm>> -> memref<8192xf32, #tpu.memory_space<hbm>>
    tpu.enqueue_dma source(%dma_start3A_27 : memref<8192xf32, #tpu.memory_space<hbm>>) target(%arg9 : memref<8192xf32, #tpu.memory_space<vmem>>) target_semaphore(%arg16 : memref<!tpu.dma_semaphore, #tpu.memory_space<semaphore_mem>>)
    %dma_start3A_28 = tpu.memref_slice %arg3[%add3A_25] : memref<4194304xi32, #tpu.memory_space<hbm>> -> memref<8192xi32, #tpu.memory_space<hbm>>
    %dma_start3A_29 = tpu.memref_slice %arg3[%add3A_25] : memref<4194304xi32, #tpu.memory_space<hbm>> -> memref<8192xi32, #tpu.memory_space<hbm>>
    tpu.enqueue_dma source(%dma_start3A_29 : memref<8192xi32, #tpu.memory_space<hbm>>) target(%arg10 : memref<8192xi32, #tpu.memory_space<vmem>>) target_semaphore(%arg16 : memref<!tpu.dma_semaphore, #tpu.memory_space<semaphore_mem>>)
    %parallel_loop3A = arith.constant 0 : i32
    %parallel_loop3A_30 = arith.constant 512 : i32
    %parallel_loop3A_31 = arith.constant 1 : i32
    %parallel_loop3A_32 = scf.for %parallel_loop3A_334 = %parallel_loop3A to %parallel_loop3A_30 step %parallel_loop3A_31 iter_args(%parallel_loop3A_335 = %broadcast_in_dim3A_18) -> (vector<16xf32>)  : i32 {
      %parallel_loop3A_336 = arith.constant 16 : i32
      %parallel_loop3A_337 = arith.muli %parallel_loop3A_334, %parallel_loop3A_336 : i32
      %parallel_loop3A_338 = arith.index_cast %parallel_loop3A_337 : i32 to index
      %parallel_loop3A_339 = tpu.vector_load %arg7[%parallel_loop3A_338] {strides = array<i32>} : memref<8192xf32, #tpu.memory_space<vmem>>, vector<16xf32>,
      %parallel_loop3A_340 = vector.shape_cast %parallel_loop3A_339 : vector<16xf32> to vector<16xf32>
      %parallel_loop3A_341 = arith.constant 16 : i32
      %parallel_loop3A_342 = arith.muli %parallel_loop3A_334, %parallel_loop3A_341 : i32
      %parallel_loop3A_343 = arith.index_cast %parallel_loop3A_342 : i32 to index
      %parallel_loop3A_344 = tpu.vector_load %arg8[%parallel_loop3A_343] {strides = array<i32>} : memref<8192xi32, #tpu.memory_space<vmem>>, vector<16xi32>,
      %parallel_loop3A_345 = vector.shape_cast %parallel_loop3A_344 : vector<16xi32> to vector<16xi32>
      %parallel_loop3A_346 = arith.sitofp %parallel_loop3A_345 : vector<16xi32> to vector<16xf32>
      %parallel_loop3A_347 = arith.constant 2.000000e+00 : f32
      %parallel_loop3A_348 = vector.broadcast %parallel_loop3A_347 : f32 to vector<16xf32>
      %parallel_loop3A_349 = arith.mulf %parallel_loop3A_348, %parallel_loop3A_346 : vector<16xf32>
      %parallel_loop3A_350 = arith.constant 1.000000e+00 : f32
      %parallel_loop3A_351 = vector.broadcast %parallel_loop3A_350 : f32 to vector<16xf32>
      %parallel_loop3A_352 = arith.subf %parallel_loop3A_349, %parallel_loop3A_351 : vector<16xf32>
      %parallel_loop3A_353 = arith.mulf %parallel_loop3A_340, %parallel_loop3A_352 : vector<16xf32>
      %parallel_loop3A_354 = arith.constant 1.000000e+00 : f32
      %parallel_loop3A_355 = vector.broadcast %parallel_loop3A_354 : f32 to vector<16xf32>
      %parallel_loop3A_356 = arith.subf %parallel_loop3A_355, %parallel_loop3A_353 : vector<16xf32>
      %parallel_loop3A_357 = arith.constant 0.000000e+00 : f32
      %parallel_loop3A_358 = vector.broadcast %parallel_loop3A_357 : f32 to vector<16xf32>
      %parallel_loop3A_359 = arith.cmpf ogt, %parallel_loop3A_356, %parallel_loop3A_358 : vector<16xf32>
      %parallel_loop3A_360 = arith.constant 1.000000e+00 : f32
      %parallel_loop3A_361 = arith.constant 0.000000e+00 : f32
      %parallel_loop3A_362 = vector.broadcast %parallel_loop3A_360 : f32 to vector<16xf32>
      %parallel_loop3A_363 = vector.broadcast %parallel_loop3A_361 : f32 to vector<16xf32>
      %parallel_loop3A_364 = arith.select %parallel_loop3A_359, %parallel_loop3A_362, %parallel_loop3A_363 : vector<16xi1>, vector<16xf32>
      %parallel_loop3A_365 = arith.constant 2.560000e+02 : f32
      %parallel_loop3A_366 = vector.broadcast %parallel_loop3A_365 : f32 to vector<16xf32>
      %parallel_loop3A_367 = arith.mulf %parallel_loop3A_356, %parallel_loop3A_366 : vector<16xf32>
      %parallel_loop3A_368 = arith.fptosi %parallel_loop3A_367 : vector<16xf32> to vector<16xi32>
      %parallel_loop3A_369 = arith.constant 0 : i32
      %parallel_loop3A_370 = arith.constant 2047 : i32
      %parallel_loop3A_371 = vector.broadcast %parallel_loop3A_369 : i32 to vector<16xi32>
      %parallel_loop3A_372 = arith.maxsi %parallel_loop3A_371, %parallel_loop3A_368 : vector<16xi32>
      %parallel_loop3A_373 = vector.broadcast %parallel_loop3A_370 : i32 to vector<16xi32>
      %parallel_loop3A_374 = arith.minsi %parallel_loop3A_373, %parallel_loop3A_372 : vector<16xi32>
      %parallel_loop3A_375 = arith.constant 2048 : i32
      %parallel_loop3A_376 = vector.broadcast %parallel_loop3A_375 : i32 to vector<16xi32>
      %parallel_loop3A_377 = arith.muli %parallel_loop3A_345, %parallel_loop3A_376 : vector<16xi32>
      %parallel_loop3A_378 = vector.broadcast %mul3A_10 : i32 to vector<16xi32>
      %parallel_loop3A_379 = arith.addi %parallel_loop3A_378, %parallel_loop3A_377 : vector<16xi32>
      %parallel_loop3A_380 = arith.addi %parallel_loop3A_379, %parallel_loop3A_374 : vector<16xi32>
      %parallel_loop3A_381 = arith.constant 16 : i32
      %parallel_loop3A_382 = arith.muli %parallel_loop3A_334, %parallel_loop3A_381 : i32
      %parallel_loop3A_383 = arith.index_cast %parallel_loop3A_382 : i32 to index
      %parallel_loop3A_384 = tpu.vector_load %arg11[%parallel_loop3A_383] {strides = array<i32>} : memref<8192xi32, #tpu.memory_space<vmem>>, vector<16xi32>,
      %parallel_loop3A_385 = vector.shape_cast %parallel_loop3A_384 : vector<16xi32> to vector<16xi32>
      %parallel_loop3A_386 = vector.shape_cast %parallel_loop3A_380 : vector<16xi32> to vector<16xi32>
      tpu.vector_store %arg11[%parallel_loop3A_383], %parallel_loop3A_386 {strides = array<i32>} : memref<8192xi32, #tpu.memory_space<vmem>>, vector<16xi32>,
      %parallel_loop3A_387 = arith.constant 16 : i32
      %parallel_loop3A_388 = arith.muli %parallel_loop3A_334, %parallel_loop3A_387 : i32
      %parallel_loop3A_389 = arith.index_cast %parallel_loop3A_388 : i32 to index
      %parallel_loop3A_390 = tpu.vector_load %arg12[%parallel_loop3A_389] {strides = array<i32>} : memref<8192xf32, #tpu.memory_space<vmem>>, vector<16xf32>,
      %parallel_loop3A_391 = vector.shape_cast %parallel_loop3A_390 : vector<16xf32> to vector<16xf32>
      %parallel_loop3A_392 = vector.shape_cast %parallel_loop3A_364 : vector<16xf32> to vector<16xf32>
      tpu.vector_store %arg12[%parallel_loop3A_389], %parallel_loop3A_392 {strides = array<i32>} : memref<8192xf32, #tpu.memory_space<vmem>>, vector<16xf32>,
      %parallel_loop3A_393 = arith.addf %parallel_loop3A_335, %parallel_loop3A_346 : vector<16xf32>
      scf.yield %parallel_loop3A_393 : vector<16xf32>
    } {sc.loop_unroll_factor = 8 : i64, sc.parallel_access}
    %dma_start3A_33 = arith.constant 0 : i32
    %dma_start3A_34 = tpu.memref_slice %arg6[%dma_start3A_33] : memref<65536xf32, #tpu.memory_space<vmem_shared>> -> memref<65536xf32, #tpu.memory_space<vmem_shared>>
    tpu.enqueue_indirect_dma source(%arg12 : memref<8192xf32, #tpu.memory_space<vmem>>) target(%dma_start3A_34 : memref<65536xf32, #tpu.memory_space<vmem_shared>>) offsets(%arg11 : memref<8192xi32, #tpu.memory_space<vmem>>) semaphore(%arg17 : memref<!tpu.dma_semaphore, #tpu.memory_space<semaphore_mem>>) {add = true}
    %dma_wait3A_35 = tpu.memref_slice %arg2[%add3A_25] : memref<4194304xf32, #tpu.memory_space<hbm>> -> memref<8192xf32, #tpu.memory_space<hbm>>
    %dma_wait3A_36 = tpu.memref_slice %arg2[%add3A_25] : memref<4194304xf32, #tpu.memory_space<hbm>> -> memref<8192xf32, #tpu.memory_space<hbm>>
    tpu.wait_dma2 semaphore(%arg16 : memref<!tpu.dma_semaphore, #tpu.memory_space<semaphore_mem>>) src(%dma_wait3A_36 : memref<8192xf32, #tpu.memory_space<hbm>>) dst(%arg9 : memref<8192xf32, #tpu.memory_space<vmem>>)
    %dma_wait3A_37 = tpu.memref_slice %arg3[%add3A_25] : memref<4194304xi32, #tpu.memory_space<hbm>> -> memref<8192xi32, #tpu.memory_space<hbm>>
    %dma_wait3A_38 = tpu.memref_slice %arg3[%add3A_25] : memref<4194304xi32, #tpu.memory_space<hbm>> -> memref<8192xi32, #tpu.memory_space<hbm>>
    tpu.wait_dma2 semaphore(%arg16 : memref<!tpu.dma_semaphore, #tpu.memory_space<semaphore_mem>>) src(%dma_wait3A_38 : memref<8192xi32, #tpu.memory_space<hbm>>) dst(%arg10 : memref<8192xi32, #tpu.memory_space<vmem>>)
    %mul3A_39 = arith.constant 131072 : i32
    %mul3A_40 = arith.muli %add3A, %mul3A_39 : i32
    %add3A_41 = arith.constant 16384 : i32
    %add3A_42 = arith.addi %mul3A_40, %add3A_41 : i32
    %dma_start3A_43 = tpu.memref_slice %arg2[%add3A_42] : memref<4194304xf32, #tpu.memory_space<hbm>> -> memref<8192xf32, #tpu.memory_space<hbm>>
    %dma_start3A_44 = tpu.memref_slice %arg2[%add3A_42] : memref<4194304xf32, #tpu.memory_space<hbm>> -> memref<8192xf32, #tpu.memory_space<hbm>>
    tpu.enqueue_dma source(%dma_start3A_44 : memref<8192xf32, #tpu.memory_space<hbm>>) target(%arg7 : memref<8192xf32, #tpu.memory_space<vmem>>) target_semaphore(%arg15 : memref<!tpu.dma_semaphore, #tpu.memory_space<semaphore_mem>>)
    %dma_start3A_45 = tpu.memref_slice %arg3[%add3A_42] : memref<4194304xi32, #tpu.memory_space<hbm>> -> memref<8192xi32, #tpu.memory_space<hbm>>
    %dma_start3A_46 = tpu.memref_slice %arg3[%add3A_42] : memref<4194304xi32, #tpu.memory_space<hbm>> -> memref<8192xi32, #tpu.memory_space<hbm>>
    tpu.enqueue_dma source(%dma_start3A_46 : memref<8192xi32, #tpu.memory_space<hbm>>) target(%arg8 : memref<8192xi32, #tpu.memory_space<vmem>>) target_semaphore(%arg15 : memref<!tpu.dma_semaphore, #tpu.memory_space<semaphore_mem>>)
    %parallel_loop3A_47 = arith.constant 0 : i32
    %parallel_loop3A_48 = arith.constant 512 : i32
    %parallel_loop3A_49 = arith.constant 1 : i32
    %parallel_loop3A_50 = scf.for %parallel_loop3A_334 = %parallel_loop3A_47 to %parallel_loop3A_48 step %parallel_loop3A_49 iter_args(%parallel_loop3A_335 = %parallel_loop3A_32) -> (vector<16xf32>)  : i32 {
      %parallel_loop3A_336 = arith.constant 16 : i32
      %parallel_loop3A_337 = arith.muli %parallel_loop3A_334, %parallel_loop3A_336 : i32
      %parallel_loop3A_338 = arith.index_cast %parallel_loop3A_337 : i32 to index
      %parallel_loop3A_339 = tpu.vector_load %arg9[%parallel_loop3A_338] {strides = array<i32>} : memref<8192xf32, #tpu.memory_space<vmem>>, vector<16xf32>,
      %parallel_loop3A_340 = vector.shape_cast %parallel_loop3A_339 : vector<16xf32> to vector<16xf32>
      %parallel_loop3A_341 = arith.constant 16 : i32
      %parallel_loop3A_342 = arith.muli %parallel_loop3A_334, %parallel_loop3A_341 : i32
      %parallel_loop3A_343 = arith.index_cast %parallel_loop3A_342 : i32 to index
      %parallel_loop3A_344 = tpu.vector_load %arg10[%parallel_loop3A_343] {strides = array<i32>} : memref<8192xi32, #tpu.memory_space<vmem>>, vector<16xi32>,
      %parallel_loop3A_345 = vector.shape_cast %parallel_loop3A_344 : vector<16xi32> to vector<16xi32>
      %parallel_loop3A_346 = arith.sitofp %parallel_loop3A_345 : vector<16xi32> to vector<16xf32>
      %parallel_loop3A_347 = arith.constant 2.000000e+00 : f32
      %parallel_loop3A_348 = vector.broadcast %parallel_loop3A_347 : f32 to vector<16xf32>
      %parallel_loop3A_349 = arith.mulf %parallel_loop3A_348, %parallel_loop3A_346 : vector<16xf32>
      %parallel_loop3A_350 = arith.constant 1.000000e+00 : f32
      %parallel_loop3A_351 = vector.broadcast %parallel_loop3A_350 : f32 to vector<16xf32>
      %parallel_loop3A_352 = arith.subf %parallel_loop3A_349, %parallel_loop3A_351 : vector<16xf32>
      %parallel_loop3A_353 = arith.mulf %parallel_loop3A_340, %parallel_loop3A_352 : vector<16xf32>
      %parallel_loop3A_354 = arith.constant 1.000000e+00 : f32
      %parallel_loop3A_355 = vector.broadcast %parallel_loop3A_354 : f32 to vector<16xf32>
      %parallel_loop3A_356 = arith.subf %parallel_loop3A_355, %parallel_loop3A_353 : vector<16xf32>
      %parallel_loop3A_357 = arith.constant 0.000000e+00 : f32
      %parallel_loop3A_358 = vector.broadcast %parallel_loop3A_357 : f32 to vector<16xf32>
      %parallel_loop3A_359 = arith.cmpf ogt, %parallel_loop3A_356, %parallel_loop3A_358 : vector<16xf32>
      %parallel_loop3A_360 = arith.constant 1.000000e+00 : f32
      %parallel_loop3A_361 = arith.constant 0.000000e+00 : f32
      %parallel_loop3A_362 = vector.broadcast %parallel_loop3A_360 : f32 to vector<16xf32>
      %parallel_loop3A_363 = vector.broadcast %parallel_loop3A_361 : f32 to vector<16xf32>
      %parallel_loop3A_364 = arith.select %parallel_loop3A_359, %parallel_loop3A_362, %parallel_loop3A_363 : vector<16xi1>, vector<16xf32>
      %parallel_loop3A_365 = arith.constant 2.560000e+02 : f32
      %parallel_loop3A_366 = vector.broadcast %parallel_loop3A_365 : f32 to vector<16xf32>
      %parallel_loop3A_367 = arith.mulf %parallel_loop3A_356, %parallel_loop3A_366 : vector<16xf32>
      %parallel_loop3A_368 = arith.fptosi %parallel_loop3A_367 : vector<16xf32> to vector<16xi32>
      %parallel_loop3A_369 = arith.constant 0 : i32
      %parallel_loop3A_370 = arith.constant 2047 : i32
      %parallel_loop3A_371 = vector.broadcast %parallel_loop3A_369 : i32 to vector<16xi32>
      %parallel_loop3A_372 = arith.maxsi %parallel_loop3A_371, %parallel_loop3A_368 : vector<16xi32>
      %parallel_loop3A_373 = vector.broadcast %parallel_loop3A_370 : i32 to vector<16xi32>
      %parallel_loop3A_374 = arith.minsi %parallel_loop3A_373, %parallel_loop3A_372 : vector<16xi32>
      %parallel_loop3A_375 = arith.constant 2048 : i32
      %parallel_loop3A_376 = vector.broadcast %parallel_loop3A_375 : i32 to vector<16xi32>
      %parallel_loop3A_377 = arith.muli %parallel_loop3A_345, %parallel_loop3A_376 : vector<16xi32>
      %parallel_loop3A_378 = vector.broadcast %mul3A_10 : i32 to vector<16xi32>
      %parallel_loop3A_379 = arith.addi %parallel_loop3A_378, %parallel_loop3A_377 : vector<16xi32>
      %parallel_loop3A_380 = arith.addi %parallel_loop3A_379, %parallel_loop3A_374 : vector<16xi32>
      %parallel_loop3A_381 = arith.constant 16 : i32
      %parallel_loop3A_382 = arith.muli %parallel_loop3A_334, %parallel_loop3A_381 : i32
      %parallel_loop3A_383 = arith.index_cast %parallel_loop3A_382 : i32 to index
      %parallel_loop3A_384 = tpu.vector_load %arg13[%parallel_loop3A_383] {strides = array<i32>} : memref<8192xi32, #tpu.memory_space<vmem>>, vector<16xi32>,
      %parallel_loop3A_385 = vector.shape_cast %parallel_loop3A_384 : vector<16xi32> to vector<16xi32>
      %parallel_loop3A_386 = vector.shape_cast %parallel_loop3A_380 : vector<16xi32> to vector<16xi32>
      tpu.vector_store %arg13[%parallel_loop3A_383], %parallel_loop3A_386 {strides = array<i32>} : memref<8192xi32, #tpu.memory_space<vmem>>, vector<16xi32>,
      %parallel_loop3A_387 = arith.constant 16 : i32
      %parallel_loop3A_388 = arith.muli %parallel_loop3A_334, %parallel_loop3A_387 : i32
      %parallel_loop3A_389 = arith.index_cast %parallel_loop3A_388 : i32 to index
      %parallel_loop3A_390 = tpu.vector_load %arg14[%parallel_loop3A_389] {strides = array<i32>} : memref<8192xf32, #tpu.memory_space<vmem>>, vector<16xf32>,
      %parallel_loop3A_391 = vector.shape_cast %parallel_loop3A_390 : vector<16xf32> to vector<16xf32>
      %parallel_loop3A_392 = vector.shape_cast %parallel_loop3A_364 : vector<16xf32> to vector<16xf32>
      tpu.vector_store %arg14[%parallel_loop3A_389], %parallel_loop3A_392 {strides = array<i32>} : memref<8192xf32, #tpu.memory_space<vmem>>, vector<16xf32>,
      %parallel_loop3A_393 = arith.addf %parallel_loop3A_335, %parallel_loop3A_346 : vector<16xf32>
      scf.yield %parallel_loop3A_393 : vector<16xf32>
    } {sc.loop_unroll_factor = 8 : i64, sc.parallel_access}
    %dma_start3A_51 = arith.constant 0 : i32
    %dma_start3A_52 = tpu.memref_slice %arg6[%dma_start3A_51] : memref<65536xf32, #tpu.memory_space<vmem_shared>> -> memref<65536xf32, #tpu.memory_space<vmem_shared>>
    tpu.enqueue_indirect_dma source(%arg14 : memref<8192xf32, #tpu.memory_space<vmem>>) target(%dma_start3A_52 : memref<65536xf32, #tpu.memory_space<vmem_shared>>) offsets(%arg13 : memref<8192xi32, #tpu.memory_space<vmem>>) semaphore(%arg18 : memref<!tpu.dma_semaphore, #tpu.memory_space<semaphore_mem>>) {add = true}
    %dma_wait3A_53 = tpu.memref_slice %arg2[%add3A_42] : memref<4194304xf32, #tpu.memory_space<hbm>> -> memref<8192xf32, #tpu.memory_space<hbm>>
    %dma_wait3A_54 = tpu.memref_slice %arg2[%add3A_42] : memref<4194304xf32, #tpu.memory_space<hbm>> -> memref<8192xf32, #tpu.memory_space<hbm>>
    tpu.wait_dma2 semaphore(%arg15 : memref<!tpu.dma_semaphore, #tpu.memory_space<semaphore_mem>>) src(%dma_wait3A_54 : memref<8192xf32, #tpu.memory_space<hbm>>) dst(%arg7 : memref<8192xf32, #tpu.memory_space<vmem>>)
    %dma_wait3A_55 = tpu.memref_slice %arg3[%add3A_42] : memref<4194304xi32, #tpu.memory_space<hbm>> -> memref<8192xi32, #tpu.memory_space<hbm>>
    %dma_wait3A_56 = tpu.memref_slice %arg3[%add3A_42] : memref<4194304xi32, #tpu.memory_space<hbm>> -> memref<8192xi32, #tpu.memory_space<hbm>>
    tpu.wait_dma2 semaphore(%arg15 : memref<!tpu.dma_semaphore, #tpu.memory_space<semaphore_mem>>) src(%dma_wait3A_56 : memref<8192xi32, #tpu.memory_space<hbm>>) dst(%arg8 : memref<8192xi32, #tpu.memory_space<vmem>>)
    %mul3A_57 = arith.constant 131072 : i32
    %mul3A_58 = arith.muli %add3A, %mul3A_57 : i32
    %add3A_59 = arith.constant 24576 : i32
    %add3A_60 = arith.addi %mul3A_58, %add3A_59 : i32
    %dma_start3A_61 = tpu.memref_slice %arg2[%add3A_60] : memref<4194304xf32, #tpu.memory_space<hbm>> -> memref<8192xf32, #tpu.memory_space<hbm>>
    %dma_start3A_62 = tpu.memref_slice %arg2[%add3A_60] : memref<4194304xf32, #tpu.memory_space<hbm>> -> memref<8192xf32, #tpu.memory_space<hbm>>
    tpu.enqueue_dma source(%dma_start3A_62 : memref<8192xf32, #tpu.memory_space<hbm>>) target(%arg9 : memref<8192xf32, #tpu.memory_space<vmem>>) target_semaphore(%arg16 : memref<!tpu.dma_semaphore, #tpu.memory_space<semaphore_mem>>)
    %dma_start3A_63 = tpu.memref_slice %arg3[%add3A_60] : memref<4194304xi32, #tpu.memory_space<hbm>> -> memref<8192xi32, #tpu.memory_space<hbm>>
    %dma_start3A_64 = tpu.memref_slice %arg3[%add3A_60] : memref<4194304xi32, #tpu.memory_space<hbm>> -> memref<8192xi32, #tpu.memory_space<hbm>>
    tpu.enqueue_dma source(%dma_start3A_64 : memref<8192xi32, #tpu.memory_space<hbm>>) target(%arg10 : memref<8192xi32, #tpu.memory_space<vmem>>) target_semaphore(%arg16 : memref<!tpu.dma_semaphore, #tpu.memory_space<semaphore_mem>>)
    %dma_wait3A_65 = arith.constant 0 : i32
    %dma_wait3A_66 = tpu.memref_slice %arg6[%dma_wait3A_65] : memref<65536xf32, #tpu.memory_space<vmem_shared>> -> memref<65536xf32, #tpu.memory_space<vmem_shared>>
    tpu.wait_indirect_dma semaphore(%arg17 : memref<!tpu.dma_semaphore, #tpu.memory_space<semaphore_mem>>) src(%arg12 : memref<8192xf32, #tpu.memory_space<vmem>>) dst(%dma_wait3A_66 : memref<65536xf32, #tpu.memory_space<vmem_shared>>)
    %parallel_loop3A_67 = arith.constant 0 : i32
    %parallel_loop3A_68 = arith.constant 512 : i32
    %parallel_loop3A_69 = arith.constant 1 : i32
    %parallel_loop3A_70 = scf.for %parallel_loop3A_334 = %parallel_loop3A_67 to %parallel_loop3A_68 step %parallel_loop3A_69 iter_args(%parallel_loop3A_335 = %parallel_loop3A_50) -> (vector<16xf32>)  : i32 {
      %parallel_loop3A_336 = arith.constant 16 : i32
      %parallel_loop3A_337 = arith.muli %parallel_loop3A_334, %parallel_loop3A_336 : i32
      %parallel_loop3A_338 = arith.index_cast %parallel_loop3A_337 : i32 to index
      %parallel_loop3A_339 = tpu.vector_load %arg7[%parallel_loop3A_338] {strides = array<i32>} : memref<8192xf32, #tpu.memory_space<vmem>>, vector<16xf32>,
      %parallel_loop3A_340 = vector.shape_cast %parallel_loop3A_339 : vector<16xf32> to vector<16xf32>
      %parallel_loop3A_341 = arith.constant 16 : i32
      %parallel_loop3A_342 = arith.muli %parallel_loop3A_334, %parallel_loop3A_341 : i32
      %parallel_loop3A_343 = arith.index_cast %parallel_loop3A_342 : i32 to index
      %parallel_loop3A_344 = tpu.vector_load %arg8[%parallel_loop3A_343] {strides = array<i32>} : memref<8192xi32, #tpu.memory_space<vmem>>, vector<16xi32>,
      %parallel_loop3A_345 = vector.shape_cast %parallel_loop3A_344 : vector<16xi32> to vector<16xi32>
      %parallel_loop3A_346 = arith.sitofp %parallel_loop3A_345 : vector<16xi32> to vector<16xf32>
      %parallel_loop3A_347 = arith.constant 2.000000e+00 : f32
      %parallel_loop3A_348 = vector.broadcast %parallel_loop3A_347 : f32 to vector<16xf32>
      %parallel_loop3A_349 = arith.mulf %parallel_loop3A_348, %parallel_loop3A_346 : vector<16xf32>
      %parallel_loop3A_350 = arith.constant 1.000000e+00 : f32
      %parallel_loop3A_351 = vector.broadcast %parallel_loop3A_350 : f32 to vector<16xf32>
      %parallel_loop3A_352 = arith.subf %parallel_loop3A_349, %parallel_loop3A_351 : vector<16xf32>
      %parallel_loop3A_353 = arith.mulf %parallel_loop3A_340, %parallel_loop3A_352 : vector<16xf32>
      %parallel_loop3A_354 = arith.constant 1.000000e+00 : f32
      %parallel_loop3A_355 = vector.broadcast %parallel_loop3A_354 : f32 to vector<16xf32>
      %parallel_loop3A_356 = arith.subf %parallel_loop3A_355, %parallel_loop3A_353 : vector<16xf32>
      %parallel_loop3A_357 = arith.constant 0.000000e+00 : f32
      %parallel_loop3A_358 = vector.broadcast %parallel_loop3A_357 : f32 to vector<16xf32>
      %parallel_loop3A_359 = arith.cmpf ogt, %parallel_loop3A_356, %parallel_loop3A_358 : vector<16xf32>
      %parallel_loop3A_360 = arith.constant 1.000000e+00 : f32
      %parallel_loop3A_361 = arith.constant 0.000000e+00 : f32
      %parallel_loop3A_362 = vector.broadcast %parallel_loop3A_360 : f32 to vector<16xf32>
      %parallel_loop3A_363 = vector.broadcast %parallel_loop3A_361 : f32 to vector<16xf32>
      %parallel_loop3A_364 = arith.select %parallel_loop3A_359, %parallel_loop3A_362, %parallel_loop3A_363 : vector<16xi1>, vector<16xf32>
      %parallel_loop3A_365 = arith.constant 2.560000e+02 : f32
      %parallel_loop3A_366 = vector.broadcast %parallel_loop3A_365 : f32 to vector<16xf32>
      %parallel_loop3A_367 = arith.mulf %parallel_loop3A_356, %parallel_loop3A_366 : vector<16xf32>
      %parallel_loop3A_368 = arith.fptosi %parallel_loop3A_367 : vector<16xf32> to vector<16xi32>
      %parallel_loop3A_369 = arith.constant 0 : i32
      %parallel_loop3A_370 = arith.constant 2047 : i32
      %parallel_loop3A_371 = vector.broadcast %parallel_loop3A_369 : i32 to vector<16xi32>
      %parallel_loop3A_372 = arith.maxsi %parallel_loop3A_371, %parallel_loop3A_368 : vector<16xi32>
      %parallel_loop3A_373 = vector.broadcast %parallel_loop3A_370 : i32 to vector<16xi32>
      %parallel_loop3A_374 = arith.minsi %parallel_loop3A_373, %parallel_loop3A_372 : vector<16xi32>
      %parallel_loop3A_375 = arith.constant 2048 : i32
      %parallel_loop3A_376 = vector.broadcast %parallel_loop3A_375 : i32 to vector<16xi32>
      %parallel_loop3A_377 = arith.muli %parallel_loop3A_345, %parallel_loop3A_376 : vector<16xi32>
      %parallel_loop3A_378 = vector.broadcast %mul3A_10 : i32 to vector<16xi32>
      %parallel_loop3A_379 = arith.addi %parallel_loop3A_378, %parallel_loop3A_377 : vector<16xi32>
      %parallel_loop3A_380 = arith.addi %parallel_loop3A_379, %parallel_loop3A_374 : vector<16xi32>
      %parallel_loop3A_381 = arith.constant 16 : i32
      %parallel_loop3A_382 = arith.muli %parallel_loop3A_334, %parallel_loop3A_381 : i32
      %parallel_loop3A_383 = arith.index_cast %parallel_loop3A_382 : i32 to index
      %parallel_loop3A_384 = tpu.vector_load %arg11[%parallel_loop3A_383] {strides = array<i32>} : memref<8192xi32, #tpu.memory_space<vmem>>, vector<16xi32>,
      %parallel_loop3A_385 = vector.shape_cast %parallel_loop3A_384 : vector<16xi32> to vector<16xi32>
      %parallel_loop3A_386 = vector.shape_cast %parallel_loop3A_380 : vector<16xi32> to vector<16xi32>
      tpu.vector_store %arg11[%parallel_loop3A_383], %parallel_loop3A_386 {strides = array<i32>} : memref<8192xi32, #tpu.memory_space<vmem>>, vector<16xi32>,
      %parallel_loop3A_387 = arith.constant 16 : i32
      %parallel_loop3A_388 = arith.muli %parallel_loop3A_334, %parallel_loop3A_387 : i32
      %parallel_loop3A_389 = arith.index_cast %parallel_loop3A_388 : i32 to index
      %parallel_loop3A_390 = tpu.vector_load %arg12[%parallel_loop3A_389] {strides = array<i32>} : memref<8192xf32, #tpu.memory_space<vmem>>, vector<16xf32>,
      %parallel_loop3A_391 = vector.shape_cast %parallel_loop3A_390 : vector<16xf32> to vector<16xf32>
      %parallel_loop3A_392 = vector.shape_cast %parallel_loop3A_364 : vector<16xf32> to vector<16xf32>
      tpu.vector_store %arg12[%parallel_loop3A_389], %parallel_loop3A_392 {strides = array<i32>} : memref<8192xf32, #tpu.memory_space<vmem>>, vector<16xf32>,
      %parallel_loop3A_393 = arith.addf %parallel_loop3A_335, %parallel_loop3A_346 : vector<16xf32>
      scf.yield %parallel_loop3A_393 : vector<16xf32>
    } {sc.loop_unroll_factor = 8 : i64, sc.parallel_access}
    %dma_start3A_71 = arith.constant 0 : i32
    %dma_start3A_72 = tpu.memref_slice %arg6[%dma_start3A_71] : memref<65536xf32, #tpu.memory_space<vmem_shared>> -> memref<65536xf32, #tpu.memory_space<vmem_shared>>
    tpu.enqueue_indirect_dma source(%arg12 : memref<8192xf32, #tpu.memory_space<vmem>>) target(%dma_start3A_72 : memref<65536xf32, #tpu.memory_space<vmem_shared>>) offsets(%arg11 : memref<8192xi32, #tpu.memory_space<vmem>>) semaphore(%arg17 : memref<!tpu.dma_semaphore, #tpu.memory_space<semaphore_mem>>) {add = true}
    %dma_wait3A_73 = tpu.memref_slice %arg2[%add3A_60] : memref<4194304xf32, #tpu.memory_space<hbm>> -> memref<8192xf32, #tpu.memory_space<hbm>>
    %dma_wait3A_74 = tpu.memref_slice %arg2[%add3A_60] : memref<4194304xf32, #tpu.memory_space<hbm>> -> memref<8192xf32, #tpu.memory_space<hbm>>
    tpu.wait_dma2 semaphore(%arg16 : memref<!tpu.dma_semaphore, #tpu.memory_space<semaphore_mem>>) src(%dma_wait3A_74 : memref<8192xf32, #tpu.memory_space<hbm>>) dst(%arg9 : memref<8192xf32, #tpu.memory_space<vmem>>)
    %dma_wait3A_75 = tpu.memref_slice %arg3[%add3A_60] : memref<4194304xi32, #tpu.memory_space<hbm>> -> memref<8192xi32, #tpu.memory_space<hbm>>
    %dma_wait3A_76 = tpu.memref_slice %arg3[%add3A_60] : memref<4194304xi32, #tpu.memory_space<hbm>> -> memref<8192xi32, #tpu.memory_space<hbm>>
    tpu.wait_dma2 semaphore(%arg16 : memref<!tpu.dma_semaphore, #tpu.memory_space<semaphore_mem>>) src(%dma_wait3A_76 : memref<8192xi32, #tpu.memory_space<hbm>>) dst(%arg10 : memref<8192xi32, #tpu.memory_space<vmem>>)
    %mul3A_77 = arith.constant 131072 : i32
    %mul3A_78 = arith.muli %add3A, %mul3A_77 : i32
    %add3A_79 = arith.constant 32768 : i32
    %add3A_80 = arith.addi %mul3A_78, %add3A_79 : i32
    %dma_start3A_81 = tpu.memref_slice %arg2[%add3A_80] : memref<4194304xf32, #tpu.memory_space<hbm>> -> memref<8192xf32, #tpu.memory_space<hbm>>
    %dma_start3A_82 = tpu.memref_slice %arg2[%add3A_80] : memref<4194304xf32, #tpu.memory_space<hbm>> -> memref<8192xf32, #tpu.memory_space<hbm>>
    tpu.enqueue_dma source(%dma_start3A_82 : memref<8192xf32, #tpu.memory_space<hbm>>) target(%arg7 : memref<8192xf32, #tpu.memory_space<vmem>>) target_semaphore(%arg15 : memref<!tpu.dma_semaphore, #tpu.memory_space<semaphore_mem>>)
    %dma_start3A_83 = tpu.memref_slice %arg3[%add3A_80] : memref<4194304xi32, #tpu.memory_space<hbm>> -> memref<8192xi32, #tpu.memory_space<hbm>>
    %dma_start3A_84 = tpu.memref_slice %arg3[%add3A_80] : memref<4194304xi32, #tpu.memory_space<hbm>> -> memref<8192xi32, #tpu.memory_space<hbm>>
    tpu.enqueue_dma source(%dma_start3A_84 : memref<8192xi32, #tpu.memory_space<hbm>>) target(%arg8 : memref<8192xi32, #tpu.memory_space<vmem>>) target_semaphore(%arg15 : memref<!tpu.dma_semaphore, #tpu.memory_space<semaphore_mem>>)
    %dma_wait3A_85 = arith.constant 0 : i32
    %dma_wait3A_86 = tpu.memref_slice %arg6[%dma_wait3A_85] : memref<65536xf32, #tpu.memory_space<vmem_shared>> -> memref<65536xf32, #tpu.memory_space<vmem_shared>>
    tpu.wait_indirect_dma semaphore(%arg18 : memref<!tpu.dma_semaphore, #tpu.memory_space<semaphore_mem>>) src(%arg14 : memref<8192xf32, #tpu.memory_space<vmem>>) dst(%dma_wait3A_86 : memref<65536xf32, #tpu.memory_space<vmem_shared>>)
    %parallel_loop3A_87 = arith.constant 0 : i32
    %parallel_loop3A_88 = arith.constant 512 : i32
    %parallel_loop3A_89 = arith.constant 1 : i32
    %parallel_loop3A_90 = scf.for %parallel_loop3A_334 = %parallel_loop3A_87 to %parallel_loop3A_88 step %parallel_loop3A_89 iter_args(%parallel_loop3A_335 = %parallel_loop3A_70) -> (vector<16xf32>)  : i32 {
      %parallel_loop3A_336 = arith.constant 16 : i32
      %parallel_loop3A_337 = arith.muli %parallel_loop3A_334, %parallel_loop3A_336 : i32
      %parallel_loop3A_338 = arith.index_cast %parallel_loop3A_337 : i32 to index
      %parallel_loop3A_339 = tpu.vector_load %arg9[%parallel_loop3A_338] {strides = array<i32>} : memref<8192xf32, #tpu.memory_space<vmem>>, vector<16xf32>,
      %parallel_loop3A_340 = vector.shape_cast %parallel_loop3A_339 : vector<16xf32> to vector<16xf32>
      %parallel_loop3A_341 = arith.constant 16 : i32
      %parallel_loop3A_342 = arith.muli %parallel_loop3A_334, %parallel_loop3A_341 : i32
      %parallel_loop3A_343 = arith.index_cast %parallel_loop3A_342 : i32 to index
      %parallel_loop3A_344 = tpu.vector_load %arg10[%parallel_loop3A_343] {strides = array<i32>} : memref<8192xi32, #tpu.memory_space<vmem>>, vector<16xi32>,
      %parallel_loop3A_345 = vector.shape_cast %parallel_loop3A_344 : vector<16xi32> to vector<16xi32>
      %parallel_loop3A_346 = arith.sitofp %parallel_loop3A_345 : vector<16xi32> to vector<16xf32>
      %parallel_loop3A_347 = arith.constant 2.000000e+00 : f32
      %parallel_loop3A_348 = vector.broadcast %parallel_loop3A_347 : f32 to vector<16xf32>
      %parallel_loop3A_349 = arith.mulf %parallel_loop3A_348, %parallel_loop3A_346 : vector<16xf32>
      %parallel_loop3A_350 = arith.constant 1.000000e+00 : f32
      %parallel_loop3A_351 = vector.broadcast %parallel_loop3A_350 : f32 to vector<16xf32>
      %parallel_loop3A_352 = arith.subf %parallel_loop3A_349, %parallel_loop3A_351 : vector<16xf32>
      %parallel_loop3A_353 = arith.mulf %parallel_loop3A_340, %parallel_loop3A_352 : vector<16xf32>
      %parallel_loop3A_354 = arith.constant 1.000000e+00 : f32
      %parallel_loop3A_355 = vector.broadcast %parallel_loop3A_354 : f32 to vector<16xf32>
      %parallel_loop3A_356 = arith.subf %parallel_loop3A_355, %parallel_loop3A_353 : vector<16xf32>
      %parallel_loop3A_357 = arith.constant 0.000000e+00 : f32
      %parallel_loop3A_358 = vector.broadcast %parallel_loop3A_357 : f32 to vector<16xf32>
      %parallel_loop3A_359 = arith.cmpf ogt, %parallel_loop3A_356, %parallel_loop3A_358 : vector<16xf32>
      %parallel_loop3A_360 = arith.constant 1.000000e+00 : f32
      %parallel_loop3A_361 = arith.constant 0.000000e+00 : f32
      %parallel_loop3A_362 = vector.broadcast %parallel_loop3A_360 : f32 to vector<16xf32>
      %parallel_loop3A_363 = vector.broadcast %parallel_loop3A_361 : f32 to vector<16xf32>
      %parallel_loop3A_364 = arith.select %parallel_loop3A_359, %parallel_loop3A_362, %parallel_loop3A_363 : vector<16xi1>, vector<16xf32>
      %parallel_loop3A_365 = arith.constant 2.560000e+02 : f32
      %parallel_loop3A_366 = vector.broadcast %parallel_loop3A_365 : f32 to vector<16xf32>
      %parallel_loop3A_367 = arith.mulf %parallel_loop3A_356, %parallel_loop3A_366 : vector<16xf32>
      %parallel_loop3A_368 = arith.fptosi %parallel_loop3A_367 : vector<16xf32> to vector<16xi32>
      %parallel_loop3A_369 = arith.constant 0 : i32
      %parallel_loop3A_370 = arith.constant 2047 : i32
      %parallel_loop3A_371 = vector.broadcast %parallel_loop3A_369 : i32 to vector<16xi32>
      %parallel_loop3A_372 = arith.maxsi %parallel_loop3A_371, %parallel_loop3A_368 : vector<16xi32>
      %parallel_loop3A_373 = vector.broadcast %parallel_loop3A_370 : i32 to vector<16xi32>
      %parallel_loop3A_374 = arith.minsi %parallel_loop3A_373, %parallel_loop3A_372 : vector<16xi32>
      %parallel_loop3A_375 = arith.constant 2048 : i32
      %parallel_loop3A_376 = vector.broadcast %parallel_loop3A_375 : i32 to vector<16xi32>
      %parallel_loop3A_377 = arith.muli %parallel_loop3A_345, %parallel_loop3A_376 : vector<16xi32>
      %parallel_loop3A_378 = vector.broadcast %mul3A_10 : i32 to vector<16xi32>
      %parallel_loop3A_379 = arith.addi %parallel_loop3A_378, %parallel_loop3A_377 : vector<16xi32>
      %parallel_loop3A_380 = arith.addi %parallel_loop3A_379, %parallel_loop3A_374 : vector<16xi32>
      %parallel_loop3A_381 = arith.constant 16 : i32
      %parallel_loop3A_382 = arith.muli %parallel_loop3A_334, %parallel_loop3A_381 : i32
      %parallel_loop3A_383 = arith.index_cast %parallel_loop3A_382 : i32 to index
      %parallel_loop3A_384 = tpu.vector_load %arg13[%parallel_loop3A_383] {strides = array<i32>} : memref<8192xi32, #tpu.memory_space<vmem>>, vector<16xi32>,
      %parallel_loop3A_385 = vector.shape_cast %parallel_loop3A_384 : vector<16xi32> to vector<16xi32>
      %parallel_loop3A_386 = vector.shape_cast %parallel_loop3A_380 : vector<16xi32> to vector<16xi32>
      tpu.vector_store %arg13[%parallel_loop3A_383], %parallel_loop3A_386 {strides = array<i32>} : memref<8192xi32, #tpu.memory_space<vmem>>, vector<16xi32>,
      %parallel_loop3A_387 = arith.constant 16 : i32
      %parallel_loop3A_388 = arith.muli %parallel_loop3A_334, %parallel_loop3A_387 : i32
      %parallel_loop3A_389 = arith.index_cast %parallel_loop3A_388 : i32 to index
      %parallel_loop3A_390 = tpu.vector_load %arg14[%parallel_loop3A_389] {strides = array<i32>} : memref<8192xf32, #tpu.memory_space<vmem>>, vector<16xf32>,
      %parallel_loop3A_391 = vector.shape_cast %parallel_loop3A_390 : vector<16xf32> to vector<16xf32>
      %parallel_loop3A_392 = vector.shape_cast %parallel_loop3A_364 : vector<16xf32> to vector<16xf32>
      tpu.vector_store %arg14[%parallel_loop3A_389], %parallel_loop3A_392 {strides = array<i32>} : memref<8192xf32, #tpu.memory_space<vmem>>, vector<16xf32>,
      %parallel_loop3A_393 = arith.addf %parallel_loop3A_335, %parallel_loop3A_346 : vector<16xf32>
      scf.yield %parallel_loop3A_393 : vector<16xf32>
    } {sc.loop_unroll_factor = 8 : i64, sc.parallel_access}
    %dma_start3A_91 = arith.constant 0 : i32
    %dma_start3A_92 = tpu.memref_slice %arg6[%dma_start3A_91] : memref<65536xf32, #tpu.memory_space<vmem_shared>> -> memref<65536xf32, #tpu.memory_space<vmem_shared>>
    tpu.enqueue_indirect_dma source(%arg14 : memref<8192xf32, #tpu.memory_space<vmem>>) target(%dma_start3A_92 : memref<65536xf32, #tpu.memory_space<vmem_shared>>) offsets(%arg13 : memref<8192xi32, #tpu.memory_space<vmem>>) semaphore(%arg18 : memref<!tpu.dma_semaphore, #tpu.memory_space<semaphore_mem>>) {add = true}
    %dma_wait3A_93 = tpu.memref_slice %arg2[%add3A_80] : memref<4194304xf32, #tpu.memory_space<hbm>> -> memref<8192xf32, #tpu.memory_space<hbm>>
    %dma_wait3A_94 = tpu.memref_slice %arg2[%add3A_80] : memref<4194304xf32, #tpu.memory_space<hbm>> -> memref<8192xf32, #tpu.memory_space<hbm>>
    tpu.wait_dma2 semaphore(%arg15 : memref<!tpu.dma_semaphore, #tpu.memory_space<semaphore_mem>>) src(%dma_wait3A_94 : memref<8192xf32, #tpu.memory_space<hbm>>) dst(%arg7 : memref<8192xf32, #tpu.memory_space<vmem>>)
    %dma_wait3A_95 = tpu.memref_slice %arg3[%add3A_80] : memref<4194304xi32, #tpu.memory_space<hbm>> -> memref<8192xi32, #tpu.memory_space<hbm>>
    %dma_wait3A_96 = tpu.memref_slice %arg3[%add3A_80] : memref<4194304xi32, #tpu.memory_space<hbm>> -> memref<8192xi32, #tpu.memory_space<hbm>>
    tpu.wait_dma2 semaphore(%arg15 : memref<!tpu.dma_semaphore, #tpu.memory_space<semaphore_mem>>) src(%dma_wait3A_96 : memref<8192xi32, #tpu.memory_space<hbm>>) dst(%arg8 : memref<8192xi32, #tpu.memory_space<vmem>>)
    %mul3A_97 = arith.constant 131072 : i32
    %mul3A_98 = arith.muli %add3A, %mul3A_97 : i32
    %add3A_99 = arith.constant 40960 : i32
    %add3A_100 = arith.addi %mul3A_98, %add3A_99 : i32
    %dma_start3A_101 = tpu.memref_slice %arg2[%add3A_100] : memref<4194304xf32, #tpu.memory_space<hbm>> -> memref<8192xf32, #tpu.memory_space<hbm>>
    %dma_start3A_102 = tpu.memref_slice %arg2[%add3A_100] : memref<4194304xf32, #tpu.memory_space<hbm>> -> memref<8192xf32, #tpu.memory_space<hbm>>
    tpu.enqueue_dma source(%dma_start3A_102 : memref<8192xf32, #tpu.memory_space<hbm>>) target(%arg9 : memref<8192xf32, #tpu.memory_space<vmem>>) target_semaphore(%arg16 : memref<!tpu.dma_semaphore, #tpu.memory_space<semaphore_mem>>)
    %dma_start3A_103 = tpu.memref_slice %arg3[%add3A_100] : memref<4194304xi32, #tpu.memory_space<hbm>> -> memref<8192xi32, #tpu.memory_space<hbm>>
    %dma_start3A_104 = tpu.memref_slice %arg3[%add3A_100] : memref<4194304xi32, #tpu.memory_space<hbm>> -> memref<8192xi32, #tpu.memory_space<hbm>>
    tpu.enqueue_dma source(%dma_start3A_104 : memref<8192xi32, #tpu.memory_space<hbm>>) target(%arg10 : memref<8192xi32, #tpu.memory_space<vmem>>) target_semaphore(%arg16 : memref<!tpu.dma_semaphore, #tpu.memory_space<semaphore_mem>>)
    %dma_wait3A_105 = arith.constant 0 : i32
    %dma_wait3A_106 = tpu.memref_slice %arg6[%dma_wait3A_105] : memref<65536xf32, #tpu.memory_space<vmem_shared>> -> memref<65536xf32, #tpu.memory_space<vmem_shared>>
    tpu.wait_indirect_dma semaphore(%arg17 : memref<!tpu.dma_semaphore, #tpu.memory_space<semaphore_mem>>) src(%arg12 : memref<8192xf32, #tpu.memory_space<vmem>>) dst(%dma_wait3A_106 : memref<65536xf32, #tpu.memory_space<vmem_shared>>)
    %parallel_loop3A_107 = arith.constant 0 : i32
    %parallel_loop3A_108 = arith.constant 512 : i32
    %parallel_loop3A_109 = arith.constant 1 : i32
    %parallel_loop3A_110 = scf.for %parallel_loop3A_334 = %parallel_loop3A_107 to %parallel_loop3A_108 step %parallel_loop3A_109 iter_args(%parallel_loop3A_335 = %parallel_loop3A_90) -> (vector<16xf32>)  : i32 {
      %parallel_loop3A_336 = arith.constant 16 : i32
      %parallel_loop3A_337 = arith.muli %parallel_loop3A_334, %parallel_loop3A_336 : i32
      %parallel_loop3A_338 = arith.index_cast %parallel_loop3A_337 : i32 to index
      %parallel_loop3A_339 = tpu.vector_load %arg7[%parallel_loop3A_338] {strides = array<i32>} : memref<8192xf32, #tpu.memory_space<vmem>>, vector<16xf32>,
      %parallel_loop3A_340 = vector.shape_cast %parallel_loop3A_339 : vector<16xf32> to vector<16xf32>
      %parallel_loop3A_341 = arith.constant 16 : i32
      %parallel_loop3A_342 = arith.muli %parallel_loop3A_334, %parallel_loop3A_341 : i32
      %parallel_loop3A_343 = arith.index_cast %parallel_loop3A_342 : i32 to index
      %parallel_loop3A_344 = tpu.vector_load %arg8[%parallel_loop3A_343] {strides = array<i32>} : memref<8192xi32, #tpu.memory_space<vmem>>, vector<16xi32>,
      %parallel_loop3A_345 = vector.shape_cast %parallel_loop3A_344 : vector<16xi32> to vector<16xi32>
      %parallel_loop3A_346 = arith.sitofp %parallel_loop3A_345 : vector<16xi32> to vector<16xf32>
      %parallel_loop3A_347 = arith.constant 2.000000e+00 : f32
      %parallel_loop3A_348 = vector.broadcast %parallel_loop3A_347 : f32 to vector<16xf32>
      %parallel_loop3A_349 = arith.mulf %parallel_loop3A_348, %parallel_loop3A_346 : vector<16xf32>
      %parallel_loop3A_350 = arith.constant 1.000000e+00 : f32
      %parallel_loop3A_351 = vector.broadcast %parallel_loop3A_350 : f32 to vector<16xf32>
      %parallel_loop3A_352 = arith.subf %parallel_loop3A_349, %parallel_loop3A_351 : vector<16xf32>
      %parallel_loop3A_353 = arith.mulf %parallel_loop3A_340, %parallel_loop3A_352 : vector<16xf32>
      %parallel_loop3A_354 = arith.constant 1.000000e+00 : f32
      %parallel_loop3A_355 = vector.broadcast %parallel_loop3A_354 : f32 to vector<16xf32>
      %parallel_loop3A_356 = arith.subf %parallel_loop3A_355, %parallel_loop3A_353 : vector<16xf32>
      %parallel_loop3A_357 = arith.constant 0.000000e+00 : f32
      %parallel_loop3A_358 = vector.broadcast %parallel_loop3A_357 : f32 to vector<16xf32>
      %parallel_loop3A_359 = arith.cmpf ogt, %parallel_loop3A_356, %parallel_loop3A_358 : vector<16xf32>
      %parallel_loop3A_360 = arith.constant 1.000000e+00 : f32
      %parallel_loop3A_361 = arith.constant 0.000000e+00 : f32
      %parallel_loop3A_362 = vector.broadcast %parallel_loop3A_360 : f32 to vector<16xf32>
      %parallel_loop3A_363 = vector.broadcast %parallel_loop3A_361 : f32 to vector<16xf32>
      %parallel_loop3A_364 = arith.select %parallel_loop3A_359, %parallel_loop3A_362, %parallel_loop3A_363 : vector<16xi1>, vector<16xf32>
      %parallel_loop3A_365 = arith.constant 2.560000e+02 : f32
      %parallel_loop3A_366 = vector.broadcast %parallel_loop3A_365 : f32 to vector<16xf32>
      %parallel_loop3A_367 = arith.mulf %parallel_loop3A_356, %parallel_loop3A_366 : vector<16xf32>
      %parallel_loop3A_368 = arith.fptosi %parallel_loop3A_367 : vector<16xf32> to vector<16xi32>
      %parallel_loop3A_369 = arith.constant 0 : i32
      %parallel_loop3A_370 = arith.constant 2047 : i32
      %parallel_loop3A_371 = vector.broadcast %parallel_loop3A_369 : i32 to vector<16xi32>
      %parallel_loop3A_372 = arith.maxsi %parallel_loop3A_371, %parallel_loop3A_368 : vector<16xi32>
      %parallel_loop3A_373 = vector.broadcast %parallel_loop3A_370 : i32 to vector<16xi32>
      %parallel_loop3A_374 = arith.minsi %parallel_loop3A_373, %parallel_loop3A_372 : vector<16xi32>
      %parallel_loop3A_375 = arith.constant 2048 : i32
      %parallel_loop3A_376 = vector.broadcast %parallel_loop3A_375 : i32 to vector<16xi32>
      %parallel_loop3A_377 = arith.muli %parallel_loop3A_345, %parallel_loop3A_376 : vector<16xi32>
      %parallel_loop3A_378 = vector.broadcast %mul3A_10 : i32 to vector<16xi32>
      %parallel_loop3A_379 = arith.addi %parallel_loop3A_378, %parallel_loop3A_377 : vector<16xi32>
      %parallel_loop3A_380 = arith.addi %parallel_loop3A_379, %parallel_loop3A_374 : vector<16xi32>
      %parallel_loop3A_381 = arith.constant 16 : i32
      %parallel_loop3A_382 = arith.muli %parallel_loop3A_334, %parallel_loop3A_381 : i32
      %parallel_loop3A_383 = arith.index_cast %parallel_loop3A_382 : i32 to index
      %parallel_loop3A_384 = tpu.vector_load %arg11[%parallel_loop3A_383] {strides = array<i32>} : memref<8192xi32, #tpu.memory_space<vmem>>, vector<16xi32>,
      %parallel_loop3A_385 = vector.shape_cast %parallel_loop3A_384 : vector<16xi32> to vector<16xi32>
      %parallel_loop3A_386 = vector.shape_cast %parallel_loop3A_380 : vector<16xi32> to vector<16xi32>
      tpu.vector_store %arg11[%parallel_loop3A_383], %parallel_loop3A_386 {strides = array<i32>} : memref<8192xi32, #tpu.memory_space<vmem>>, vector<16xi32>,
      %parallel_loop3A_387 = arith.constant 16 : i32
      %parallel_loop3A_388 = arith.muli %parallel_loop3A_334, %parallel_loop3A_387 : i32
      %parallel_loop3A_389 = arith.index_cast %parallel_loop3A_388 : i32 to index
      %parallel_loop3A_390 = tpu.vector_load %arg12[%parallel_loop3A_389] {strides = array<i32>} : memref<8192xf32, #tpu.memory_space<vmem>>, vector<16xf32>,
      %parallel_loop3A_391 = vector.shape_cast %parallel_loop3A_390 : vector<16xf32> to vector<16xf32>
      %parallel_loop3A_392 = vector.shape_cast %parallel_loop3A_364 : vector<16xf32> to vector<16xf32>
      tpu.vector_store %arg12[%parallel_loop3A_389], %parallel_loop3A_392 {strides = array<i32>} : memref<8192xf32, #tpu.memory_space<vmem>>, vector<16xf32>,
      %parallel_loop3A_393 = arith.addf %parallel_loop3A_335, %parallel_loop3A_346 : vector<16xf32>
      scf.yield %parallel_loop3A_393 : vector<16xf32>
    } {sc.loop_unroll_factor = 8 : i64, sc.parallel_access}
    %dma_start3A_111 = arith.constant 0 : i32
    %dma_start3A_112 = tpu.memref_slice %arg6[%dma_start3A_111] : memref<65536xf32, #tpu.memory_space<vmem_shared>> -> memref<65536xf32, #tpu.memory_space<vmem_shared>>
    tpu.enqueue_indirect_dma source(%arg12 : memref<8192xf32, #tpu.memory_space<vmem>>) target(%dma_start3A_112 : memref<65536xf32, #tpu.memory_space<vmem_shared>>) offsets(%arg11 : memref<8192xi32, #tpu.memory_space<vmem>>) semaphore(%arg17 : memref<!tpu.dma_semaphore, #tpu.memory_space<semaphore_mem>>) {add = true}
    %dma_wait3A_113 = tpu.memref_slice %arg2[%add3A_100] : memref<4194304xf32, #tpu.memory_space<hbm>> -> memref<8192xf32, #tpu.memory_space<hbm>>
    %dma_wait3A_114 = tpu.memref_slice %arg2[%add3A_100] : memref<4194304xf32, #tpu.memory_space<hbm>> -> memref<8192xf32, #tpu.memory_space<hbm>>
    tpu.wait_dma2 semaphore(%arg16 : memref<!tpu.dma_semaphore, #tpu.memory_space<semaphore_mem>>) src(%dma_wait3A_114 : memref<8192xf32, #tpu.memory_space<hbm>>) dst(%arg9 : memref<8192xf32, #tpu.memory_space<vmem>>)
    %dma_wait3A_115 = tpu.memref_slice %arg3[%add3A_100] : memref<4194304xi32, #tpu.memory_space<hbm>> -> memref<8192xi32, #tpu.memory_space<hbm>>
    %dma_wait3A_116 = tpu.memref_slice %arg3[%add3A_100] : memref<4194304xi32, #tpu.memory_space<hbm>> -> memref<8192xi32, #tpu.memory_space<hbm>>
    tpu.wait_dma2 semaphore(%arg16 : memref<!tpu.dma_semaphore, #tpu.memory_space<semaphore_mem>>) src(%dma_wait3A_116 : memref<8192xi32, #tpu.memory_space<hbm>>) dst(%arg10 : memref<8192xi32, #tpu.memory_space<vmem>>)
    %mul3A_117 = arith.constant 131072 : i32
    %mul3A_118 = arith.muli %add3A, %mul3A_117 : i32
    %add3A_119 = arith.constant 49152 : i32
    %add3A_120 = arith.addi %mul3A_118, %add3A_119 : i32
    %dma_start3A_121 = tpu.memref_slice %arg2[%add3A_120] : memref<4194304xf32, #tpu.memory_space<hbm>> -> memref<8192xf32, #tpu.memory_space<hbm>>
    %dma_start3A_122 = tpu.memref_slice %arg2[%add3A_120] : memref<4194304xf32, #tpu.memory_space<hbm>> -> memref<8192xf32, #tpu.memory_space<hbm>>
    tpu.enqueue_dma source(%dma_start3A_122 : memref<8192xf32, #tpu.memory_space<hbm>>) target(%arg7 : memref<8192xf32, #tpu.memory_space<vmem>>) target_semaphore(%arg15 : memref<!tpu.dma_semaphore, #tpu.memory_space<semaphore_mem>>)
    %dma_start3A_123 = tpu.memref_slice %arg3[%add3A_120] : memref<4194304xi32, #tpu.memory_space<hbm>> -> memref<8192xi32, #tpu.memory_space<hbm>>
    %dma_start3A_124 = tpu.memref_slice %arg3[%add3A_120] : memref<4194304xi32, #tpu.memory_space<hbm>> -> memref<8192xi32, #tpu.memory_space<hbm>>
    tpu.enqueue_dma source(%dma_start3A_124 : memref<8192xi32, #tpu.memory_space<hbm>>) target(%arg8 : memref<8192xi32, #tpu.memory_space<vmem>>) target_semaphore(%arg15 : memref<!tpu.dma_semaphore, #tpu.memory_space<semaphore_mem>>)
    %dma_wait3A_125 = arith.constant 0 : i32
    %dma_wait3A_126 = tpu.memref_slice %arg6[%dma_wait3A_125] : memref<65536xf32, #tpu.memory_space<vmem_shared>> -> memref<65536xf32, #tpu.memory_space<vmem_shared>>
    tpu.wait_indirect_dma semaphore(%arg18 : memref<!tpu.dma_semaphore, #tpu.memory_space<semaphore_mem>>) src(%arg14 : memref<8192xf32, #tpu.memory_space<vmem>>) dst(%dma_wait3A_126 : memref<65536xf32, #tpu.memory_space<vmem_shared>>)
    %parallel_loop3A_127 = arith.constant 0 : i32
    %parallel_loop3A_128 = arith.constant 512 : i32
    %parallel_loop3A_129 = arith.constant 1 : i32
    %parallel_loop3A_130 = scf.for %parallel_loop3A_334 = %parallel_loop3A_127 to %parallel_loop3A_128 step %parallel_loop3A_129 iter_args(%parallel_loop3A_335 = %parallel_loop3A_110) -> (vector<16xf32>)  : i32 {
      %parallel_loop3A_336 = arith.constant 16 : i32
      %parallel_loop3A_337 = arith.muli %parallel_loop3A_334, %parallel_loop3A_336 : i32
      %parallel_loop3A_338 = arith.index_cast %parallel_loop3A_337 : i32 to index
      %parallel_loop3A_339 = tpu.vector_load %arg9[%parallel_loop3A_338] {strides = array<i32>} : memref<8192xf32, #tpu.memory_space<vmem>>, vector<16xf32>,
      %parallel_loop3A_340 = vector.shape_cast %parallel_loop3A_339 : vector<16xf32> to vector<16xf32>
      %parallel_loop3A_341 = arith.constant 16 : i32
      %parallel_loop3A_342 = arith.muli %parallel_loop3A_334, %parallel_loop3A_341 : i32
      %parallel_loop3A_343 = arith.index_cast %parallel_loop3A_342 : i32 to index
      %parallel_loop3A_344 = tpu.vector_load %arg10[%parallel_loop3A_343] {strides = array<i32>} : memref<8192xi32, #tpu.memory_space<vmem>>, vector<16xi32>,
      %parallel_loop3A_345 = vector.shape_cast %parallel_loop3A_344 : vector<16xi32> to vector<16xi32>
      %parallel_loop3A_346 = arith.sitofp %parallel_loop3A_345 : vector<16xi32> to vector<16xf32>
      %parallel_loop3A_347 = arith.constant 2.000000e+00 : f32
      %parallel_loop3A_348 = vector.broadcast %parallel_loop3A_347 : f32 to vector<16xf32>
      %parallel_loop3A_349 = arith.mulf %parallel_loop3A_348, %parallel_loop3A_346 : vector<16xf32>
      %parallel_loop3A_350 = arith.constant 1.000000e+00 : f32
      %parallel_loop3A_351 = vector.broadcast %parallel_loop3A_350 : f32 to vector<16xf32>
      %parallel_loop3A_352 = arith.subf %parallel_loop3A_349, %parallel_loop3A_351 : vector<16xf32>
      %parallel_loop3A_353 = arith.mulf %parallel_loop3A_340, %parallel_loop3A_352 : vector<16xf32>
      %parallel_loop3A_354 = arith.constant 1.000000e+00 : f32
      %parallel_loop3A_355 = vector.broadcast %parallel_loop3A_354 : f32 to vector<16xf32>
      %parallel_loop3A_356 = arith.subf %parallel_loop3A_355, %parallel_loop3A_353 : vector<16xf32>
      %parallel_loop3A_357 = arith.constant 0.000000e+00 : f32
      %parallel_loop3A_358 = vector.broadcast %parallel_loop3A_357 : f32 to vector<16xf32>
      %parallel_loop3A_359 = arith.cmpf ogt, %parallel_loop3A_356, %parallel_loop3A_358 : vector<16xf32>
      %parallel_loop3A_360 = arith.constant 1.000000e+00 : f32
      %parallel_loop3A_361 = arith.constant 0.000000e+00 : f32
      %parallel_loop3A_362 = vector.broadcast %parallel_loop3A_360 : f32 to vector<16xf32>
      %parallel_loop3A_363 = vector.broadcast %parallel_loop3A_361 : f32 to vector<16xf32>
      %parallel_loop3A_364 = arith.select %parallel_loop3A_359, %parallel_loop3A_362, %parallel_loop3A_363 : vector<16xi1>, vector<16xf32>
      %parallel_loop3A_365 = arith.constant 2.560000e+02 : f32
      %parallel_loop3A_366 = vector.broadcast %parallel_loop3A_365 : f32 to vector<16xf32>
      %parallel_loop3A_367 = arith.mulf %parallel_loop3A_356, %parallel_loop3A_366 : vector<16xf32>
      %parallel_loop3A_368 = arith.fptosi %parallel_loop3A_367 : vector<16xf32> to vector<16xi32>
      %parallel_loop3A_369 = arith.constant 0 : i32
      %parallel_loop3A_370 = arith.constant 2047 : i32
      %parallel_loop3A_371 = vector.broadcast %parallel_loop3A_369 : i32 to vector<16xi32>
      %parallel_loop3A_372 = arith.maxsi %parallel_loop3A_371, %parallel_loop3A_368 : vector<16xi32>
      %parallel_loop3A_373 = vector.broadcast %parallel_loop3A_370 : i32 to vector<16xi32>
      %parallel_loop3A_374 = arith.minsi %parallel_loop3A_373, %parallel_loop3A_372 : vector<16xi32>
      %parallel_loop3A_375 = arith.constant 2048 : i32
      %parallel_loop3A_376 = vector.broadcast %parallel_loop3A_375 : i32 to vector<16xi32>
      %parallel_loop3A_377 = arith.muli %parallel_loop3A_345, %parallel_loop3A_376 : vector<16xi32>
      %parallel_loop3A_378 = vector.broadcast %mul3A_10 : i32 to vector<16xi32>
      %parallel_loop3A_379 = arith.addi %parallel_loop3A_378, %parallel_loop3A_377 : vector<16xi32>
      %parallel_loop3A_380 = arith.addi %parallel_loop3A_379, %parallel_loop3A_374 : vector<16xi32>
      %parallel_loop3A_381 = arith.constant 16 : i32
      %parallel_loop3A_382 = arith.muli %parallel_loop3A_334, %parallel_loop3A_381 : i32
      %parallel_loop3A_383 = arith.index_cast %parallel_loop3A_382 : i32 to index
      %parallel_loop3A_384 = tpu.vector_load %arg13[%parallel_loop3A_383] {strides = array<i32>} : memref<8192xi32, #tpu.memory_space<vmem>>, vector<16xi32>,
      %parallel_loop3A_385 = vector.shape_cast %parallel_loop3A_384 : vector<16xi32> to vector<16xi32>
      %parallel_loop3A_386 = vector.shape_cast %parallel_loop3A_380 : vector<16xi32> to vector<16xi32>
      tpu.vector_store %arg13[%parallel_loop3A_383], %parallel_loop3A_386 {strides = array<i32>} : memref<8192xi32, #tpu.memory_space<vmem>>, vector<16xi32>,
      %parallel_loop3A_387 = arith.constant 16 : i32
      %parallel_loop3A_388 = arith.muli %parallel_loop3A_334, %parallel_loop3A_387 : i32
      %parallel_loop3A_389 = arith.index_cast %parallel_loop3A_388 : i32 to index
      %parallel_loop3A_390 = tpu.vector_load %arg14[%parallel_loop3A_389] {strides = array<i32>} : memref<8192xf32, #tpu.memory_space<vmem>>, vector<16xf32>,
      %parallel_loop3A_391 = vector.shape_cast %parallel_loop3A_390 : vector<16xf32> to vector<16xf32>
      %parallel_loop3A_392 = vector.shape_cast %parallel_loop3A_364 : vector<16xf32> to vector<16xf32>
      tpu.vector_store %arg14[%parallel_loop3A_389], %parallel_loop3A_392 {strides = array<i32>} : memref<8192xf32, #tpu.memory_space<vmem>>, vector<16xf32>,
      %parallel_loop3A_393 = arith.addf %parallel_loop3A_335, %parallel_loop3A_346 : vector<16xf32>
      scf.yield %parallel_loop3A_393 : vector<16xf32>
    } {sc.loop_unroll_factor = 8 : i64, sc.parallel_access}
    %dma_start3A_131 = arith.constant 0 : i32
    %dma_start3A_132 = tpu.memref_slice %arg6[%dma_start3A_131] : memref<65536xf32, #tpu.memory_space<vmem_shared>> -> memref<65536xf32, #tpu.memory_space<vmem_shared>>
    tpu.enqueue_indirect_dma source(%arg14 : memref<8192xf32, #tpu.memory_space<vmem>>) target(%dma_start3A_132 : memref<65536xf32, #tpu.memory_space<vmem_shared>>) offsets(%arg13 : memref<8192xi32, #tpu.memory_space<vmem>>) semaphore(%arg18 : memref<!tpu.dma_semaphore, #tpu.memory_space<semaphore_mem>>) {add = true}
    %dma_wait3A_133 = tpu.memref_slice %arg2[%add3A_120] : memref<4194304xf32, #tpu.memory_space<hbm>> -> memref<8192xf32, #tpu.memory_space<hbm>>
    %dma_wait3A_134 = tpu.memref_slice %arg2[%add3A_120] : memref<4194304xf32, #tpu.memory_space<hbm>> -> memref<8192xf32, #tpu.memory_space<hbm>>
    tpu.wait_dma2 semaphore(%arg15 : memref<!tpu.dma_semaphore, #tpu.memory_space<semaphore_mem>>) src(%dma_wait3A_134 : memref<8192xf32, #tpu.memory_space<hbm>>) dst(%arg7 : memref<8192xf32, #tpu.memory_space<vmem>>)
    %dma_wait3A_135 = tpu.memref_slice %arg3[%add3A_120] : memref<4194304xi32, #tpu.memory_space<hbm>> -> memref<8192xi32, #tpu.memory_space<hbm>>
    %dma_wait3A_136 = tpu.memref_slice %arg3[%add3A_120] : memref<4194304xi32, #tpu.memory_space<hbm>> -> memref<8192xi32, #tpu.memory_space<hbm>>
    tpu.wait_dma2 semaphore(%arg15 : memref<!tpu.dma_semaphore, #tpu.memory_space<semaphore_mem>>) src(%dma_wait3A_136 : memref<8192xi32, #tpu.memory_space<hbm>>) dst(%arg8 : memref<8192xi32, #tpu.memory_space<vmem>>)
    %mul3A_137 = arith.constant 131072 : i32
    %mul3A_138 = arith.muli %add3A, %mul3A_137 : i32
    %add3A_139 = arith.constant 57344 : i32
    %add3A_140 = arith.addi %mul3A_138, %add3A_139 : i32
    %dma_start3A_141 = tpu.memref_slice %arg2[%add3A_140] : memref<4194304xf32, #tpu.memory_space<hbm>> -> memref<8192xf32, #tpu.memory_space<hbm>>
    %dma_start3A_142 = tpu.memref_slice %arg2[%add3A_140] : memref<4194304xf32, #tpu.memory_space<hbm>> -> memref<8192xf32, #tpu.memory_space<hbm>>
    tpu.enqueue_dma source(%dma_start3A_142 : memref<8192xf32, #tpu.memory_space<hbm>>) target(%arg9 : memref<8192xf32, #tpu.memory_space<vmem>>) target_semaphore(%arg16 : memref<!tpu.dma_semaphore, #tpu.memory_space<semaphore_mem>>)
    %dma_start3A_143 = tpu.memref_slice %arg3[%add3A_140] : memref<4194304xi32, #tpu.memory_space<hbm>> -> memref<8192xi32, #tpu.memory_space<hbm>>
    %dma_start3A_144 = tpu.memref_slice %arg3[%add3A_140] : memref<4194304xi32, #tpu.memory_space<hbm>> -> memref<8192xi32, #tpu.memory_space<hbm>>
    tpu.enqueue_dma source(%dma_start3A_144 : memref<8192xi32, #tpu.memory_space<hbm>>) target(%arg10 : memref<8192xi32, #tpu.memory_space<vmem>>) target_semaphore(%arg16 : memref<!tpu.dma_semaphore, #tpu.memory_space<semaphore_mem>>)
    %dma_wait3A_145 = arith.constant 0 : i32
    %dma_wait3A_146 = tpu.memref_slice %arg6[%dma_wait3A_145] : memref<65536xf32, #tpu.memory_space<vmem_shared>> -> memref<65536xf32, #tpu.memory_space<vmem_shared>>
    tpu.wait_indirect_dma semaphore(%arg17 : memref<!tpu.dma_semaphore, #tpu.memory_space<semaphore_mem>>) src(%arg12 : memref<8192xf32, #tpu.memory_space<vmem>>) dst(%dma_wait3A_146 : memref<65536xf32, #tpu.memory_space<vmem_shared>>)
    %parallel_loop3A_147 = arith.constant 0 : i32
    %parallel_loop3A_148 = arith.constant 512 : i32
    %parallel_loop3A_149 = arith.constant 1 : i32
    %parallel_loop3A_150 = scf.for %parallel_loop3A_334 = %parallel_loop3A_147 to %parallel_loop3A_148 step %parallel_loop3A_149 iter_args(%parallel_loop3A_335 = %parallel_loop3A_130) -> (vector<16xf32>)  : i32 {
      %parallel_loop3A_336 = arith.constant 16 : i32
      %parallel_loop3A_337 = arith.muli %parallel_loop3A_334, %parallel_loop3A_336 : i32
      %parallel_loop3A_338 = arith.index_cast %parallel_loop3A_337 : i32 to index
      %parallel_loop3A_339 = tpu.vector_load %arg7[%parallel_loop3A_338] {strides = array<i32>} : memref<8192xf32, #tpu.memory_space<vmem>>, vector<16xf32>,
      %parallel_loop3A_340 = vector.shape_cast %parallel_loop3A_339 : vector<16xf32> to vector<16xf32>
      %parallel_loop3A_341 = arith.constant 16 : i32
      %parallel_loop3A_342 = arith.muli %parallel_loop3A_334, %parallel_loop3A_341 : i32
      %parallel_loop3A_343 = arith.index_cast %parallel_loop3A_342 : i32 to index
      %parallel_loop3A_344 = tpu.vector_load %arg8[%parallel_loop3A_343] {strides = array<i32>} : memref<8192xi32, #tpu.memory_space<vmem>>, vector<16xi32>,
      %parallel_loop3A_345 = vector.shape_cast %parallel_loop3A_344 : vector<16xi32> to vector<16xi32>
      %parallel_loop3A_346 = arith.sitofp %parallel_loop3A_345 : vector<16xi32> to vector<16xf32>
      %parallel_loop3A_347 = arith.constant 2.000000e+00 : f32
      %parallel_loop3A_348 = vector.broadcast %parallel_loop3A_347 : f32 to vector<16xf32>
      %parallel_loop3A_349 = arith.mulf %parallel_loop3A_348, %parallel_loop3A_346 : vector<16xf32>
      %parallel_loop3A_350 = arith.constant 1.000000e+00 : f32
      %parallel_loop3A_351 = vector.broadcast %parallel_loop3A_350 : f32 to vector<16xf32>
      %parallel_loop3A_352 = arith.subf %parallel_loop3A_349, %parallel_loop3A_351 : vector<16xf32>
      %parallel_loop3A_353 = arith.mulf %parallel_loop3A_340, %parallel_loop3A_352 : vector<16xf32>
      %parallel_loop3A_354 = arith.constant 1.000000e+00 : f32
      %parallel_loop3A_355 = vector.broadcast %parallel_loop3A_354 : f32 to vector<16xf32>
      %parallel_loop3A_356 = arith.subf %parallel_loop3A_355, %parallel_loop3A_353 : vector<16xf32>
      %parallel_loop3A_357 = arith.constant 0.000000e+00 : f32
      %parallel_loop3A_358 = vector.broadcast %parallel_loop3A_357 : f32 to vector<16xf32>
      %parallel_loop3A_359 = arith.cmpf ogt, %parallel_loop3A_356, %parallel_loop3A_358 : vector<16xf32>
      %parallel_loop3A_360 = arith.constant 1.000000e+00 : f32
      %parallel_loop3A_361 = arith.constant 0.000000e+00 : f32
      %parallel_loop3A_362 = vector.broadcast %parallel_loop3A_360 : f32 to vector<16xf32>
      %parallel_loop3A_363 = vector.broadcast %parallel_loop3A_361 : f32 to vector<16xf32>
      %parallel_loop3A_364 = arith.select %parallel_loop3A_359, %parallel_loop3A_362, %parallel_loop3A_363 : vector<16xi1>, vector<16xf32>
      %parallel_loop3A_365 = arith.constant 2.560000e+02 : f32
      %parallel_loop3A_366 = vector.broadcast %parallel_loop3A_365 : f32 to vector<16xf32>
      %parallel_loop3A_367 = arith.mulf %parallel_loop3A_356, %parallel_loop3A_366 : vector<16xf32>
      %parallel_loop3A_368 = arith.fptosi %parallel_loop3A_367 : vector<16xf32> to vector<16xi32>
      %parallel_loop3A_369 = arith.constant 0 : i32
      %parallel_loop3A_370 = arith.constant 2047 : i32
      %parallel_loop3A_371 = vector.broadcast %parallel_loop3A_369 : i32 to vector<16xi32>
      %parallel_loop3A_372 = arith.maxsi %parallel_loop3A_371, %parallel_loop3A_368 : vector<16xi32>
      %parallel_loop3A_373 = vector.broadcast %parallel_loop3A_370 : i32 to vector<16xi32>
      %parallel_loop3A_374 = arith.minsi %parallel_loop3A_373, %parallel_loop3A_372 : vector<16xi32>
      %parallel_loop3A_375 = arith.constant 2048 : i32
      %parallel_loop3A_376 = vector.broadcast %parallel_loop3A_375 : i32 to vector<16xi32>
      %parallel_loop3A_377 = arith.muli %parallel_loop3A_345, %parallel_loop3A_376 : vector<16xi32>
      %parallel_loop3A_378 = vector.broadcast %mul3A_10 : i32 to vector<16xi32>
      %parallel_loop3A_379 = arith.addi %parallel_loop3A_378, %parallel_loop3A_377 : vector<16xi32>
      %parallel_loop3A_380 = arith.addi %parallel_loop3A_379, %parallel_loop3A_374 : vector<16xi32>
      %parallel_loop3A_381 = arith.constant 16 : i32
      %parallel_loop3A_382 = arith.muli %parallel_loop3A_334, %parallel_loop3A_381 : i32
      %parallel_loop3A_383 = arith.index_cast %parallel_loop3A_382 : i32 to index
      %parallel_loop3A_384 = tpu.vector_load %arg11[%parallel_loop3A_383] {strides = array<i32>} : memref<8192xi32, #tpu.memory_space<vmem>>, vector<16xi32>,
      %parallel_loop3A_385 = vector.shape_cast %parallel_loop3A_384 : vector<16xi32> to vector<16xi32>
      %parallel_loop3A_386 = vector.shape_cast %parallel_loop3A_380 : vector<16xi32> to vector<16xi32>
      tpu.vector_store %arg11[%parallel_loop3A_383], %parallel_loop3A_386 {strides = array<i32>} : memref<8192xi32, #tpu.memory_space<vmem>>, vector<16xi32>,
      %parallel_loop3A_387 = arith.constant 16 : i32
      %parallel_loop3A_388 = arith.muli %parallel_loop3A_334, %parallel_loop3A_387 : i32
      %parallel_loop3A_389 = arith.index_cast %parallel_loop3A_388 : i32 to index
      %parallel_loop3A_390 = tpu.vector_load %arg12[%parallel_loop3A_389] {strides = array<i32>} : memref<8192xf32, #tpu.memory_space<vmem>>, vector<16xf32>,
      %parallel_loop3A_391 = vector.shape_cast %parallel_loop3A_390 : vector<16xf32> to vector<16xf32>
      %parallel_loop3A_392 = vector.shape_cast %parallel_loop3A_364 : vector<16xf32> to vector<16xf32>
      tpu.vector_store %arg12[%parallel_loop3A_389], %parallel_loop3A_392 {strides = array<i32>} : memref<8192xf32, #tpu.memory_space<vmem>>, vector<16xf32>,
      %parallel_loop3A_393 = arith.addf %parallel_loop3A_335, %parallel_loop3A_346 : vector<16xf32>
      scf.yield %parallel_loop3A_393 : vector<16xf32>
    } {sc.loop_unroll_factor = 8 : i64, sc.parallel_access}
    %dma_start3A_151 = arith.constant 0 : i32
    %dma_start3A_152 = tpu.memref_slice %arg6[%dma_start3A_151] : memref<65536xf32, #tpu.memory_space<vmem_shared>> -> memref<65536xf32, #tpu.memory_space<vmem_shared>>
    tpu.enqueue_indirect_dma source(%arg12 : memref<8192xf32, #tpu.memory_space<vmem>>) target(%dma_start3A_152 : memref<65536xf32, #tpu.memory_space<vmem_shared>>) offsets(%arg11 : memref<8192xi32, #tpu.memory_space<vmem>>) semaphore(%arg17 : memref<!tpu.dma_semaphore, #tpu.memory_space<semaphore_mem>>) {add = true}
    %dma_wait3A_153 = tpu.memref_slice %arg2[%add3A_140] : memref<4194304xf32, #tpu.memory_space<hbm>> -> memref<8192xf32, #tpu.memory_space<hbm>>
    %dma_wait3A_154 = tpu.memref_slice %arg2[%add3A_140] : memref<4194304xf32, #tpu.memory_space<hbm>> -> memref<8192xf32, #tpu.memory_space<hbm>>
    tpu.wait_dma2 semaphore(%arg16 : memref<!tpu.dma_semaphore, #tpu.memory_space<semaphore_mem>>) src(%dma_wait3A_154 : memref<8192xf32, #tpu.memory_space<hbm>>) dst(%arg9 : memref<8192xf32, #tpu.memory_space<vmem>>)
    %dma_wait3A_155 = tpu.memref_slice %arg3[%add3A_140] : memref<4194304xi32, #tpu.memory_space<hbm>> -> memref<8192xi32, #tpu.memory_space<hbm>>
    %dma_wait3A_156 = tpu.memref_slice %arg3[%add3A_140] : memref<4194304xi32, #tpu.memory_space<hbm>> -> memref<8192xi32, #tpu.memory_space<hbm>>
    tpu.wait_dma2 semaphore(%arg16 : memref<!tpu.dma_semaphore, #tpu.memory_space<semaphore_mem>>) src(%dma_wait3A_156 : memref<8192xi32, #tpu.memory_space<hbm>>) dst(%arg10 : memref<8192xi32, #tpu.memory_space<vmem>>)
    %mul3A_157 = arith.constant 131072 : i32
    %mul3A_158 = arith.muli %add3A, %mul3A_157 : i32
    %add3A_159 = arith.constant 65536 : i32
    %add3A_160 = arith.addi %mul3A_158, %add3A_159 : i32
    %dma_start3A_161 = tpu.memref_slice %arg2[%add3A_160] : memref<4194304xf32, #tpu.memory_space<hbm>> -> memref<8192xf32, #tpu.memory_space<hbm>>
    %dma_start3A_162 = tpu.memref_slice %arg2[%add3A_160] : memref<4194304xf32, #tpu.memory_space<hbm>> -> memref<8192xf32, #tpu.memory_space<hbm>>
    tpu.enqueue_dma source(%dma_start3A_162 : memref<8192xf32, #tpu.memory_space<hbm>>) target(%arg7 : memref<8192xf32, #tpu.memory_space<vmem>>) target_semaphore(%arg15 : memref<!tpu.dma_semaphore, #tpu.memory_space<semaphore_mem>>)
    %dma_start3A_163 = tpu.memref_slice %arg3[%add3A_160] : memref<4194304xi32, #tpu.memory_space<hbm>> -> memref<8192xi32, #tpu.memory_space<hbm>>
    %dma_start3A_164 = tpu.memref_slice %arg3[%add3A_160] : memref<4194304xi32, #tpu.memory_space<hbm>> -> memref<8192xi32, #tpu.memory_space<hbm>>
    tpu.enqueue_dma source(%dma_start3A_164 : memref<8192xi32, #tpu.memory_space<hbm>>) target(%arg8 : memref<8192xi32, #tpu.memory_space<vmem>>) target_semaphore(%arg15 : memref<!tpu.dma_semaphore, #tpu.memory_space<semaphore_mem>>)
    %dma_wait3A_165 = arith.constant 0 : i32
    %dma_wait3A_166 = tpu.memref_slice %arg6[%dma_wait3A_165] : memref<65536xf32, #tpu.memory_space<vmem_shared>> -> memref<65536xf32, #tpu.memory_space<vmem_shared>>
    tpu.wait_indirect_dma semaphore(%arg18 : memref<!tpu.dma_semaphore, #tpu.memory_space<semaphore_mem>>) src(%arg14 : memref<8192xf32, #tpu.memory_space<vmem>>) dst(%dma_wait3A_166 : memref<65536xf32, #tpu.memory_space<vmem_shared>>)
    %parallel_loop3A_167 = arith.constant 0 : i32
    %parallel_loop3A_168 = arith.constant 512 : i32
    %parallel_loop3A_169 = arith.constant 1 : i32
    %parallel_loop3A_170 = scf.for %parallel_loop3A_334 = %parallel_loop3A_167 to %parallel_loop3A_168 step %parallel_loop3A_169 iter_args(%parallel_loop3A_335 = %parallel_loop3A_150) -> (vector<16xf32>)  : i32 {
      %parallel_loop3A_336 = arith.constant 16 : i32
      %parallel_loop3A_337 = arith.muli %parallel_loop3A_334, %parallel_loop3A_336 : i32
      %parallel_loop3A_338 = arith.index_cast %parallel_loop3A_337 : i32 to index
      %parallel_loop3A_339 = tpu.vector_load %arg9[%parallel_loop3A_338] {strides = array<i32>} : memref<8192xf32, #tpu.memory_space<vmem>>, vector<16xf32>,
      %parallel_loop3A_340 = vector.shape_cast %parallel_loop3A_339 : vector<16xf32> to vector<16xf32>
      %parallel_loop3A_341 = arith.constant 16 : i32
      %parallel_loop3A_342 = arith.muli %parallel_loop3A_334, %parallel_loop3A_341 : i32
      %parallel_loop3A_343 = arith.index_cast %parallel_loop3A_342 : i32 to index
      %parallel_loop3A_344 = tpu.vector_load %arg10[%parallel_loop3A_343] {strides = array<i32>} : memref<8192xi32, #tpu.memory_space<vmem>>, vector<16xi32>,
      %parallel_loop3A_345 = vector.shape_cast %parallel_loop3A_344 : vector<16xi32> to vector<16xi32>
      %parallel_loop3A_346 = arith.sitofp %parallel_loop3A_345 : vector<16xi32> to vector<16xf32>
      %parallel_loop3A_347 = arith.constant 2.000000e+00 : f32
      %parallel_loop3A_348 = vector.broadcast %parallel_loop3A_347 : f32 to vector<16xf32>
      %parallel_loop3A_349 = arith.mulf %parallel_loop3A_348, %parallel_loop3A_346 : vector<16xf32>
      %parallel_loop3A_350 = arith.constant 1.000000e+00 : f32
      %parallel_loop3A_351 = vector.broadcast %parallel_loop3A_350 : f32 to vector<16xf32>
      %parallel_loop3A_352 = arith.subf %parallel_loop3A_349, %parallel_loop3A_351 : vector<16xf32>
      %parallel_loop3A_353 = arith.mulf %parallel_loop3A_340, %parallel_loop3A_352 : vector<16xf32>
      %parallel_loop3A_354 = arith.constant 1.000000e+00 : f32
      %parallel_loop3A_355 = vector.broadcast %parallel_loop3A_354 : f32 to vector<16xf32>
      %parallel_loop3A_356 = arith.subf %parallel_loop3A_355, %parallel_loop3A_353 : vector<16xf32>
      %parallel_loop3A_357 = arith.constant 0.000000e+00 : f32
      %parallel_loop3A_358 = vector.broadcast %parallel_loop3A_357 : f32 to vector<16xf32>
      %parallel_loop3A_359 = arith.cmpf ogt, %parallel_loop3A_356, %parallel_loop3A_358 : vector<16xf32>
      %parallel_loop3A_360 = arith.constant 1.000000e+00 : f32
      %parallel_loop3A_361 = arith.constant 0.000000e+00 : f32
      %parallel_loop3A_362 = vector.broadcast %parallel_loop3A_360 : f32 to vector<16xf32>
      %parallel_loop3A_363 = vector.broadcast %parallel_loop3A_361 : f32 to vector<16xf32>
      %parallel_loop3A_364 = arith.select %parallel_loop3A_359, %parallel_loop3A_362, %parallel_loop3A_363 : vector<16xi1>, vector<16xf32>
      %parallel_loop3A_365 = arith.constant 2.560000e+02 : f32
      %parallel_loop3A_366 = vector.broadcast %parallel_loop3A_365 : f32 to vector<16xf32>
      %parallel_loop3A_367 = arith.mulf %parallel_loop3A_356, %parallel_loop3A_366 : vector<16xf32>
      %parallel_loop3A_368 = arith.fptosi %parallel_loop3A_367 : vector<16xf32> to vector<16xi32>
      %parallel_loop3A_369 = arith.constant 0 : i32
      %parallel_loop3A_370 = arith.constant 2047 : i32
      %parallel_loop3A_371 = vector.broadcast %parallel_loop3A_369 : i32 to vector<16xi32>
      %parallel_loop3A_372 = arith.maxsi %parallel_loop3A_371, %parallel_loop3A_368 : vector<16xi32>
      %parallel_loop3A_373 = vector.broadcast %parallel_loop3A_370 : i32 to vector<16xi32>
      %parallel_loop3A_374 = arith.minsi %parallel_loop3A_373, %parallel_loop3A_372 : vector<16xi32>
      %parallel_loop3A_375 = arith.constant 2048 : i32
      %parallel_loop3A_376 = vector.broadcast %parallel_loop3A_375 : i32 to vector<16xi32>
      %parallel_loop3A_377 = arith.muli %parallel_loop3A_345, %parallel_loop3A_376 : vector<16xi32>
      %parallel_loop3A_378 = vector.broadcast %mul3A_10 : i32 to vector<16xi32>
      %parallel_loop3A_379 = arith.addi %parallel_loop3A_378, %parallel_loop3A_377 : vector<16xi32>
      %parallel_loop3A_380 = arith.addi %parallel_loop3A_379, %parallel_loop3A_374 : vector<16xi32>
      %parallel_loop3A_381 = arith.constant 16 : i32
      %parallel_loop3A_382 = arith.muli %parallel_loop3A_334, %parallel_loop3A_381 : i32
      %parallel_loop3A_383 = arith.index_cast %parallel_loop3A_382 : i32 to index
      %parallel_loop3A_384 = tpu.vector_load %arg13[%parallel_loop3A_383] {strides = array<i32>} : memref<8192xi32, #tpu.memory_space<vmem>>, vector<16xi32>,
      %parallel_loop3A_385 = vector.shape_cast %parallel_loop3A_384 : vector<16xi32> to vector<16xi32>
      %parallel_loop3A_386 = vector.shape_cast %parallel_loop3A_380 : vector<16xi32> to vector<16xi32>
      tpu.vector_store %arg13[%parallel_loop3A_383], %parallel_loop3A_386 {strides = array<i32>} : memref<8192xi32, #tpu.memory_space<vmem>>, vector<16xi32>,
      %parallel_loop3A_387 = arith.constant 16 : i32
      %parallel_loop3A_388 = arith.muli %parallel_loop3A_334, %parallel_loop3A_387 : i32
      %parallel_loop3A_389 = arith.index_cast %parallel_loop3A_388 : i32 to index
      %parallel_loop3A_390 = tpu.vector_load %arg14[%parallel_loop3A_389] {strides = array<i32>} : memref<8192xf32, #tpu.memory_space<vmem>>, vector<16xf32>,
      %parallel_loop3A_391 = vector.shape_cast %parallel_loop3A_390 : vector<16xf32> to vector<16xf32>
      %parallel_loop3A_392 = vector.shape_cast %parallel_loop3A_364 : vector<16xf32> to vector<16xf32>
      tpu.vector_store %arg14[%parallel_loop3A_389], %parallel_loop3A_392 {strides = array<i32>} : memref<8192xf32, #tpu.memory_space<vmem>>, vector<16xf32>,
      %parallel_loop3A_393 = arith.addf %parallel_loop3A_335, %parallel_loop3A_346 : vector<16xf32>
      scf.yield %parallel_loop3A_393 : vector<16xf32>
    } {sc.loop_unroll_factor = 8 : i64, sc.parallel_access}
    %dma_start3A_171 = arith.constant 0 : i32
    %dma_start3A_172 = tpu.memref_slice %arg6[%dma_start3A_171] : memref<65536xf32, #tpu.memory_space<vmem_shared>> -> memref<65536xf32, #tpu.memory_space<vmem_shared>>
    tpu.enqueue_indirect_dma source(%arg14 : memref<8192xf32, #tpu.memory_space<vmem>>) target(%dma_start3A_172 : memref<65536xf32, #tpu.memory_space<vmem_shared>>) offsets(%arg13 : memref<8192xi32, #tpu.memory_space<vmem>>) semaphore(%arg18 : memref<!tpu.dma_semaphore, #tpu.memory_space<semaphore_mem>>) {add = true}
    %dma_wait3A_173 = tpu.memref_slice %arg2[%add3A_160] : memref<4194304xf32, #tpu.memory_space<hbm>> -> memref<8192xf32, #tpu.memory_space<hbm>>
    %dma_wait3A_174 = tpu.memref_slice %arg2[%add3A_160] : memref<4194304xf32, #tpu.memory_space<hbm>> -> memref<8192xf32, #tpu.memory_space<hbm>>
    tpu.wait_dma2 semaphore(%arg15 : memref<!tpu.dma_semaphore, #tpu.memory_space<semaphore_mem>>) src(%dma_wait3A_174 : memref<8192xf32, #tpu.memory_space<hbm>>) dst(%arg7 : memref<8192xf32, #tpu.memory_space<vmem>>)
    %dma_wait3A_175 = tpu.memref_slice %arg3[%add3A_160] : memref<4194304xi32, #tpu.memory_space<hbm>> -> memref<8192xi32, #tpu.memory_space<hbm>>
    %dma_wait3A_176 = tpu.memref_slice %arg3[%add3A_160] : memref<4194304xi32, #tpu.memory_space<hbm>> -> memref<8192xi32, #tpu.memory_space<hbm>>
    tpu.wait_dma2 semaphore(%arg15 : memref<!tpu.dma_semaphore, #tpu.memory_space<semaphore_mem>>) src(%dma_wait3A_176 : memref<8192xi32, #tpu.memory_space<hbm>>) dst(%arg8 : memref<8192xi32, #tpu.memory_space<vmem>>)
    %mul3A_177 = arith.constant 131072 : i32
    %mul3A_178 = arith.muli %add3A, %mul3A_177 : i32
    %add3A_179 = arith.constant 73728 : i32
    %add3A_180 = arith.addi %mul3A_178, %add3A_179 : i32
    %dma_start3A_181 = tpu.memref_slice %arg2[%add3A_180] : memref<4194304xf32, #tpu.memory_space<hbm>> -> memref<8192xf32, #tpu.memory_space<hbm>>
    %dma_start3A_182 = tpu.memref_slice %arg2[%add3A_180] : memref<4194304xf32, #tpu.memory_space<hbm>> -> memref<8192xf32, #tpu.memory_space<hbm>>
    tpu.enqueue_dma source(%dma_start3A_182 : memref<8192xf32, #tpu.memory_space<hbm>>) target(%arg9 : memref<8192xf32, #tpu.memory_space<vmem>>) target_semaphore(%arg16 : memref<!tpu.dma_semaphore, #tpu.memory_space<semaphore_mem>>)
    %dma_start3A_183 = tpu.memref_slice %arg3[%add3A_180] : memref<4194304xi32, #tpu.memory_space<hbm>> -> memref<8192xi32, #tpu.memory_space<hbm>>
    %dma_start3A_184 = tpu.memref_slice %arg3[%add3A_180] : memref<4194304xi32, #tpu.memory_space<hbm>> -> memref<8192xi32, #tpu.memory_space<hbm>>
    tpu.enqueue_dma source(%dma_start3A_184 : memref<8192xi32, #tpu.memory_space<hbm>>) target(%arg10 : memref<8192xi32, #tpu.memory_space<vmem>>) target_semaphore(%arg16 : memref<!tpu.dma_semaphore, #tpu.memory_space<semaphore_mem>>)
    %dma_wait3A_185 = arith.constant 0 : i32
    %dma_wait3A_186 = tpu.memref_slice %arg6[%dma_wait3A_185] : memref<65536xf32, #tpu.memory_space<vmem_shared>> -> memref<65536xf32, #tpu.memory_space<vmem_shared>>
    tpu.wait_indirect_dma semaphore(%arg17 : memref<!tpu.dma_semaphore, #tpu.memory_space<semaphore_mem>>) src(%arg12 : memref<8192xf32, #tpu.memory_space<vmem>>) dst(%dma_wait3A_186 : memref<65536xf32, #tpu.memory_space<vmem_shared>>)
    %parallel_loop3A_187 = arith.constant 0 : i32
    %parallel_loop3A_188 = arith.constant 512 : i32
    %parallel_loop3A_189 = arith.constant 1 : i32
    %parallel_loop3A_190 = scf.for %parallel_loop3A_334 = %parallel_loop3A_187 to %parallel_loop3A_188 step %parallel_loop3A_189 iter_args(%parallel_loop3A_335 = %parallel_loop3A_170) -> (vector<16xf32>)  : i32 {
      %parallel_loop3A_336 = arith.constant 16 : i32
      %parallel_loop3A_337 = arith.muli %parallel_loop3A_334, %parallel_loop3A_336 : i32
      %parallel_loop3A_338 = arith.index_cast %parallel_loop3A_337 : i32 to index
      %parallel_loop3A_339 = tpu.vector_load %arg7[%parallel_loop3A_338] {strides = array<i32>} : memref<8192xf32, #tpu.memory_space<vmem>>, vector<16xf32>,
      %parallel_loop3A_340 = vector.shape_cast %parallel_loop3A_339 : vector<16xf32> to vector<16xf32>
      %parallel_loop3A_341 = arith.constant 16 : i32
      %parallel_loop3A_342 = arith.muli %parallel_loop3A_334, %parallel_loop3A_341 : i32
      %parallel_loop3A_343 = arith.index_cast %parallel_loop3A_342 : i32 to index
      %parallel_loop3A_344 = tpu.vector_load %arg8[%parallel_loop3A_343] {strides = array<i32>} : memref<8192xi32, #tpu.memory_space<vmem>>, vector<16xi32>,
      %parallel_loop3A_345 = vector.shape_cast %parallel_loop3A_344 : vector<16xi32> to vector<16xi32>
      %parallel_loop3A_346 = arith.sitofp %parallel_loop3A_345 : vector<16xi32> to vector<16xf32>
      %parallel_loop3A_347 = arith.constant 2.000000e+00 : f32
      %parallel_loop3A_348 = vector.broadcast %parallel_loop3A_347 : f32 to vector<16xf32>
      %parallel_loop3A_349 = arith.mulf %parallel_loop3A_348, %parallel_loop3A_346 : vector<16xf32>
      %parallel_loop3A_350 = arith.constant 1.000000e+00 : f32
      %parallel_loop3A_351 = vector.broadcast %parallel_loop3A_350 : f32 to vector<16xf32>
      %parallel_loop3A_352 = arith.subf %parallel_loop3A_349, %parallel_loop3A_351 : vector<16xf32>
      %parallel_loop3A_353 = arith.mulf %parallel_loop3A_340, %parallel_loop3A_352 : vector<16xf32>
      %parallel_loop3A_354 = arith.constant 1.000000e+00 : f32
      %parallel_loop3A_355 = vector.broadcast %parallel_loop3A_354 : f32 to vector<16xf32>
      %parallel_loop3A_356 = arith.subf %parallel_loop3A_355, %parallel_loop3A_353 : vector<16xf32>
      %parallel_loop3A_357 = arith.constant 0.000000e+00 : f32
      %parallel_loop3A_358 = vector.broadcast %parallel_loop3A_357 : f32 to vector<16xf32>
      %parallel_loop3A_359 = arith.cmpf ogt, %parallel_loop3A_356, %parallel_loop3A_358 : vector<16xf32>
      %parallel_loop3A_360 = arith.constant 1.000000e+00 : f32
      %parallel_loop3A_361 = arith.constant 0.000000e+00 : f32
      %parallel_loop3A_362 = vector.broadcast %parallel_loop3A_360 : f32 to vector<16xf32>
      %parallel_loop3A_363 = vector.broadcast %parallel_loop3A_361 : f32 to vector<16xf32>
      %parallel_loop3A_364 = arith.select %parallel_loop3A_359, %parallel_loop3A_362, %parallel_loop3A_363 : vector<16xi1>, vector<16xf32>
      %parallel_loop3A_365 = arith.constant 2.560000e+02 : f32
      %parallel_loop3A_366 = vector.broadcast %parallel_loop3A_365 : f32 to vector<16xf32>
      %parallel_loop3A_367 = arith.mulf %parallel_loop3A_356, %parallel_loop3A_366 : vector<16xf32>
      %parallel_loop3A_368 = arith.fptosi %parallel_loop3A_367 : vector<16xf32> to vector<16xi32>
      %parallel_loop3A_369 = arith.constant 0 : i32
      %parallel_loop3A_370 = arith.constant 2047 : i32
      %parallel_loop3A_371 = vector.broadcast %parallel_loop3A_369 : i32 to vector<16xi32>
      %parallel_loop3A_372 = arith.maxsi %parallel_loop3A_371, %parallel_loop3A_368 : vector<16xi32>
      %parallel_loop3A_373 = vector.broadcast %parallel_loop3A_370 : i32 to vector<16xi32>
      %parallel_loop3A_374 = arith.minsi %parallel_loop3A_373, %parallel_loop3A_372 : vector<16xi32>
      %parallel_loop3A_375 = arith.constant 2048 : i32
      %parallel_loop3A_376 = vector.broadcast %parallel_loop3A_375 : i32 to vector<16xi32>
      %parallel_loop3A_377 = arith.muli %parallel_loop3A_345, %parallel_loop3A_376 : vector<16xi32>
      %parallel_loop3A_378 = vector.broadcast %mul3A_10 : i32 to vector<16xi32>
      %parallel_loop3A_379 = arith.addi %parallel_loop3A_378, %parallel_loop3A_377 : vector<16xi32>
      %parallel_loop3A_380 = arith.addi %parallel_loop3A_379, %parallel_loop3A_374 : vector<16xi32>
      %parallel_loop3A_381 = arith.constant 16 : i32
      %parallel_loop3A_382 = arith.muli %parallel_loop3A_334, %parallel_loop3A_381 : i32
      %parallel_loop3A_383 = arith.index_cast %parallel_loop3A_382 : i32 to index
      %parallel_loop3A_384 = tpu.vector_load %arg11[%parallel_loop3A_383] {strides = array<i32>} : memref<8192xi32, #tpu.memory_space<vmem>>, vector<16xi32>,
      %parallel_loop3A_385 = vector.shape_cast %parallel_loop3A_384 : vector<16xi32> to vector<16xi32>
      %parallel_loop3A_386 = vector.shape_cast %parallel_loop3A_380 : vector<16xi32> to vector<16xi32>
      tpu.vector_store %arg11[%parallel_loop3A_383], %parallel_loop3A_386 {strides = array<i32>} : memref<8192xi32, #tpu.memory_space<vmem>>, vector<16xi32>,
      %parallel_loop3A_387 = arith.constant 16 : i32
      %parallel_loop3A_388 = arith.muli %parallel_loop3A_334, %parallel_loop3A_387 : i32
      %parallel_loop3A_389 = arith.index_cast %parallel_loop3A_388 : i32 to index
      %parallel_loop3A_390 = tpu.vector_load %arg12[%parallel_loop3A_389] {strides = array<i32>} : memref<8192xf32, #tpu.memory_space<vmem>>, vector<16xf32>,
      %parallel_loop3A_391 = vector.shape_cast %parallel_loop3A_390 : vector<16xf32> to vector<16xf32>
      %parallel_loop3A_392 = vector.shape_cast %parallel_loop3A_364 : vector<16xf32> to vector<16xf32>
      tpu.vector_store %arg12[%parallel_loop3A_389], %parallel_loop3A_392 {strides = array<i32>} : memref<8192xf32, #tpu.memory_space<vmem>>, vector<16xf32>,
      %parallel_loop3A_393 = arith.addf %parallel_loop3A_335, %parallel_loop3A_346 : vector<16xf32>
      scf.yield %parallel_loop3A_393 : vector<16xf32>
    } {sc.loop_unroll_factor = 8 : i64, sc.parallel_access}
    %dma_start3A_191 = arith.constant 0 : i32
    %dma_start3A_192 = tpu.memref_slice %arg6[%dma_start3A_191] : memref<65536xf32, #tpu.memory_space<vmem_shared>> -> memref<65536xf32, #tpu.memory_space<vmem_shared>>
    tpu.enqueue_indirect_dma source(%arg12 : memref<8192xf32, #tpu.memory_space<vmem>>) target(%dma_start3A_192 : memref<65536xf32, #tpu.memory_space<vmem_shared>>) offsets(%arg11 : memref<8192xi32, #tpu.memory_space<vmem>>) semaphore(%arg17 : memref<!tpu.dma_semaphore, #tpu.memory_space<semaphore_mem>>) {add = true}
    %dma_wait3A_193 = tpu.memref_slice %arg2[%add3A_180] : memref<4194304xf32, #tpu.memory_space<hbm>> -> memref<8192xf32, #tpu.memory_space<hbm>>
    %dma_wait3A_194 = tpu.memref_slice %arg2[%add3A_180] : memref<4194304xf32, #tpu.memory_space<hbm>> -> memref<8192xf32, #tpu.memory_space<hbm>>
    tpu.wait_dma2 semaphore(%arg16 : memref<!tpu.dma_semaphore, #tpu.memory_space<semaphore_mem>>) src(%dma_wait3A_194 : memref<8192xf32, #tpu.memory_space<hbm>>) dst(%arg9 : memref<8192xf32, #tpu.memory_space<vmem>>)
    %dma_wait3A_195 = tpu.memref_slice %arg3[%add3A_180] : memref<4194304xi32, #tpu.memory_space<hbm>> -> memref<8192xi32, #tpu.memory_space<hbm>>
    %dma_wait3A_196 = tpu.memref_slice %arg3[%add3A_180] : memref<4194304xi32, #tpu.memory_space<hbm>> -> memref<8192xi32, #tpu.memory_space<hbm>>
    tpu.wait_dma2 semaphore(%arg16 : memref<!tpu.dma_semaphore, #tpu.memory_space<semaphore_mem>>) src(%dma_wait3A_196 : memref<8192xi32, #tpu.memory_space<hbm>>) dst(%arg10 : memref<8192xi32, #tpu.memory_space<vmem>>)
    %mul3A_197 = arith.constant 131072 : i32
    %mul3A_198 = arith.muli %add3A, %mul3A_197 : i32
    %add3A_199 = arith.constant 81920 : i32
    %add3A_200 = arith.addi %mul3A_198, %add3A_199 : i32
    %dma_start3A_201 = tpu.memref_slice %arg2[%add3A_200] : memref<4194304xf32, #tpu.memory_space<hbm>> -> memref<8192xf32, #tpu.memory_space<hbm>>
    %dma_start3A_202 = tpu.memref_slice %arg2[%add3A_200] : memref<4194304xf32, #tpu.memory_space<hbm>> -> memref<8192xf32, #tpu.memory_space<hbm>>
    tpu.enqueue_dma source(%dma_start3A_202 : memref<8192xf32, #tpu.memory_space<hbm>>) target(%arg7 : memref<8192xf32, #tpu.memory_space<vmem>>) target_semaphore(%arg15 : memref<!tpu.dma_semaphore, #tpu.memory_space<semaphore_mem>>)
    %dma_start3A_203 = tpu.memref_slice %arg3[%add3A_200] : memref<4194304xi32, #tpu.memory_space<hbm>> -> memref<8192xi32, #tpu.memory_space<hbm>>
    %dma_start3A_204 = tpu.memref_slice %arg3[%add3A_200] : memref<4194304xi32, #tpu.memory_space<hbm>> -> memref<8192xi32, #tpu.memory_space<hbm>>
    tpu.enqueue_dma source(%dma_start3A_204 : memref<8192xi32, #tpu.memory_space<hbm>>) target(%arg8 : memref<8192xi32, #tpu.memory_space<vmem>>) target_semaphore(%arg15 : memref<!tpu.dma_semaphore, #tpu.memory_space<semaphore_mem>>)
    %dma_wait3A_205 = arith.constant 0 : i32
    %dma_wait3A_206 = tpu.memref_slice %arg6[%dma_wait3A_205] : memref<65536xf32, #tpu.memory_space<vmem_shared>> -> memref<65536xf32, #tpu.memory_space<vmem_shared>>
    tpu.wait_indirect_dma semaphore(%arg18 : memref<!tpu.dma_semaphore, #tpu.memory_space<semaphore_mem>>) src(%arg14 : memref<8192xf32, #tpu.memory_space<vmem>>) dst(%dma_wait3A_206 : memref<65536xf32, #tpu.memory_space<vmem_shared>>)
    %parallel_loop3A_207 = arith.constant 0 : i32
    %parallel_loop3A_208 = arith.constant 512 : i32
    %parallel_loop3A_209 = arith.constant 1 : i32
    %parallel_loop3A_210 = scf.for %parallel_loop3A_334 = %parallel_loop3A_207 to %parallel_loop3A_208 step %parallel_loop3A_209 iter_args(%parallel_loop3A_335 = %parallel_loop3A_190) -> (vector<16xf32>)  : i32 {
      %parallel_loop3A_336 = arith.constant 16 : i32
      %parallel_loop3A_337 = arith.muli %parallel_loop3A_334, %parallel_loop3A_336 : i32
      %parallel_loop3A_338 = arith.index_cast %parallel_loop3A_337 : i32 to index
      %parallel_loop3A_339 = tpu.vector_load %arg9[%parallel_loop3A_338] {strides = array<i32>} : memref<8192xf32, #tpu.memory_space<vmem>>, vector<16xf32>,
      %parallel_loop3A_340 = vector.shape_cast %parallel_loop3A_339 : vector<16xf32> to vector<16xf32>
      %parallel_loop3A_341 = arith.constant 16 : i32
      %parallel_loop3A_342 = arith.muli %parallel_loop3A_334, %parallel_loop3A_341 : i32
      %parallel_loop3A_343 = arith.index_cast %parallel_loop3A_342 : i32 to index
      %parallel_loop3A_344 = tpu.vector_load %arg10[%parallel_loop3A_343] {strides = array<i32>} : memref<8192xi32, #tpu.memory_space<vmem>>, vector<16xi32>,
      %parallel_loop3A_345 = vector.shape_cast %parallel_loop3A_344 : vector<16xi32> to vector<16xi32>
      %parallel_loop3A_346 = arith.sitofp %parallel_loop3A_345 : vector<16xi32> to vector<16xf32>
      %parallel_loop3A_347 = arith.constant 2.000000e+00 : f32
      %parallel_loop3A_348 = vector.broadcast %parallel_loop3A_347 : f32 to vector<16xf32>
      %parallel_loop3A_349 = arith.mulf %parallel_loop3A_348, %parallel_loop3A_346 : vector<16xf32>
      %parallel_loop3A_350 = arith.constant 1.000000e+00 : f32
      %parallel_loop3A_351 = vector.broadcast %parallel_loop3A_350 : f32 to vector<16xf32>
      %parallel_loop3A_352 = arith.subf %parallel_loop3A_349, %parallel_loop3A_351 : vector<16xf32>
      %parallel_loop3A_353 = arith.mulf %parallel_loop3A_340, %parallel_loop3A_352 : vector<16xf32>
      %parallel_loop3A_354 = arith.constant 1.000000e+00 : f32
      %parallel_loop3A_355 = vector.broadcast %parallel_loop3A_354 : f32 to vector<16xf32>
      %parallel_loop3A_356 = arith.subf %parallel_loop3A_355, %parallel_loop3A_353 : vector<16xf32>
      %parallel_loop3A_357 = arith.constant 0.000000e+00 : f32
      %parallel_loop3A_358 = vector.broadcast %parallel_loop3A_357 : f32 to vector<16xf32>
      %parallel_loop3A_359 = arith.cmpf ogt, %parallel_loop3A_356, %parallel_loop3A_358 : vector<16xf32>
      %parallel_loop3A_360 = arith.constant 1.000000e+00 : f32
      %parallel_loop3A_361 = arith.constant 0.000000e+00 : f32
      %parallel_loop3A_362 = vector.broadcast %parallel_loop3A_360 : f32 to vector<16xf32>
      %parallel_loop3A_363 = vector.broadcast %parallel_loop3A_361 : f32 to vector<16xf32>
      %parallel_loop3A_364 = arith.select %parallel_loop3A_359, %parallel_loop3A_362, %parallel_loop3A_363 : vector<16xi1>, vector<16xf32>
      %parallel_loop3A_365 = arith.constant 2.560000e+02 : f32
      %parallel_loop3A_366 = vector.broadcast %parallel_loop3A_365 : f32 to vector<16xf32>
      %parallel_loop3A_367 = arith.mulf %parallel_loop3A_356, %parallel_loop3A_366 : vector<16xf32>
      %parallel_loop3A_368 = arith.fptosi %parallel_loop3A_367 : vector<16xf32> to vector<16xi32>
      %parallel_loop3A_369 = arith.constant 0 : i32
      %parallel_loop3A_370 = arith.constant 2047 : i32
      %parallel_loop3A_371 = vector.broadcast %parallel_loop3A_369 : i32 to vector<16xi32>
      %parallel_loop3A_372 = arith.maxsi %parallel_loop3A_371, %parallel_loop3A_368 : vector<16xi32>
      %parallel_loop3A_373 = vector.broadcast %parallel_loop3A_370 : i32 to vector<16xi32>
      %parallel_loop3A_374 = arith.minsi %parallel_loop3A_373, %parallel_loop3A_372 : vector<16xi32>
      %parallel_loop3A_375 = arith.constant 2048 : i32
      %parallel_loop3A_376 = vector.broadcast %parallel_loop3A_375 : i32 to vector<16xi32>
      %parallel_loop3A_377 = arith.muli %parallel_loop3A_345, %parallel_loop3A_376 : vector<16xi32>
      %parallel_loop3A_378 = vector.broadcast %mul3A_10 : i32 to vector<16xi32>
      %parallel_loop3A_379 = arith.addi %parallel_loop3A_378, %parallel_loop3A_377 : vector<16xi32>
      %parallel_loop3A_380 = arith.addi %parallel_loop3A_379, %parallel_loop3A_374 : vector<16xi32>
      %parallel_loop3A_381 = arith.constant 16 : i32
      %parallel_loop3A_382 = arith.muli %parallel_loop3A_334, %parallel_loop3A_381 : i32
      %parallel_loop3A_383 = arith.index_cast %parallel_loop3A_382 : i32 to index
      %parallel_loop3A_384 = tpu.vector_load %arg13[%parallel_loop3A_383] {strides = array<i32>} : memref<8192xi32, #tpu.memory_space<vmem>>, vector<16xi32>,
      %parallel_loop3A_385 = vector.shape_cast %parallel_loop3A_384 : vector<16xi32> to vector<16xi32>
      %parallel_loop3A_386 = vector.shape_cast %parallel_loop3A_380 : vector<16xi32> to vector<16xi32>
      tpu.vector_store %arg13[%parallel_loop3A_383], %parallel_loop3A_386 {strides = array<i32>} : memref<8192xi32, #tpu.memory_space<vmem>>, vector<16xi32>,
      %parallel_loop3A_387 = arith.constant 16 : i32
      %parallel_loop3A_388 = arith.muli %parallel_loop3A_334, %parallel_loop3A_387 : i32
      %parallel_loop3A_389 = arith.index_cast %parallel_loop3A_388 : i32 to index
      %parallel_loop3A_390 = tpu.vector_load %arg14[%parallel_loop3A_389] {strides = array<i32>} : memref<8192xf32, #tpu.memory_space<vmem>>, vector<16xf32>,
      %parallel_loop3A_391 = vector.shape_cast %parallel_loop3A_390 : vector<16xf32> to vector<16xf32>
      %parallel_loop3A_392 = vector.shape_cast %parallel_loop3A_364 : vector<16xf32> to vector<16xf32>
      tpu.vector_store %arg14[%parallel_loop3A_389], %parallel_loop3A_392 {strides = array<i32>} : memref<8192xf32, #tpu.memory_space<vmem>>, vector<16xf32>,
      %parallel_loop3A_393 = arith.addf %parallel_loop3A_335, %parallel_loop3A_346 : vector<16xf32>
      scf.yield %parallel_loop3A_393 : vector<16xf32>
    } {sc.loop_unroll_factor = 8 : i64, sc.parallel_access}
    %dma_start3A_211 = arith.constant 0 : i32
    %dma_start3A_212 = tpu.memref_slice %arg6[%dma_start3A_211] : memref<65536xf32, #tpu.memory_space<vmem_shared>> -> memref<65536xf32, #tpu.memory_space<vmem_shared>>
    tpu.enqueue_indirect_dma source(%arg14 : memref<8192xf32, #tpu.memory_space<vmem>>) target(%dma_start3A_212 : memref<65536xf32, #tpu.memory_space<vmem_shared>>) offsets(%arg13 : memref<8192xi32, #tpu.memory_space<vmem>>) semaphore(%arg18 : memref<!tpu.dma_semaphore, #tpu.memory_space<semaphore_mem>>) {add = true}
    %dma_wait3A_213 = tpu.memref_slice %arg2[%add3A_200] : memref<4194304xf32, #tpu.memory_space<hbm>> -> memref<8192xf32, #tpu.memory_space<hbm>>
    %dma_wait3A_214 = tpu.memref_slice %arg2[%add3A_200] : memref<4194304xf32, #tpu.memory_space<hbm>> -> memref<8192xf32, #tpu.memory_space<hbm>>
    tpu.wait_dma2 semaphore(%arg15 : memref<!tpu.dma_semaphore, #tpu.memory_space<semaphore_mem>>) src(%dma_wait3A_214 : memref<8192xf32, #tpu.memory_space<hbm>>) dst(%arg7 : memref<8192xf32, #tpu.memory_space<vmem>>)
    %dma_wait3A_215 = tpu.memref_slice %arg3[%add3A_200] : memref<4194304xi32, #tpu.memory_space<hbm>> -> memref<8192xi32, #tpu.memory_space<hbm>>
    %dma_wait3A_216 = tpu.memref_slice %arg3[%add3A_200] : memref<4194304xi32, #tpu.memory_space<hbm>> -> memref<8192xi32, #tpu.memory_space<hbm>>
    tpu.wait_dma2 semaphore(%arg15 : memref<!tpu.dma_semaphore, #tpu.memory_space<semaphore_mem>>) src(%dma_wait3A_216 : memref<8192xi32, #tpu.memory_space<hbm>>) dst(%arg8 : memref<8192xi32, #tpu.memory_space<vmem>>)
    %mul3A_217 = arith.constant 131072 : i32
    %mul3A_218 = arith.muli %add3A, %mul3A_217 : i32
    %add3A_219 = arith.constant 90112 : i32
    %add3A_220 = arith.addi %mul3A_218, %add3A_219 : i32
    %dma_start3A_221 = tpu.memref_slice %arg2[%add3A_220] : memref<4194304xf32, #tpu.memory_space<hbm>> -> memref<8192xf32, #tpu.memory_space<hbm>>
    %dma_start3A_222 = tpu.memref_slice %arg2[%add3A_220] : memref<4194304xf32, #tpu.memory_space<hbm>> -> memref<8192xf32, #tpu.memory_space<hbm>>
    tpu.enqueue_dma source(%dma_start3A_222 : memref<8192xf32, #tpu.memory_space<hbm>>) target(%arg9 : memref<8192xf32, #tpu.memory_space<vmem>>) target_semaphore(%arg16 : memref<!tpu.dma_semaphore, #tpu.memory_space<semaphore_mem>>)
    %dma_start3A_223 = tpu.memref_slice %arg3[%add3A_220] : memref<4194304xi32, #tpu.memory_space<hbm>> -> memref<8192xi32, #tpu.memory_space<hbm>>
    %dma_start3A_224 = tpu.memref_slice %arg3[%add3A_220] : memref<4194304xi32, #tpu.memory_space<hbm>> -> memref<8192xi32, #tpu.memory_space<hbm>>
    tpu.enqueue_dma source(%dma_start3A_224 : memref<8192xi32, #tpu.memory_space<hbm>>) target(%arg10 : memref<8192xi32, #tpu.memory_space<vmem>>) target_semaphore(%arg16 : memref<!tpu.dma_semaphore, #tpu.memory_space<semaphore_mem>>)
    %dma_wait3A_225 = arith.constant 0 : i32
    %dma_wait3A_226 = tpu.memref_slice %arg6[%dma_wait3A_225] : memref<65536xf32, #tpu.memory_space<vmem_shared>> -> memref<65536xf32, #tpu.memory_space<vmem_shared>>
    tpu.wait_indirect_dma semaphore(%arg17 : memref<!tpu.dma_semaphore, #tpu.memory_space<semaphore_mem>>) src(%arg12 : memref<8192xf32, #tpu.memory_space<vmem>>) dst(%dma_wait3A_226 : memref<65536xf32, #tpu.memory_space<vmem_shared>>)
    %parallel_loop3A_227 = arith.constant 0 : i32
    %parallel_loop3A_228 = arith.constant 512 : i32
    %parallel_loop3A_229 = arith.constant 1 : i32
    %parallel_loop3A_230 = scf.for %parallel_loop3A_334 = %parallel_loop3A_227 to %parallel_loop3A_228 step %parallel_loop3A_229 iter_args(%parallel_loop3A_335 = %parallel_loop3A_210) -> (vector<16xf32>)  : i32 {
      %parallel_loop3A_336 = arith.constant 16 : i32
      %parallel_loop3A_337 = arith.muli %parallel_loop3A_334, %parallel_loop3A_336 : i32
      %parallel_loop3A_338 = arith.index_cast %parallel_loop3A_337 : i32 to index
      %parallel_loop3A_339 = tpu.vector_load %arg7[%parallel_loop3A_338] {strides = array<i32>} : memref<8192xf32, #tpu.memory_space<vmem>>, vector<16xf32>,
      %parallel_loop3A_340 = vector.shape_cast %parallel_loop3A_339 : vector<16xf32> to vector<16xf32>
      %parallel_loop3A_341 = arith.constant 16 : i32
      %parallel_loop3A_342 = arith.muli %parallel_loop3A_334, %parallel_loop3A_341 : i32
      %parallel_loop3A_343 = arith.index_cast %parallel_loop3A_342 : i32 to index
      %parallel_loop3A_344 = tpu.vector_load %arg8[%parallel_loop3A_343] {strides = array<i32>} : memref<8192xi32, #tpu.memory_space<vmem>>, vector<16xi32>,
      %parallel_loop3A_345 = vector.shape_cast %parallel_loop3A_344 : vector<16xi32> to vector<16xi32>
      %parallel_loop3A_346 = arith.sitofp %parallel_loop3A_345 : vector<16xi32> to vector<16xf32>
      %parallel_loop3A_347 = arith.constant 2.000000e+00 : f32
      %parallel_loop3A_348 = vector.broadcast %parallel_loop3A_347 : f32 to vector<16xf32>
      %parallel_loop3A_349 = arith.mulf %parallel_loop3A_348, %parallel_loop3A_346 : vector<16xf32>
      %parallel_loop3A_350 = arith.constant 1.000000e+00 : f32
      %parallel_loop3A_351 = vector.broadcast %parallel_loop3A_350 : f32 to vector<16xf32>
      %parallel_loop3A_352 = arith.subf %parallel_loop3A_349, %parallel_loop3A_351 : vector<16xf32>
      %parallel_loop3A_353 = arith.mulf %parallel_loop3A_340, %parallel_loop3A_352 : vector<16xf32>
      %parallel_loop3A_354 = arith.constant 1.000000e+00 : f32
      %parallel_loop3A_355 = vector.broadcast %parallel_loop3A_354 : f32 to vector<16xf32>
      %parallel_loop3A_356 = arith.subf %parallel_loop3A_355, %parallel_loop3A_353 : vector<16xf32>
      %parallel_loop3A_357 = arith.constant 0.000000e+00 : f32
      %parallel_loop3A_358 = vector.broadcast %parallel_loop3A_357 : f32 to vector<16xf32>
      %parallel_loop3A_359 = arith.cmpf ogt, %parallel_loop3A_356, %parallel_loop3A_358 : vector<16xf32>
      %parallel_loop3A_360 = arith.constant 1.000000e+00 : f32
      %parallel_loop3A_361 = arith.constant 0.000000e+00 : f32
      %parallel_loop3A_362 = vector.broadcast %parallel_loop3A_360 : f32 to vector<16xf32>
      %parallel_loop3A_363 = vector.broadcast %parallel_loop3A_361 : f32 to vector<16xf32>
      %parallel_loop3A_364 = arith.select %parallel_loop3A_359, %parallel_loop3A_362, %parallel_loop3A_363 : vector<16xi1>, vector<16xf32>
      %parallel_loop3A_365 = arith.constant 2.560000e+02 : f32
      %parallel_loop3A_366 = vector.broadcast %parallel_loop3A_365 : f32 to vector<16xf32>
      %parallel_loop3A_367 = arith.mulf %parallel_loop3A_356, %parallel_loop3A_366 : vector<16xf32>
      %parallel_loop3A_368 = arith.fptosi %parallel_loop3A_367 : vector<16xf32> to vector<16xi32>
      %parallel_loop3A_369 = arith.constant 0 : i32
      %parallel_loop3A_370 = arith.constant 2047 : i32
      %parallel_loop3A_371 = vector.broadcast %parallel_loop3A_369 : i32 to vector<16xi32>
      %parallel_loop3A_372 = arith.maxsi %parallel_loop3A_371, %parallel_loop3A_368 : vector<16xi32>
      %parallel_loop3A_373 = vector.broadcast %parallel_loop3A_370 : i32 to vector<16xi32>
      %parallel_loop3A_374 = arith.minsi %parallel_loop3A_373, %parallel_loop3A_372 : vector<16xi32>
      %parallel_loop3A_375 = arith.constant 2048 : i32
      %parallel_loop3A_376 = vector.broadcast %parallel_loop3A_375 : i32 to vector<16xi32>
      %parallel_loop3A_377 = arith.muli %parallel_loop3A_345, %parallel_loop3A_376 : vector<16xi32>
      %parallel_loop3A_378 = vector.broadcast %mul3A_10 : i32 to vector<16xi32>
      %parallel_loop3A_379 = arith.addi %parallel_loop3A_378, %parallel_loop3A_377 : vector<16xi32>
      %parallel_loop3A_380 = arith.addi %parallel_loop3A_379, %parallel_loop3A_374 : vector<16xi32>
      %parallel_loop3A_381 = arith.constant 16 : i32
      %parallel_loop3A_382 = arith.muli %parallel_loop3A_334, %parallel_loop3A_381 : i32
      %parallel_loop3A_383 = arith.index_cast %parallel_loop3A_382 : i32 to index
      %parallel_loop3A_384 = tpu.vector_load %arg11[%parallel_loop3A_383] {strides = array<i32>} : memref<8192xi32, #tpu.memory_space<vmem>>, vector<16xi32>,
      %parallel_loop3A_385 = vector.shape_cast %parallel_loop3A_384 : vector<16xi32> to vector<16xi32>
      %parallel_loop3A_386 = vector.shape_cast %parallel_loop3A_380 : vector<16xi32> to vector<16xi32>
      tpu.vector_store %arg11[%parallel_loop3A_383], %parallel_loop3A_386 {strides = array<i32>} : memref<8192xi32, #tpu.memory_space<vmem>>, vector<16xi32>,
      %parallel_loop3A_387 = arith.constant 16 : i32
      %parallel_loop3A_388 = arith.muli %parallel_loop3A_334, %parallel_loop3A_387 : i32
      %parallel_loop3A_389 = arith.index_cast %parallel_loop3A_388 : i32 to index
      %parallel_loop3A_390 = tpu.vector_load %arg12[%parallel_loop3A_389] {strides = array<i32>} : memref<8192xf32, #tpu.memory_space<vmem>>, vector<16xf32>,
      %parallel_loop3A_391 = vector.shape_cast %parallel_loop3A_390 : vector<16xf32> to vector<16xf32>
      %parallel_loop3A_392 = vector.shape_cast %parallel_loop3A_364 : vector<16xf32> to vector<16xf32>
      tpu.vector_store %arg12[%parallel_loop3A_389], %parallel_loop3A_392 {strides = array<i32>} : memref<8192xf32, #tpu.memory_space<vmem>>, vector<16xf32>,
      %parallel_loop3A_393 = arith.addf %parallel_loop3A_335, %parallel_loop3A_346 : vector<16xf32>
      scf.yield %parallel_loop3A_393 : vector<16xf32>
    } {sc.loop_unroll_factor = 8 : i64, sc.parallel_access}
    %dma_start3A_231 = arith.constant 0 : i32
    %dma_start3A_232 = tpu.memref_slice %arg6[%dma_start3A_231] : memref<65536xf32, #tpu.memory_space<vmem_shared>> -> memref<65536xf32, #tpu.memory_space<vmem_shared>>
    tpu.enqueue_indirect_dma source(%arg12 : memref<8192xf32, #tpu.memory_space<vmem>>) target(%dma_start3A_232 : memref<65536xf32, #tpu.memory_space<vmem_shared>>) offsets(%arg11 : memref<8192xi32, #tpu.memory_space<vmem>>) semaphore(%arg17 : memref<!tpu.dma_semaphore, #tpu.memory_space<semaphore_mem>>) {add = true}
    %dma_wait3A_233 = tpu.memref_slice %arg2[%add3A_220] : memref<4194304xf32, #tpu.memory_space<hbm>> -> memref<8192xf32, #tpu.memory_space<hbm>>
    %dma_wait3A_234 = tpu.memref_slice %arg2[%add3A_220] : memref<4194304xf32, #tpu.memory_space<hbm>> -> memref<8192xf32, #tpu.memory_space<hbm>>
    tpu.wait_dma2 semaphore(%arg16 : memref<!tpu.dma_semaphore, #tpu.memory_space<semaphore_mem>>) src(%dma_wait3A_234 : memref<8192xf32, #tpu.memory_space<hbm>>) dst(%arg9 : memref<8192xf32, #tpu.memory_space<vmem>>)
    %dma_wait3A_235 = tpu.memref_slice %arg3[%add3A_220] : memref<4194304xi32, #tpu.memory_space<hbm>> -> memref<8192xi32, #tpu.memory_space<hbm>>
    %dma_wait3A_236 = tpu.memref_slice %arg3[%add3A_220] : memref<4194304xi32, #tpu.memory_space<hbm>> -> memref<8192xi32, #tpu.memory_space<hbm>>
    tpu.wait_dma2 semaphore(%arg16 : memref<!tpu.dma_semaphore, #tpu.memory_space<semaphore_mem>>) src(%dma_wait3A_236 : memref<8192xi32, #tpu.memory_space<hbm>>) dst(%arg10 : memref<8192xi32, #tpu.memory_space<vmem>>)
    %mul3A_237 = arith.constant 131072 : i32
    %mul3A_238 = arith.muli %add3A, %mul3A_237 : i32
    %add3A_239 = arith.constant 98304 : i32
    %add3A_240 = arith.addi %mul3A_238, %add3A_239 : i32
    %dma_start3A_241 = tpu.memref_slice %arg2[%add3A_240] : memref<4194304xf32, #tpu.memory_space<hbm>> -> memref<8192xf32, #tpu.memory_space<hbm>>
    %dma_start3A_242 = tpu.memref_slice %arg2[%add3A_240] : memref<4194304xf32, #tpu.memory_space<hbm>> -> memref<8192xf32, #tpu.memory_space<hbm>>
    tpu.enqueue_dma source(%dma_start3A_242 : memref<8192xf32, #tpu.memory_space<hbm>>) target(%arg7 : memref<8192xf32, #tpu.memory_space<vmem>>) target_semaphore(%arg15 : memref<!tpu.dma_semaphore, #tpu.memory_space<semaphore_mem>>)
    %dma_start3A_243 = tpu.memref_slice %arg3[%add3A_240] : memref<4194304xi32, #tpu.memory_space<hbm>> -> memref<8192xi32, #tpu.memory_space<hbm>>
    %dma_start3A_244 = tpu.memref_slice %arg3[%add3A_240] : memref<4194304xi32, #tpu.memory_space<hbm>> -> memref<8192xi32, #tpu.memory_space<hbm>>
    tpu.enqueue_dma source(%dma_start3A_244 : memref<8192xi32, #tpu.memory_space<hbm>>) target(%arg8 : memref<8192xi32, #tpu.memory_space<vmem>>) target_semaphore(%arg15 : memref<!tpu.dma_semaphore, #tpu.memory_space<semaphore_mem>>)
    %dma_wait3A_245 = arith.constant 0 : i32
    %dma_wait3A_246 = tpu.memref_slice %arg6[%dma_wait3A_245] : memref<65536xf32, #tpu.memory_space<vmem_shared>> -> memref<65536xf32, #tpu.memory_space<vmem_shared>>
    tpu.wait_indirect_dma semaphore(%arg18 : memref<!tpu.dma_semaphore, #tpu.memory_space<semaphore_mem>>) src(%arg14 : memref<8192xf32, #tpu.memory_space<vmem>>) dst(%dma_wait3A_246 : memref<65536xf32, #tpu.memory_space<vmem_shared>>)
    %parallel_loop3A_247 = arith.constant 0 : i32
    %parallel_loop3A_248 = arith.constant 512 : i32
    %parallel_loop3A_249 = arith.constant 1 : i32
    %parallel_loop3A_250 = scf.for %parallel_loop3A_334 = %parallel_loop3A_247 to %parallel_loop3A_248 step %parallel_loop3A_249 iter_args(%parallel_loop3A_335 = %parallel_loop3A_230) -> (vector<16xf32>)  : i32 {
      %parallel_loop3A_336 = arith.constant 16 : i32
      %parallel_loop3A_337 = arith.muli %parallel_loop3A_334, %parallel_loop3A_336 : i32
      %parallel_loop3A_338 = arith.index_cast %parallel_loop3A_337 : i32 to index
      %parallel_loop3A_339 = tpu.vector_load %arg9[%parallel_loop3A_338] {strides = array<i32>} : memref<8192xf32, #tpu.memory_space<vmem>>, vector<16xf32>,
      %parallel_loop3A_340 = vector.shape_cast %parallel_loop3A_339 : vector<16xf32> to vector<16xf32>
      %parallel_loop3A_341 = arith.constant 16 : i32
      %parallel_loop3A_342 = arith.muli %parallel_loop3A_334, %parallel_loop3A_341 : i32
      %parallel_loop3A_343 = arith.index_cast %parallel_loop3A_342 : i32 to index
      %parallel_loop3A_344 = tpu.vector_load %arg10[%parallel_loop3A_343] {strides = array<i32>} : memref<8192xi32, #tpu.memory_space<vmem>>, vector<16xi32>,
      %parallel_loop3A_345 = vector.shape_cast %parallel_loop3A_344 : vector<16xi32> to vector<16xi32>
      %parallel_loop3A_346 = arith.sitofp %parallel_loop3A_345 : vector<16xi32> to vector<16xf32>
      %parallel_loop3A_347 = arith.constant 2.000000e+00 : f32
      %parallel_loop3A_348 = vector.broadcast %parallel_loop3A_347 : f32 to vector<16xf32>
      %parallel_loop3A_349 = arith.mulf %parallel_loop3A_348, %parallel_loop3A_346 : vector<16xf32>
      %parallel_loop3A_350 = arith.constant 1.000000e+00 : f32
      %parallel_loop3A_351 = vector.broadcast %parallel_loop3A_350 : f32 to vector<16xf32>
      %parallel_loop3A_352 = arith.subf %parallel_loop3A_349, %parallel_loop3A_351 : vector<16xf32>
      %parallel_loop3A_353 = arith.mulf %parallel_loop3A_340, %parallel_loop3A_352 : vector<16xf32>
      %parallel_loop3A_354 = arith.constant 1.000000e+00 : f32
      %parallel_loop3A_355 = vector.broadcast %parallel_loop3A_354 : f32 to vector<16xf32>
      %parallel_loop3A_356 = arith.subf %parallel_loop3A_355, %parallel_loop3A_353 : vector<16xf32>
      %parallel_loop3A_357 = arith.constant 0.000000e+00 : f32
      %parallel_loop3A_358 = vector.broadcast %parallel_loop3A_357 : f32 to vector<16xf32>
      %parallel_loop3A_359 = arith.cmpf ogt, %parallel_loop3A_356, %parallel_loop3A_358 : vector<16xf32>
      %parallel_loop3A_360 = arith.constant 1.000000e+00 : f32
      %parallel_loop3A_361 = arith.constant 0.000000e+00 : f32
      %parallel_loop3A_362 = vector.broadcast %parallel_loop3A_360 : f32 to vector<16xf32>
      %parallel_loop3A_363 = vector.broadcast %parallel_loop3A_361 : f32 to vector<16xf32>
      %parallel_loop3A_364 = arith.select %parallel_loop3A_359, %parallel_loop3A_362, %parallel_loop3A_363 : vector<16xi1>, vector<16xf32>
      %parallel_loop3A_365 = arith.constant 2.560000e+02 : f32
      %parallel_loop3A_366 = vector.broadcast %parallel_loop3A_365 : f32 to vector<16xf32>
      %parallel_loop3A_367 = arith.mulf %parallel_loop3A_356, %parallel_loop3A_366 : vector<16xf32>
      %parallel_loop3A_368 = arith.fptosi %parallel_loop3A_367 : vector<16xf32> to vector<16xi32>
      %parallel_loop3A_369 = arith.constant 0 : i32
      %parallel_loop3A_370 = arith.constant 2047 : i32
      %parallel_loop3A_371 = vector.broadcast %parallel_loop3A_369 : i32 to vector<16xi32>
      %parallel_loop3A_372 = arith.maxsi %parallel_loop3A_371, %parallel_loop3A_368 : vector<16xi32>
      %parallel_loop3A_373 = vector.broadcast %parallel_loop3A_370 : i32 to vector<16xi32>
      %parallel_loop3A_374 = arith.minsi %parallel_loop3A_373, %parallel_loop3A_372 : vector<16xi32>
      %parallel_loop3A_375 = arith.constant 2048 : i32
      %parallel_loop3A_376 = vector.broadcast %parallel_loop3A_375 : i32 to vector<16xi32>
      %parallel_loop3A_377 = arith.muli %parallel_loop3A_345, %parallel_loop3A_376 : vector<16xi32>
      %parallel_loop3A_378 = vector.broadcast %mul3A_10 : i32 to vector<16xi32>
      %parallel_loop3A_379 = arith.addi %parallel_loop3A_378, %parallel_loop3A_377 : vector<16xi32>
      %parallel_loop3A_380 = arith.addi %parallel_loop3A_379, %parallel_loop3A_374 : vector<16xi32>
      %parallel_loop3A_381 = arith.constant 16 : i32
      %parallel_loop3A_382 = arith.muli %parallel_loop3A_334, %parallel_loop3A_381 : i32
      %parallel_loop3A_383 = arith.index_cast %parallel_loop3A_382 : i32 to index
      %parallel_loop3A_384 = tpu.vector_load %arg13[%parallel_loop3A_383] {strides = array<i32>} : memref<8192xi32, #tpu.memory_space<vmem>>, vector<16xi32>,
      %parallel_loop3A_385 = vector.shape_cast %parallel_loop3A_384 : vector<16xi32> to vector<16xi32>
      %parallel_loop3A_386 = vector.shape_cast %parallel_loop3A_380 : vector<16xi32> to vector<16xi32>
      tpu.vector_store %arg13[%parallel_loop3A_383], %parallel_loop3A_386 {strides = array<i32>} : memref<8192xi32, #tpu.memory_space<vmem>>, vector<16xi32>,
      %parallel_loop3A_387 = arith.constant 16 : i32
      %parallel_loop3A_388 = arith.muli %parallel_loop3A_334, %parallel_loop3A_387 : i32
      %parallel_loop3A_389 = arith.index_cast %parallel_loop3A_388 : i32 to index
      %parallel_loop3A_390 = tpu.vector_load %arg14[%parallel_loop3A_389] {strides = array<i32>} : memref<8192xf32, #tpu.memory_space<vmem>>, vector<16xf32>,
      %parallel_loop3A_391 = vector.shape_cast %parallel_loop3A_390 : vector<16xf32> to vector<16xf32>
      %parallel_loop3A_392 = vector.shape_cast %parallel_loop3A_364 : vector<16xf32> to vector<16xf32>
      tpu.vector_store %arg14[%parallel_loop3A_389], %parallel_loop3A_392 {strides = array<i32>} : memref<8192xf32, #tpu.memory_space<vmem>>, vector<16xf32>,
      %parallel_loop3A_393 = arith.addf %parallel_loop3A_335, %parallel_loop3A_346 : vector<16xf32>
      scf.yield %parallel_loop3A_393 : vector<16xf32>
    } {sc.loop_unroll_factor = 8 : i64, sc.parallel_access}
    %dma_start3A_251 = arith.constant 0 : i32
    %dma_start3A_252 = tpu.memref_slice %arg6[%dma_start3A_251] : memref<65536xf32, #tpu.memory_space<vmem_shared>> -> memref<65536xf32, #tpu.memory_space<vmem_shared>>
    tpu.enqueue_indirect_dma source(%arg14 : memref<8192xf32, #tpu.memory_space<vmem>>) target(%dma_start3A_252 : memref<65536xf32, #tpu.memory_space<vmem_shared>>) offsets(%arg13 : memref<8192xi32, #tpu.memory_space<vmem>>) semaphore(%arg18 : memref<!tpu.dma_semaphore, #tpu.memory_space<semaphore_mem>>) {add = true}
    %dma_wait3A_253 = tpu.memref_slice %arg2[%add3A_240] : memref<4194304xf32, #tpu.memory_space<hbm>> -> memref<8192xf32, #tpu.memory_space<hbm>>
    %dma_wait3A_254 = tpu.memref_slice %arg2[%add3A_240] : memref<4194304xf32, #tpu.memory_space<hbm>> -> memref<8192xf32, #tpu.memory_space<hbm>>
    tpu.wait_dma2 semaphore(%arg15 : memref<!tpu.dma_semaphore, #tpu.memory_space<semaphore_mem>>) src(%dma_wait3A_254 : memref<8192xf32, #tpu.memory_space<hbm>>) dst(%arg7 : memref<8192xf32, #tpu.memory_space<vmem>>)
    %dma_wait3A_255 = tpu.memref_slice %arg3[%add3A_240] : memref<4194304xi32, #tpu.memory_space<hbm>> -> memref<8192xi32, #tpu.memory_space<hbm>>
    %dma_wait3A_256 = tpu.memref_slice %arg3[%add3A_240] : memref<4194304xi32, #tpu.memory_space<hbm>> -> memref<8192xi32, #tpu.memory_space<hbm>>
    tpu.wait_dma2 semaphore(%arg15 : memref<!tpu.dma_semaphore, #tpu.memory_space<semaphore_mem>>) src(%dma_wait3A_256 : memref<8192xi32, #tpu.memory_space<hbm>>) dst(%arg8 : memref<8192xi32, #tpu.memory_space<vmem>>)
    %mul3A_257 = arith.constant 131072 : i32
    %mul3A_258 = arith.muli %add3A, %mul3A_257 : i32
    %add3A_259 = arith.constant 106496 : i32
    %add3A_260 = arith.addi %mul3A_258, %add3A_259 : i32
    %dma_start3A_261 = tpu.memref_slice %arg2[%add3A_260] : memref<4194304xf32, #tpu.memory_space<hbm>> -> memref<8192xf32, #tpu.memory_space<hbm>>
    %dma_start3A_262 = tpu.memref_slice %arg2[%add3A_260] : memref<4194304xf32, #tpu.memory_space<hbm>> -> memref<8192xf32, #tpu.memory_space<hbm>>
    tpu.enqueue_dma source(%dma_start3A_262 : memref<8192xf32, #tpu.memory_space<hbm>>) target(%arg9 : memref<8192xf32, #tpu.memory_space<vmem>>) target_semaphore(%arg16 : memref<!tpu.dma_semaphore, #tpu.memory_space<semaphore_mem>>)
    %dma_start3A_263 = tpu.memref_slice %arg3[%add3A_260] : memref<4194304xi32, #tpu.memory_space<hbm>> -> memref<8192xi32, #tpu.memory_space<hbm>>
    %dma_start3A_264 = tpu.memref_slice %arg3[%add3A_260] : memref<4194304xi32, #tpu.memory_space<hbm>> -> memref<8192xi32, #tpu.memory_space<hbm>>
    tpu.enqueue_dma source(%dma_start3A_264 : memref<8192xi32, #tpu.memory_space<hbm>>) target(%arg10 : memref<8192xi32, #tpu.memory_space<vmem>>) target_semaphore(%arg16 : memref<!tpu.dma_semaphore, #tpu.memory_space<semaphore_mem>>)
    %dma_wait3A_265 = arith.constant 0 : i32
    %dma_wait3A_266 = tpu.memref_slice %arg6[%dma_wait3A_265] : memref<65536xf32, #tpu.memory_space<vmem_shared>> -> memref<65536xf32, #tpu.memory_space<vmem_shared>>
    tpu.wait_indirect_dma semaphore(%arg17 : memref<!tpu.dma_semaphore, #tpu.memory_space<semaphore_mem>>) src(%arg12 : memref<8192xf32, #tpu.memory_space<vmem>>) dst(%dma_wait3A_266 : memref<65536xf32, #tpu.memory_space<vmem_shared>>)
    %parallel_loop3A_267 = arith.constant 0 : i32
    %parallel_loop3A_268 = arith.constant 512 : i32
    %parallel_loop3A_269 = arith.constant 1 : i32
    %parallel_loop3A_270 = scf.for %parallel_loop3A_334 = %parallel_loop3A_267 to %parallel_loop3A_268 step %parallel_loop3A_269 iter_args(%parallel_loop3A_335 = %parallel_loop3A_250) -> (vector<16xf32>)  : i32 {
      %parallel_loop3A_336 = arith.constant 16 : i32
      %parallel_loop3A_337 = arith.muli %parallel_loop3A_334, %parallel_loop3A_336 : i32
      %parallel_loop3A_338 = arith.index_cast %parallel_loop3A_337 : i32 to index
      %parallel_loop3A_339 = tpu.vector_load %arg7[%parallel_loop3A_338] {strides = array<i32>} : memref<8192xf32, #tpu.memory_space<vmem>>, vector<16xf32>,
      %parallel_loop3A_340 = vector.shape_cast %parallel_loop3A_339 : vector<16xf32> to vector<16xf32>
      %parallel_loop3A_341 = arith.constant 16 : i32
      %parallel_loop3A_342 = arith.muli %parallel_loop3A_334, %parallel_loop3A_341 : i32
      %parallel_loop3A_343 = arith.index_cast %parallel_loop3A_342 : i32 to index
      %parallel_loop3A_344 = tpu.vector_load %arg8[%parallel_loop3A_343] {strides = array<i32>} : memref<8192xi32, #tpu.memory_space<vmem>>, vector<16xi32>,
      %parallel_loop3A_345 = vector.shape_cast %parallel_loop3A_344 : vector<16xi32> to vector<16xi32>
      %parallel_loop3A_346 = arith.sitofp %parallel_loop3A_345 : vector<16xi32> to vector<16xf32>
      %parallel_loop3A_347 = arith.constant 2.000000e+00 : f32
      %parallel_loop3A_348 = vector.broadcast %parallel_loop3A_347 : f32 to vector<16xf32>
      %parallel_loop3A_349 = arith.mulf %parallel_loop3A_348, %parallel_loop3A_346 : vector<16xf32>
      %parallel_loop3A_350 = arith.constant 1.000000e+00 : f32
      %parallel_loop3A_351 = vector.broadcast %parallel_loop3A_350 : f32 to vector<16xf32>
      %parallel_loop3A_352 = arith.subf %parallel_loop3A_349, %parallel_loop3A_351 : vector<16xf32>
      %parallel_loop3A_353 = arith.mulf %parallel_loop3A_340, %parallel_loop3A_352 : vector<16xf32>
      %parallel_loop3A_354 = arith.constant 1.000000e+00 : f32
      %parallel_loop3A_355 = vector.broadcast %parallel_loop3A_354 : f32 to vector<16xf32>
      %parallel_loop3A_356 = arith.subf %parallel_loop3A_355, %parallel_loop3A_353 : vector<16xf32>
      %parallel_loop3A_357 = arith.constant 0.000000e+00 : f32
      %parallel_loop3A_358 = vector.broadcast %parallel_loop3A_357 : f32 to vector<16xf32>
      %parallel_loop3A_359 = arith.cmpf ogt, %parallel_loop3A_356, %parallel_loop3A_358 : vector<16xf32>
      %parallel_loop3A_360 = arith.constant 1.000000e+00 : f32
      %parallel_loop3A_361 = arith.constant 0.000000e+00 : f32
      %parallel_loop3A_362 = vector.broadcast %parallel_loop3A_360 : f32 to vector<16xf32>
      %parallel_loop3A_363 = vector.broadcast %parallel_loop3A_361 : f32 to vector<16xf32>
      %parallel_loop3A_364 = arith.select %parallel_loop3A_359, %parallel_loop3A_362, %parallel_loop3A_363 : vector<16xi1>, vector<16xf32>
      %parallel_loop3A_365 = arith.constant 2.560000e+02 : f32
      %parallel_loop3A_366 = vector.broadcast %parallel_loop3A_365 : f32 to vector<16xf32>
      %parallel_loop3A_367 = arith.mulf %parallel_loop3A_356, %parallel_loop3A_366 : vector<16xf32>
      %parallel_loop3A_368 = arith.fptosi %parallel_loop3A_367 : vector<16xf32> to vector<16xi32>
      %parallel_loop3A_369 = arith.constant 0 : i32
      %parallel_loop3A_370 = arith.constant 2047 : i32
      %parallel_loop3A_371 = vector.broadcast %parallel_loop3A_369 : i32 to vector<16xi32>
      %parallel_loop3A_372 = arith.maxsi %parallel_loop3A_371, %parallel_loop3A_368 : vector<16xi32>
      %parallel_loop3A_373 = vector.broadcast %parallel_loop3A_370 : i32 to vector<16xi32>
      %parallel_loop3A_374 = arith.minsi %parallel_loop3A_373, %parallel_loop3A_372 : vector<16xi32>
      %parallel_loop3A_375 = arith.constant 2048 : i32
      %parallel_loop3A_376 = vector.broadcast %parallel_loop3A_375 : i32 to vector<16xi32>
      %parallel_loop3A_377 = arith.muli %parallel_loop3A_345, %parallel_loop3A_376 : vector<16xi32>
      %parallel_loop3A_378 = vector.broadcast %mul3A_10 : i32 to vector<16xi32>
      %parallel_loop3A_379 = arith.addi %parallel_loop3A_378, %parallel_loop3A_377 : vector<16xi32>
      %parallel_loop3A_380 = arith.addi %parallel_loop3A_379, %parallel_loop3A_374 : vector<16xi32>
      %parallel_loop3A_381 = arith.constant 16 : i32
      %parallel_loop3A_382 = arith.muli %parallel_loop3A_334, %parallel_loop3A_381 : i32
      %parallel_loop3A_383 = arith.index_cast %parallel_loop3A_382 : i32 to index
      %parallel_loop3A_384 = tpu.vector_load %arg11[%parallel_loop3A_383] {strides = array<i32>} : memref<8192xi32, #tpu.memory_space<vmem>>, vector<16xi32>,
      %parallel_loop3A_385 = vector.shape_cast %parallel_loop3A_384 : vector<16xi32> to vector<16xi32>
      %parallel_loop3A_386 = vector.shape_cast %parallel_loop3A_380 : vector<16xi32> to vector<16xi32>
      tpu.vector_store %arg11[%parallel_loop3A_383], %parallel_loop3A_386 {strides = array<i32>} : memref<8192xi32, #tpu.memory_space<vmem>>, vector<16xi32>,
      %parallel_loop3A_387 = arith.constant 16 : i32
      %parallel_loop3A_388 = arith.muli %parallel_loop3A_334, %parallel_loop3A_387 : i32
      %parallel_loop3A_389 = arith.index_cast %parallel_loop3A_388 : i32 to index
      %parallel_loop3A_390 = tpu.vector_load %arg12[%parallel_loop3A_389] {strides = array<i32>} : memref<8192xf32, #tpu.memory_space<vmem>>, vector<16xf32>,
      %parallel_loop3A_391 = vector.shape_cast %parallel_loop3A_390 : vector<16xf32> to vector<16xf32>
      %parallel_loop3A_392 = vector.shape_cast %parallel_loop3A_364 : vector<16xf32> to vector<16xf32>
      tpu.vector_store %arg12[%parallel_loop3A_389], %parallel_loop3A_392 {strides = array<i32>} : memref<8192xf32, #tpu.memory_space<vmem>>, vector<16xf32>,
      %parallel_loop3A_393 = arith.addf %parallel_loop3A_335, %parallel_loop3A_346 : vector<16xf32>
      scf.yield %parallel_loop3A_393 : vector<16xf32>
    } {sc.loop_unroll_factor = 8 : i64, sc.parallel_access}
    %dma_start3A_271 = arith.constant 0 : i32
    %dma_start3A_272 = tpu.memref_slice %arg6[%dma_start3A_271] : memref<65536xf32, #tpu.memory_space<vmem_shared>> -> memref<65536xf32, #tpu.memory_space<vmem_shared>>
    tpu.enqueue_indirect_dma source(%arg12 : memref<8192xf32, #tpu.memory_space<vmem>>) target(%dma_start3A_272 : memref<65536xf32, #tpu.memory_space<vmem_shared>>) offsets(%arg11 : memref<8192xi32, #tpu.memory_space<vmem>>) semaphore(%arg17 : memref<!tpu.dma_semaphore, #tpu.memory_space<semaphore_mem>>) {add = true}
    %dma_wait3A_273 = tpu.memref_slice %arg2[%add3A_260] : memref<4194304xf32, #tpu.memory_space<hbm>> -> memref<8192xf32, #tpu.memory_space<hbm>>
    %dma_wait3A_274 = tpu.memref_slice %arg2[%add3A_260] : memref<4194304xf32, #tpu.memory_space<hbm>> -> memref<8192xf32, #tpu.memory_space<hbm>>
    tpu.wait_dma2 semaphore(%arg16 : memref<!tpu.dma_semaphore, #tpu.memory_space<semaphore_mem>>) src(%dma_wait3A_274 : memref<8192xf32, #tpu.memory_space<hbm>>) dst(%arg9 : memref<8192xf32, #tpu.memory_space<vmem>>)
    %dma_wait3A_275 = tpu.memref_slice %arg3[%add3A_260] : memref<4194304xi32, #tpu.memory_space<hbm>> -> memref<8192xi32, #tpu.memory_space<hbm>>
    %dma_wait3A_276 = tpu.memref_slice %arg3[%add3A_260] : memref<4194304xi32, #tpu.memory_space<hbm>> -> memref<8192xi32, #tpu.memory_space<hbm>>
    tpu.wait_dma2 semaphore(%arg16 : memref<!tpu.dma_semaphore, #tpu.memory_space<semaphore_mem>>) src(%dma_wait3A_276 : memref<8192xi32, #tpu.memory_space<hbm>>) dst(%arg10 : memref<8192xi32, #tpu.memory_space<vmem>>)
    %mul3A_277 = arith.constant 131072 : i32
    %mul3A_278 = arith.muli %add3A, %mul3A_277 : i32
    %add3A_279 = arith.constant 114688 : i32
    %add3A_280 = arith.addi %mul3A_278, %add3A_279 : i32
    %dma_start3A_281 = tpu.memref_slice %arg2[%add3A_280] : memref<4194304xf32, #tpu.memory_space<hbm>> -> memref<8192xf32, #tpu.memory_space<hbm>>
    %dma_start3A_282 = tpu.memref_slice %arg2[%add3A_280] : memref<4194304xf32, #tpu.memory_space<hbm>> -> memref<8192xf32, #tpu.memory_space<hbm>>
    tpu.enqueue_dma source(%dma_start3A_282 : memref<8192xf32, #tpu.memory_space<hbm>>) target(%arg7 : memref<8192xf32, #tpu.memory_space<vmem>>) target_semaphore(%arg15 : memref<!tpu.dma_semaphore, #tpu.memory_space<semaphore_mem>>)
    %dma_start3A_283 = tpu.memref_slice %arg3[%add3A_280] : memref<4194304xi32, #tpu.memory_space<hbm>> -> memref<8192xi32, #tpu.memory_space<hbm>>
    %dma_start3A_284 = tpu.memref_slice %arg3[%add3A_280] : memref<4194304xi32, #tpu.memory_space<hbm>> -> memref<8192xi32, #tpu.memory_space<hbm>>
    tpu.enqueue_dma source(%dma_start3A_284 : memref<8192xi32, #tpu.memory_space<hbm>>) target(%arg8 : memref<8192xi32, #tpu.memory_space<vmem>>) target_semaphore(%arg15 : memref<!tpu.dma_semaphore, #tpu.memory_space<semaphore_mem>>)
    %dma_wait3A_285 = arith.constant 0 : i32
    %dma_wait3A_286 = tpu.memref_slice %arg6[%dma_wait3A_285] : memref<65536xf32, #tpu.memory_space<vmem_shared>> -> memref<65536xf32, #tpu.memory_space<vmem_shared>>
    tpu.wait_indirect_dma semaphore(%arg18 : memref<!tpu.dma_semaphore, #tpu.memory_space<semaphore_mem>>) src(%arg14 : memref<8192xf32, #tpu.memory_space<vmem>>) dst(%dma_wait3A_286 : memref<65536xf32, #tpu.memory_space<vmem_shared>>)
    %parallel_loop3A_287 = arith.constant 0 : i32
    %parallel_loop3A_288 = arith.constant 512 : i32
    %parallel_loop3A_289 = arith.constant 1 : i32
    %parallel_loop3A_290 = scf.for %parallel_loop3A_334 = %parallel_loop3A_287 to %parallel_loop3A_288 step %parallel_loop3A_289 iter_args(%parallel_loop3A_335 = %parallel_loop3A_270) -> (vector<16xf32>)  : i32 {
      %parallel_loop3A_336 = arith.constant 16 : i32
      %parallel_loop3A_337 = arith.muli %parallel_loop3A_334, %parallel_loop3A_336 : i32
      %parallel_loop3A_338 = arith.index_cast %parallel_loop3A_337 : i32 to index
      %parallel_loop3A_339 = tpu.vector_load %arg9[%parallel_loop3A_338] {strides = array<i32>} : memref<8192xf32, #tpu.memory_space<vmem>>, vector<16xf32>,
      %parallel_loop3A_340 = vector.shape_cast %parallel_loop3A_339 : vector<16xf32> to vector<16xf32>
      %parallel_loop3A_341 = arith.constant 16 : i32
      %parallel_loop3A_342 = arith.muli %parallel_loop3A_334, %parallel_loop3A_341 : i32
      %parallel_loop3A_343 = arith.index_cast %parallel_loop3A_342 : i32 to index
      %parallel_loop3A_344 = tpu.vector_load %arg10[%parallel_loop3A_343] {strides = array<i32>} : memref<8192xi32, #tpu.memory_space<vmem>>, vector<16xi32>,
      %parallel_loop3A_345 = vector.shape_cast %parallel_loop3A_344 : vector<16xi32> to vector<16xi32>
      %parallel_loop3A_346 = arith.sitofp %parallel_loop3A_345 : vector<16xi32> to vector<16xf32>
      %parallel_loop3A_347 = arith.constant 2.000000e+00 : f32
      %parallel_loop3A_348 = vector.broadcast %parallel_loop3A_347 : f32 to vector<16xf32>
      %parallel_loop3A_349 = arith.mulf %parallel_loop3A_348, %parallel_loop3A_346 : vector<16xf32>
      %parallel_loop3A_350 = arith.constant 1.000000e+00 : f32
      %parallel_loop3A_351 = vector.broadcast %parallel_loop3A_350 : f32 to vector<16xf32>
      %parallel_loop3A_352 = arith.subf %parallel_loop3A_349, %parallel_loop3A_351 : vector<16xf32>
      %parallel_loop3A_353 = arith.mulf %parallel_loop3A_340, %parallel_loop3A_352 : vector<16xf32>
      %parallel_loop3A_354 = arith.constant 1.000000e+00 : f32
      %parallel_loop3A_355 = vector.broadcast %parallel_loop3A_354 : f32 to vector<16xf32>
      %parallel_loop3A_356 = arith.subf %parallel_loop3A_355, %parallel_loop3A_353 : vector<16xf32>
      %parallel_loop3A_357 = arith.constant 0.000000e+00 : f32
      %parallel_loop3A_358 = vector.broadcast %parallel_loop3A_357 : f32 to vector<16xf32>
      %parallel_loop3A_359 = arith.cmpf ogt, %parallel_loop3A_356, %parallel_loop3A_358 : vector<16xf32>
      %parallel_loop3A_360 = arith.constant 1.000000e+00 : f32
      %parallel_loop3A_361 = arith.constant 0.000000e+00 : f32
      %parallel_loop3A_362 = vector.broadcast %parallel_loop3A_360 : f32 to vector<16xf32>
      %parallel_loop3A_363 = vector.broadcast %parallel_loop3A_361 : f32 to vector<16xf32>
      %parallel_loop3A_364 = arith.select %parallel_loop3A_359, %parallel_loop3A_362, %parallel_loop3A_363 : vector<16xi1>, vector<16xf32>
      %parallel_loop3A_365 = arith.constant 2.560000e+02 : f32
      %parallel_loop3A_366 = vector.broadcast %parallel_loop3A_365 : f32 to vector<16xf32>
      %parallel_loop3A_367 = arith.mulf %parallel_loop3A_356, %parallel_loop3A_366 : vector<16xf32>
      %parallel_loop3A_368 = arith.fptosi %parallel_loop3A_367 : vector<16xf32> to vector<16xi32>
      %parallel_loop3A_369 = arith.constant 0 : i32
      %parallel_loop3A_370 = arith.constant 2047 : i32
      %parallel_loop3A_371 = vector.broadcast %parallel_loop3A_369 : i32 to vector<16xi32>
      %parallel_loop3A_372 = arith.maxsi %parallel_loop3A_371, %parallel_loop3A_368 : vector<16xi32>
      %parallel_loop3A_373 = vector.broadcast %parallel_loop3A_370 : i32 to vector<16xi32>
      %parallel_loop3A_374 = arith.minsi %parallel_loop3A_373, %parallel_loop3A_372 : vector<16xi32>
      %parallel_loop3A_375 = arith.constant 2048 : i32
      %parallel_loop3A_376 = vector.broadcast %parallel_loop3A_375 : i32 to vector<16xi32>
      %parallel_loop3A_377 = arith.muli %parallel_loop3A_345, %parallel_loop3A_376 : vector<16xi32>
      %parallel_loop3A_378 = vector.broadcast %mul3A_10 : i32 to vector<16xi32>
      %parallel_loop3A_379 = arith.addi %parallel_loop3A_378, %parallel_loop3A_377 : vector<16xi32>
      %parallel_loop3A_380 = arith.addi %parallel_loop3A_379, %parallel_loop3A_374 : vector<16xi32>
      %parallel_loop3A_381 = arith.constant 16 : i32
      %parallel_loop3A_382 = arith.muli %parallel_loop3A_334, %parallel_loop3A_381 : i32
      %parallel_loop3A_383 = arith.index_cast %parallel_loop3A_382 : i32 to index
      %parallel_loop3A_384 = tpu.vector_load %arg13[%parallel_loop3A_383] {strides = array<i32>} : memref<8192xi32, #tpu.memory_space<vmem>>, vector<16xi32>,
      %parallel_loop3A_385 = vector.shape_cast %parallel_loop3A_384 : vector<16xi32> to vector<16xi32>
      %parallel_loop3A_386 = vector.shape_cast %parallel_loop3A_380 : vector<16xi32> to vector<16xi32>
      tpu.vector_store %arg13[%parallel_loop3A_383], %parallel_loop3A_386 {strides = array<i32>} : memref<8192xi32, #tpu.memory_space<vmem>>, vector<16xi32>,
      %parallel_loop3A_387 = arith.constant 16 : i32
      %parallel_loop3A_388 = arith.muli %parallel_loop3A_334, %parallel_loop3A_387 : i32
      %parallel_loop3A_389 = arith.index_cast %parallel_loop3A_388 : i32 to index
      %parallel_loop3A_390 = tpu.vector_load %arg14[%parallel_loop3A_389] {strides = array<i32>} : memref<8192xf32, #tpu.memory_space<vmem>>, vector<16xf32>,
      %parallel_loop3A_391 = vector.shape_cast %parallel_loop3A_390 : vector<16xf32> to vector<16xf32>
      %parallel_loop3A_392 = vector.shape_cast %parallel_loop3A_364 : vector<16xf32> to vector<16xf32>
      tpu.vector_store %arg14[%parallel_loop3A_389], %parallel_loop3A_392 {strides = array<i32>} : memref<8192xf32, #tpu.memory_space<vmem>>, vector<16xf32>,
      %parallel_loop3A_393 = arith.addf %parallel_loop3A_335, %parallel_loop3A_346 : vector<16xf32>
      scf.yield %parallel_loop3A_393 : vector<16xf32>
    } {sc.loop_unroll_factor = 8 : i64, sc.parallel_access}
    %dma_start3A_291 = arith.constant 0 : i32
    %dma_start3A_292 = tpu.memref_slice %arg6[%dma_start3A_291] : memref<65536xf32, #tpu.memory_space<vmem_shared>> -> memref<65536xf32, #tpu.memory_space<vmem_shared>>
    tpu.enqueue_indirect_dma source(%arg14 : memref<8192xf32, #tpu.memory_space<vmem>>) target(%dma_start3A_292 : memref<65536xf32, #tpu.memory_space<vmem_shared>>) offsets(%arg13 : memref<8192xi32, #tpu.memory_space<vmem>>) semaphore(%arg18 : memref<!tpu.dma_semaphore, #tpu.memory_space<semaphore_mem>>) {add = true}
    %dma_wait3A_293 = tpu.memref_slice %arg2[%add3A_280] : memref<4194304xf32, #tpu.memory_space<hbm>> -> memref<8192xf32, #tpu.memory_space<hbm>>
    %dma_wait3A_294 = tpu.memref_slice %arg2[%add3A_280] : memref<4194304xf32, #tpu.memory_space<hbm>> -> memref<8192xf32, #tpu.memory_space<hbm>>
    tpu.wait_dma2 semaphore(%arg15 : memref<!tpu.dma_semaphore, #tpu.memory_space<semaphore_mem>>) src(%dma_wait3A_294 : memref<8192xf32, #tpu.memory_space<hbm>>) dst(%arg7 : memref<8192xf32, #tpu.memory_space<vmem>>)
    %dma_wait3A_295 = tpu.memref_slice %arg3[%add3A_280] : memref<4194304xi32, #tpu.memory_space<hbm>> -> memref<8192xi32, #tpu.memory_space<hbm>>
    %dma_wait3A_296 = tpu.memref_slice %arg3[%add3A_280] : memref<4194304xi32, #tpu.memory_space<hbm>> -> memref<8192xi32, #tpu.memory_space<hbm>>
    tpu.wait_dma2 semaphore(%arg15 : memref<!tpu.dma_semaphore, #tpu.memory_space<semaphore_mem>>) src(%dma_wait3A_296 : memref<8192xi32, #tpu.memory_space<hbm>>) dst(%arg8 : memref<8192xi32, #tpu.memory_space<vmem>>)
    %mul3A_297 = arith.constant 131072 : i32
    %mul3A_298 = arith.muli %add3A, %mul3A_297 : i32
    %add3A_299 = arith.constant 122880 : i32
    %add3A_300 = arith.addi %mul3A_298, %add3A_299 : i32
    %dma_start3A_301 = tpu.memref_slice %arg2[%add3A_300] : memref<4194304xf32, #tpu.memory_space<hbm>> -> memref<8192xf32, #tpu.memory_space<hbm>>
    %dma_start3A_302 = tpu.memref_slice %arg2[%add3A_300] : memref<4194304xf32, #tpu.memory_space<hbm>> -> memref<8192xf32, #tpu.memory_space<hbm>>
    tpu.enqueue_dma source(%dma_start3A_302 : memref<8192xf32, #tpu.memory_space<hbm>>) target(%arg9 : memref<8192xf32, #tpu.memory_space<vmem>>) target_semaphore(%arg16 : memref<!tpu.dma_semaphore, #tpu.memory_space<semaphore_mem>>)
    %dma_start3A_303 = tpu.memref_slice %arg3[%add3A_300] : memref<4194304xi32, #tpu.memory_space<hbm>> -> memref<8192xi32, #tpu.memory_space<hbm>>
    %dma_start3A_304 = tpu.memref_slice %arg3[%add3A_300] : memref<4194304xi32, #tpu.memory_space<hbm>> -> memref<8192xi32, #tpu.memory_space<hbm>>
    tpu.enqueue_dma source(%dma_start3A_304 : memref<8192xi32, #tpu.memory_space<hbm>>) target(%arg10 : memref<8192xi32, #tpu.memory_space<vmem>>) target_semaphore(%arg16 : memref<!tpu.dma_semaphore, #tpu.memory_space<semaphore_mem>>)
    %dma_wait3A_305 = arith.constant 0 : i32
    %dma_wait3A_306 = tpu.memref_slice %arg6[%dma_wait3A_305] : memref<65536xf32, #tpu.memory_space<vmem_shared>> -> memref<65536xf32, #tpu.memory_space<vmem_shared>>
    tpu.wait_indirect_dma semaphore(%arg17 : memref<!tpu.dma_semaphore, #tpu.memory_space<semaphore_mem>>) src(%arg12 : memref<8192xf32, #tpu.memory_space<vmem>>) dst(%dma_wait3A_306 : memref<65536xf32, #tpu.memory_space<vmem_shared>>)
    %parallel_loop3A_307 = arith.constant 0 : i32
    %parallel_loop3A_308 = arith.constant 512 : i32
    %parallel_loop3A_309 = arith.constant 1 : i32
    %parallel_loop3A_310 = scf.for %parallel_loop3A_334 = %parallel_loop3A_307 to %parallel_loop3A_308 step %parallel_loop3A_309 iter_args(%parallel_loop3A_335 = %parallel_loop3A_290) -> (vector<16xf32>)  : i32 {
      %parallel_loop3A_336 = arith.constant 16 : i32
      %parallel_loop3A_337 = arith.muli %parallel_loop3A_334, %parallel_loop3A_336 : i32
      %parallel_loop3A_338 = arith.index_cast %parallel_loop3A_337 : i32 to index
      %parallel_loop3A_339 = tpu.vector_load %arg7[%parallel_loop3A_338] {strides = array<i32>} : memref<8192xf32, #tpu.memory_space<vmem>>, vector<16xf32>,
      %parallel_loop3A_340 = vector.shape_cast %parallel_loop3A_339 : vector<16xf32> to vector<16xf32>
      %parallel_loop3A_341 = arith.constant 16 : i32
      %parallel_loop3A_342 = arith.muli %parallel_loop3A_334, %parallel_loop3A_341 : i32
      %parallel_loop3A_343 = arith.index_cast %parallel_loop3A_342 : i32 to index
      %parallel_loop3A_344 = tpu.vector_load %arg8[%parallel_loop3A_343] {strides = array<i32>} : memref<8192xi32, #tpu.memory_space<vmem>>, vector<16xi32>,
      %parallel_loop3A_345 = vector.shape_cast %parallel_loop3A_344 : vector<16xi32> to vector<16xi32>
      %parallel_loop3A_346 = arith.sitofp %parallel_loop3A_345 : vector<16xi32> to vector<16xf32>
      %parallel_loop3A_347 = arith.constant 2.000000e+00 : f32
      %parallel_loop3A_348 = vector.broadcast %parallel_loop3A_347 : f32 to vector<16xf32>
      %parallel_loop3A_349 = arith.mulf %parallel_loop3A_348, %parallel_loop3A_346 : vector<16xf32>
      %parallel_loop3A_350 = arith.constant 1.000000e+00 : f32
      %parallel_loop3A_351 = vector.broadcast %parallel_loop3A_350 : f32 to vector<16xf32>
      %parallel_loop3A_352 = arith.subf %parallel_loop3A_349, %parallel_loop3A_351 : vector<16xf32>
      %parallel_loop3A_353 = arith.mulf %parallel_loop3A_340, %parallel_loop3A_352 : vector<16xf32>
      %parallel_loop3A_354 = arith.constant 1.000000e+00 : f32
      %parallel_loop3A_355 = vector.broadcast %parallel_loop3A_354 : f32 to vector<16xf32>
      %parallel_loop3A_356 = arith.subf %parallel_loop3A_355, %parallel_loop3A_353 : vector<16xf32>
      %parallel_loop3A_357 = arith.constant 0.000000e+00 : f32
      %parallel_loop3A_358 = vector.broadcast %parallel_loop3A_357 : f32 to vector<16xf32>
      %parallel_loop3A_359 = arith.cmpf ogt, %parallel_loop3A_356, %parallel_loop3A_358 : vector<16xf32>
      %parallel_loop3A_360 = arith.constant 1.000000e+00 : f32
      %parallel_loop3A_361 = arith.constant 0.000000e+00 : f32
      %parallel_loop3A_362 = vector.broadcast %parallel_loop3A_360 : f32 to vector<16xf32>
      %parallel_loop3A_363 = vector.broadcast %parallel_loop3A_361 : f32 to vector<16xf32>
      %parallel_loop3A_364 = arith.select %parallel_loop3A_359, %parallel_loop3A_362, %parallel_loop3A_363 : vector<16xi1>, vector<16xf32>
      %parallel_loop3A_365 = arith.constant 2.560000e+02 : f32
      %parallel_loop3A_366 = vector.broadcast %parallel_loop3A_365 : f32 to vector<16xf32>
      %parallel_loop3A_367 = arith.mulf %parallel_loop3A_356, %parallel_loop3A_366 : vector<16xf32>
      %parallel_loop3A_368 = arith.fptosi %parallel_loop3A_367 : vector<16xf32> to vector<16xi32>
      %parallel_loop3A_369 = arith.constant 0 : i32
      %parallel_loop3A_370 = arith.constant 2047 : i32
      %parallel_loop3A_371 = vector.broadcast %parallel_loop3A_369 : i32 to vector<16xi32>
      %parallel_loop3A_372 = arith.maxsi %parallel_loop3A_371, %parallel_loop3A_368 : vector<16xi32>
      %parallel_loop3A_373 = vector.broadcast %parallel_loop3A_370 : i32 to vector<16xi32>
      %parallel_loop3A_374 = arith.minsi %parallel_loop3A_373, %parallel_loop3A_372 : vector<16xi32>
      %parallel_loop3A_375 = arith.constant 2048 : i32
      %parallel_loop3A_376 = vector.broadcast %parallel_loop3A_375 : i32 to vector<16xi32>
      %parallel_loop3A_377 = arith.muli %parallel_loop3A_345, %parallel_loop3A_376 : vector<16xi32>
      %parallel_loop3A_378 = vector.broadcast %mul3A_10 : i32 to vector<16xi32>
      %parallel_loop3A_379 = arith.addi %parallel_loop3A_378, %parallel_loop3A_377 : vector<16xi32>
      %parallel_loop3A_380 = arith.addi %parallel_loop3A_379, %parallel_loop3A_374 : vector<16xi32>
      %parallel_loop3A_381 = arith.constant 16 : i32
      %parallel_loop3A_382 = arith.muli %parallel_loop3A_334, %parallel_loop3A_381 : i32
      %parallel_loop3A_383 = arith.index_cast %parallel_loop3A_382 : i32 to index
      %parallel_loop3A_384 = tpu.vector_load %arg11[%parallel_loop3A_383] {strides = array<i32>} : memref<8192xi32, #tpu.memory_space<vmem>>, vector<16xi32>,
      %parallel_loop3A_385 = vector.shape_cast %parallel_loop3A_384 : vector<16xi32> to vector<16xi32>
      %parallel_loop3A_386 = vector.shape_cast %parallel_loop3A_380 : vector<16xi32> to vector<16xi32>
      tpu.vector_store %arg11[%parallel_loop3A_383], %parallel_loop3A_386 {strides = array<i32>} : memref<8192xi32, #tpu.memory_space<vmem>>, vector<16xi32>,
      %parallel_loop3A_387 = arith.constant 16 : i32
      %parallel_loop3A_388 = arith.muli %parallel_loop3A_334, %parallel_loop3A_387 : i32
      %parallel_loop3A_389 = arith.index_cast %parallel_loop3A_388 : i32 to index
      %parallel_loop3A_390 = tpu.vector_load %arg12[%parallel_loop3A_389] {strides = array<i32>} : memref<8192xf32, #tpu.memory_space<vmem>>, vector<16xf32>,
      %parallel_loop3A_391 = vector.shape_cast %parallel_loop3A_390 : vector<16xf32> to vector<16xf32>
      %parallel_loop3A_392 = vector.shape_cast %parallel_loop3A_364 : vector<16xf32> to vector<16xf32>
      tpu.vector_store %arg12[%parallel_loop3A_389], %parallel_loop3A_392 {strides = array<i32>} : memref<8192xf32, #tpu.memory_space<vmem>>, vector<16xf32>,
      %parallel_loop3A_393 = arith.addf %parallel_loop3A_335, %parallel_loop3A_346 : vector<16xf32>
      scf.yield %parallel_loop3A_393 : vector<16xf32>
    } {sc.loop_unroll_factor = 8 : i64, sc.parallel_access}
    %dma_start3A_311 = arith.constant 0 : i32
    %dma_start3A_312 = tpu.memref_slice %arg6[%dma_start3A_311] : memref<65536xf32, #tpu.memory_space<vmem_shared>> -> memref<65536xf32, #tpu.memory_space<vmem_shared>>
    tpu.enqueue_indirect_dma source(%arg12 : memref<8192xf32, #tpu.memory_space<vmem>>) target(%dma_start3A_312 : memref<65536xf32, #tpu.memory_space<vmem_shared>>) offsets(%arg11 : memref<8192xi32, #tpu.memory_space<vmem>>) semaphore(%arg17 : memref<!tpu.dma_semaphore, #tpu.memory_space<semaphore_mem>>) {add = true}
    %dma_wait3A_313 = tpu.memref_slice %arg2[%add3A_300] : memref<4194304xf32, #tpu.memory_space<hbm>> -> memref<8192xf32, #tpu.memory_space<hbm>>
    %dma_wait3A_314 = tpu.memref_slice %arg2[%add3A_300] : memref<4194304xf32, #tpu.memory_space<hbm>> -> memref<8192xf32, #tpu.memory_space<hbm>>
    tpu.wait_dma2 semaphore(%arg16 : memref<!tpu.dma_semaphore, #tpu.memory_space<semaphore_mem>>) src(%dma_wait3A_314 : memref<8192xf32, #tpu.memory_space<hbm>>) dst(%arg9 : memref<8192xf32, #tpu.memory_space<vmem>>)
    %dma_wait3A_315 = tpu.memref_slice %arg3[%add3A_300] : memref<4194304xi32, #tpu.memory_space<hbm>> -> memref<8192xi32, #tpu.memory_space<hbm>>
    %dma_wait3A_316 = tpu.memref_slice %arg3[%add3A_300] : memref<4194304xi32, #tpu.memory_space<hbm>> -> memref<8192xi32, #tpu.memory_space<hbm>>
    tpu.wait_dma2 semaphore(%arg16 : memref<!tpu.dma_semaphore, #tpu.memory_space<semaphore_mem>>) src(%dma_wait3A_316 : memref<8192xi32, #tpu.memory_space<hbm>>) dst(%arg10 : memref<8192xi32, #tpu.memory_space<vmem>>)
    %dma_wait3A_317 = arith.constant 0 : i32
    %dma_wait3A_318 = tpu.memref_slice %arg6[%dma_wait3A_317] : memref<65536xf32, #tpu.memory_space<vmem_shared>> -> memref<65536xf32, #tpu.memory_space<vmem_shared>>
    tpu.wait_indirect_dma semaphore(%arg18 : memref<!tpu.dma_semaphore, #tpu.memory_space<semaphore_mem>>) src(%arg14 : memref<8192xf32, #tpu.memory_space<vmem>>) dst(%dma_wait3A_318 : memref<65536xf32, #tpu.memory_space<vmem_shared>>)
    %parallel_loop3A_319 = arith.constant 0 : i32
    %parallel_loop3A_320 = arith.constant 512 : i32
    %parallel_loop3A_321 = arith.constant 1 : i32
    %parallel_loop3A_322 = scf.for %parallel_loop3A_334 = %parallel_loop3A_319 to %parallel_loop3A_320 step %parallel_loop3A_321 iter_args(%parallel_loop3A_335 = %parallel_loop3A_310) -> (vector<16xf32>)  : i32 {
      %parallel_loop3A_336 = arith.constant 16 : i32
      %parallel_loop3A_337 = arith.muli %parallel_loop3A_334, %parallel_loop3A_336 : i32
      %parallel_loop3A_338 = arith.index_cast %parallel_loop3A_337 : i32 to index
      %parallel_loop3A_339 = tpu.vector_load %arg9[%parallel_loop3A_338] {strides = array<i32>} : memref<8192xf32, #tpu.memory_space<vmem>>, vector<16xf32>,
      %parallel_loop3A_340 = vector.shape_cast %parallel_loop3A_339 : vector<16xf32> to vector<16xf32>
      %parallel_loop3A_341 = arith.constant 16 : i32
      %parallel_loop3A_342 = arith.muli %parallel_loop3A_334, %parallel_loop3A_341 : i32
      %parallel_loop3A_343 = arith.index_cast %parallel_loop3A_342 : i32 to index
      %parallel_loop3A_344 = tpu.vector_load %arg10[%parallel_loop3A_343] {strides = array<i32>} : memref<8192xi32, #tpu.memory_space<vmem>>, vector<16xi32>,
      %parallel_loop3A_345 = vector.shape_cast %parallel_loop3A_344 : vector<16xi32> to vector<16xi32>
      %parallel_loop3A_346 = arith.sitofp %parallel_loop3A_345 : vector<16xi32> to vector<16xf32>
      %parallel_loop3A_347 = arith.constant 2.000000e+00 : f32
      %parallel_loop3A_348 = vector.broadcast %parallel_loop3A_347 : f32 to vector<16xf32>
      %parallel_loop3A_349 = arith.mulf %parallel_loop3A_348, %parallel_loop3A_346 : vector<16xf32>
      %parallel_loop3A_350 = arith.constant 1.000000e+00 : f32
      %parallel_loop3A_351 = vector.broadcast %parallel_loop3A_350 : f32 to vector<16xf32>
      %parallel_loop3A_352 = arith.subf %parallel_loop3A_349, %parallel_loop3A_351 : vector<16xf32>
      %parallel_loop3A_353 = arith.mulf %parallel_loop3A_340, %parallel_loop3A_352 : vector<16xf32>
      %parallel_loop3A_354 = arith.constant 1.000000e+00 : f32
      %parallel_loop3A_355 = vector.broadcast %parallel_loop3A_354 : f32 to vector<16xf32>
      %parallel_loop3A_356 = arith.subf %parallel_loop3A_355, %parallel_loop3A_353 : vector<16xf32>
      %parallel_loop3A_357 = arith.constant 0.000000e+00 : f32
      %parallel_loop3A_358 = vector.broadcast %parallel_loop3A_357 : f32 to vector<16xf32>
      %parallel_loop3A_359 = arith.cmpf ogt, %parallel_loop3A_356, %parallel_loop3A_358 : vector<16xf32>
      %parallel_loop3A_360 = arith.constant 1.000000e+00 : f32
      %parallel_loop3A_361 = arith.constant 0.000000e+00 : f32
      %parallel_loop3A_362 = vector.broadcast %parallel_loop3A_360 : f32 to vector<16xf32>
      %parallel_loop3A_363 = vector.broadcast %parallel_loop3A_361 : f32 to vector<16xf32>
      %parallel_loop3A_364 = arith.select %parallel_loop3A_359, %parallel_loop3A_362, %parallel_loop3A_363 : vector<16xi1>, vector<16xf32>
      %parallel_loop3A_365 = arith.constant 2.560000e+02 : f32
      %parallel_loop3A_366 = vector.broadcast %parallel_loop3A_365 : f32 to vector<16xf32>
      %parallel_loop3A_367 = arith.mulf %parallel_loop3A_356, %parallel_loop3A_366 : vector<16xf32>
      %parallel_loop3A_368 = arith.fptosi %parallel_loop3A_367 : vector<16xf32> to vector<16xi32>
      %parallel_loop3A_369 = arith.constant 0 : i32
      %parallel_loop3A_370 = arith.constant 2047 : i32
      %parallel_loop3A_371 = vector.broadcast %parallel_loop3A_369 : i32 to vector<16xi32>
      %parallel_loop3A_372 = arith.maxsi %parallel_loop3A_371, %parallel_loop3A_368 : vector<16xi32>
      %parallel_loop3A_373 = vector.broadcast %parallel_loop3A_370 : i32 to vector<16xi32>
      %parallel_loop3A_374 = arith.minsi %parallel_loop3A_373, %parallel_loop3A_372 : vector<16xi32>
      %parallel_loop3A_375 = arith.constant 2048 : i32
      %parallel_loop3A_376 = vector.broadcast %parallel_loop3A_375 : i32 to vector<16xi32>
      %parallel_loop3A_377 = arith.muli %parallel_loop3A_345, %parallel_loop3A_376 : vector<16xi32>
      %parallel_loop3A_378 = vector.broadcast %mul3A_10 : i32 to vector<16xi32>
      %parallel_loop3A_379 = arith.addi %parallel_loop3A_378, %parallel_loop3A_377 : vector<16xi32>
      %parallel_loop3A_380 = arith.addi %parallel_loop3A_379, %parallel_loop3A_374 : vector<16xi32>
      %parallel_loop3A_381 = arith.constant 16 : i32
      %parallel_loop3A_382 = arith.muli %parallel_loop3A_334, %parallel_loop3A_381 : i32
      %parallel_loop3A_383 = arith.index_cast %parallel_loop3A_382 : i32 to index
      %parallel_loop3A_384 = tpu.vector_load %arg13[%parallel_loop3A_383] {strides = array<i32>} : memref<8192xi32, #tpu.memory_space<vmem>>, vector<16xi32>,
      %parallel_loop3A_385 = vector.shape_cast %parallel_loop3A_384 : vector<16xi32> to vector<16xi32>
      %parallel_loop3A_386 = vector.shape_cast %parallel_loop3A_380 : vector<16xi32> to vector<16xi32>
      tpu.vector_store %arg13[%parallel_loop3A_383], %parallel_loop3A_386 {strides = array<i32>} : memref<8192xi32, #tpu.memory_space<vmem>>, vector<16xi32>,
      %parallel_loop3A_387 = arith.constant 16 : i32
      %parallel_loop3A_388 = arith.muli %parallel_loop3A_334, %parallel_loop3A_387 : i32
      %parallel_loop3A_389 = arith.index_cast %parallel_loop3A_388 : i32 to index
      %parallel_loop3A_390 = tpu.vector_load %arg14[%parallel_loop3A_389] {strides = array<i32>} : memref<8192xf32, #tpu.memory_space<vmem>>, vector<16xf32>,
      %parallel_loop3A_391 = vector.shape_cast %parallel_loop3A_390 : vector<16xf32> to vector<16xf32>
      %parallel_loop3A_392 = vector.shape_cast %parallel_loop3A_364 : vector<16xf32> to vector<16xf32>
      tpu.vector_store %arg14[%parallel_loop3A_389], %parallel_loop3A_392 {strides = array<i32>} : memref<8192xf32, #tpu.memory_space<vmem>>, vector<16xf32>,
      %parallel_loop3A_393 = arith.addf %parallel_loop3A_335, %parallel_loop3A_346 : vector<16xf32>
      scf.yield %parallel_loop3A_393 : vector<16xf32>
    } {sc.loop_unroll_factor = 8 : i64, sc.parallel_access}
    %dma_start3A_323 = arith.constant 0 : i32
    %dma_start3A_324 = tpu.memref_slice %arg6[%dma_start3A_323] : memref<65536xf32, #tpu.memory_space<vmem_shared>> -> memref<65536xf32, #tpu.memory_space<vmem_shared>>
    tpu.enqueue_indirect_dma source(%arg14 : memref<8192xf32, #tpu.memory_space<vmem>>) target(%dma_start3A_324 : memref<65536xf32, #tpu.memory_space<vmem_shared>>) offsets(%arg13 : memref<8192xi32, #tpu.memory_space<vmem>>) semaphore(%arg18 : memref<!tpu.dma_semaphore, #tpu.memory_space<semaphore_mem>>) {add = true}
    %dma_wait3A_325 = arith.constant 0 : i32
    %dma_wait3A_326 = tpu.memref_slice %arg6[%dma_wait3A_325] : memref<65536xf32, #tpu.memory_space<vmem_shared>> -> memref<65536xf32, #tpu.memory_space<vmem_shared>>
    tpu.wait_indirect_dma semaphore(%arg17 : memref<!tpu.dma_semaphore, #tpu.memory_space<semaphore_mem>>) src(%arg12 : memref<8192xf32, #tpu.memory_space<vmem>>) dst(%dma_wait3A_326 : memref<65536xf32, #tpu.memory_space<vmem_shared>>)
    %dma_wait3A_327 = arith.constant 0 : i32
    %dma_wait3A_328 = tpu.memref_slice %arg6[%dma_wait3A_327] : memref<65536xf32, #tpu.memory_space<vmem_shared>> -> memref<65536xf32, #tpu.memory_space<vmem_shared>>
    tpu.wait_indirect_dma semaphore(%arg18 : memref<!tpu.dma_semaphore, #tpu.memory_space<semaphore_mem>>) src(%arg14 : memref<8192xf32, #tpu.memory_space<vmem>>) dst(%dma_wait3A_328 : memref<65536xf32, #tpu.memory_space<vmem_shared>>)
    %mul3A_329 = arith.constant 4096 : i32
    %mul3A_330 = arith.muli %arg1, %mul3A_329 : i32
    "tpu.region"() ({
      %run_scoped3A = tpu.sem_alloc : memref<!tpu.dma_semaphore, #tpu.memory_space<semaphore_mem>>
      %dma_start3A_334 = arith.constant 0 : i32
      %dma_start3A_335 = tpu.memref_slice %arg4[%add3A, %dma_start3A_334] : memref<32x4096xf32, #tpu.memory_space<hbm>> -> memref<1x4096xf32, #tpu.memory_space<hbm>>
      %dma_start3A_336 = tpu.memref_squeeze %dma_start3A_335 : memref<1x4096xf32, #tpu.memory_space<hbm>> -> memref<4096xf32, #tpu.memory_space<hbm>>
      %dma_start3A_337 = tpu.memref_slice %arg6[%mul3A_330] : memref<65536xf32, #tpu.memory_space<vmem_shared>> -> memref<4096xf32, #tpu.memory_space<vmem_shared>>
      tpu.enqueue_dma source(%dma_start3A_337 : memref<4096xf32, #tpu.memory_space<vmem_shared>>) target(%dma_start3A_336 : memref<4096xf32, #tpu.memory_space<hbm>>) target_semaphore(%run_scoped3A : memref<!tpu.dma_semaphore, #tpu.memory_space<semaphore_mem>>)
      %dma_wait3A_338 = arith.constant 0 : i32
      %dma_wait3A_339 = tpu.memref_slice %arg4[%add3A, %dma_wait3A_338] : memref<32x4096xf32, #tpu.memory_space<hbm>> -> memref<1x4096xf32, #tpu.memory_space<hbm>>
      %dma_wait3A_340 = tpu.memref_squeeze %dma_wait3A_339 : memref<1x4096xf32, #tpu.memory_space<hbm>> -> memref<4096xf32, #tpu.memory_space<hbm>>
      %dma_wait3A_341 = tpu.memref_slice %arg6[%mul3A_330] : memref<65536xf32, #tpu.memory_space<vmem_shared>> -> memref<4096xf32, #tpu.memory_space<vmem_shared>>
      tpu.wait_dma2 semaphore(%run_scoped3A : memref<!tpu.dma_semaphore, #tpu.memory_space<semaphore_mem>>) src(%dma_wait3A_341 : memref<4096xf32, #tpu.memory_space<vmem_shared>>) dst(%dma_wait3A_340 : memref<4096xf32, #tpu.memory_space<hbm>>)
      tpu.yield
    }) : () -> ()
    %swap3A = arith.constant 0 : index
    %swap3A_331 = tpu.vector_load %arg19[%swap3A] {strides = array<i32>} : memref<16xf32, #tpu.memory_space<vmem>>, vector<16xf32>,
    %swap3A_332 = vector.shape_cast %swap3A_331 : vector<16xf32> to vector<16xf32>
    %swap3A_333 = vector.shape_cast %parallel_loop3A_322 : vector<16xf32> to vector<16xf32>
    tpu.vector_store %arg19[%swap3A], %swap3A_333 {strides = array<i32>} : memref<16xf32, #tpu.memory_space<vmem>>, vector<16xf32>,
    "tpu.region"() ({
      %run_scoped3A = tpu.sem_alloc : memref<!tpu.dma_semaphore, #tpu.memory_space<semaphore_mem>>
      %dma_start3A_334 = arith.constant 0 : i32
      %dma_start3A_335 = tpu.memref_slice %arg5[%add3A, %dma_start3A_334] : memref<32x16xf32, #tpu.memory_space<hbm>> -> memref<1x16xf32, #tpu.memory_space<hbm>>
      %dma_start3A_336 = tpu.memref_squeeze %dma_start3A_335 : memref<1x16xf32, #tpu.memory_space<hbm>> -> memref<16xf32, #tpu.memory_space<hbm>>
      %dma_start3A_337 = arith.constant 0 : i32
      %dma_start3A_338 = tpu.memref_slice %arg5[%add3A, %dma_start3A_337] : memref<32x16xf32, #tpu.memory_space<hbm>> -> memref<1x16xf32, #tpu.memory_space<hbm>>
      %dma_start3A_339 = tpu.memref_squeeze %dma_start3A_338 : memref<1x16xf32, #tpu.memory_space<hbm>> -> memref<16xf32, #tpu.memory_space<hbm>>
      tpu.enqueue_dma source(%arg19 : memref<16xf32, #tpu.memory_space<vmem>>) target(%dma_start3A_339 : memref<16xf32, #tpu.memory_space<hbm>>) target_semaphore(%run_scoped3A : memref<!tpu.dma_semaphore, #tpu.memory_space<semaphore_mem>>)
      %dma_wait3A_340 = arith.constant 0 : i32
      %dma_wait3A_341 = tpu.memref_slice %arg5[%add3A, %dma_wait3A_340] : memref<32x16xf32, #tpu.memory_space<hbm>> -> memref<1x16xf32, #tpu.memory_space<hbm>>
      %dma_wait3A_342 = tpu.memref_squeeze %dma_wait3A_341 : memref<1x16xf32, #tpu.memory_space<hbm>> -> memref<16xf32, #tpu.memory_space<hbm>>
      %dma_wait3A_343 = arith.constant 0 : i32
      %dma_wait3A_344 = tpu.memref_slice %arg5[%add3A, %dma_wait3A_343] : memref<32x16xf32, #tpu.memory_space<hbm>> -> memref<1x16xf32, #tpu.memory_space<hbm>>
      %dma_wait3A_345 = tpu.memref_squeeze %dma_wait3A_344 : memref<1x16xf32, #tpu.memory_space<hbm>> -> memref<16xf32, #tpu.memory_space<hbm>>
      tpu.wait_dma2 semaphore(%run_scoped3A : memref<!tpu.dma_semaphore, #tpu.memory_space<semaphore_mem>>) src(%arg19 : memref<16xf32, #tpu.memory_space<vmem>>) dst(%dma_wait3A_345 : memref<16xf32, #tpu.memory_space<hbm>>)
      tpu.yield
    }) : () -> ()
    return
  }
}

module attributes {stable_mosaic.version = 14 : i64} {
  func.func @_epi_body(%arg0: memref<32x4096xf32, #tpu.memory_space<vmem>>, %arg1: memref<32x16xf32, #tpu.memory_space<vmem>>, %arg2: memref<1x1xf32, #tpu.memory_space<vmem>>) attributes {dimension_semantics = [], scalar_prefetch = 0 : i64, scratch_operands = 0 : i64, tpu.core_type = #tpu.core_type<tc>} {
    %get3A = arith.constant 0 : index
    %get3A_0 = arith.constant 0 : index
    %get3A_1 = vector.load %arg0[%get3A, %get3A_0] : memref<32x4096xf32, #tpu.memory_space<vmem>>, vector<32x4096xf32>
    %reduce_sum3A = arith.constant dense<0.000000e+00> : vector<4096xf32>
    %reduce_sum3A_2 = vector.multi_reduction <add>, %get3A_1, %reduce_sum3A [0] : vector<32x4096xf32> to vector<4096xf32>
    %slice3A = vector.extract_strided_slice %reduce_sum3A_2 {offsets = [0], sizes = [2048], strides = [1]} : vector<4096xf32> to vector<2048xf32>
    %slice3A_3 = vector.extract_strided_slice %reduce_sum3A_2 {offsets = [2048], sizes = [2048], strides = [1]} : vector<4096xf32> to vector<2048xf32>
    %add3A = arith.addf %slice3A, %slice3A_3 : vector<2048xf32>
    %reshape3A = vector.shape_cast %add3A : vector<2048xf32> to vector<16x128xf32>
    %reshape3A_4 = vector.shape_cast %slice3A_3 : vector<2048xf32> to vector<16x128xf32>
    %get3A_5 = arith.constant 0 : index
    %get3A_6 = arith.constant 0 : index
    %get3A_7 = vector.load %arg1[%get3A_5, %get3A_6] : memref<32x16xf32, #tpu.memory_space<vmem>>, vector<32x16xf32>
    %reduce_sum3A_8 = vector.shape_cast %get3A_7 : vector<32x16xf32> to vector<1x32x16xf32>
    %reduce_sum3A_9 = arith.constant dense<0.000000e+00> : vector<1xf32>
    %reduce_sum3A_10 = vector.multi_reduction <add>, %reduce_sum3A_8, %reduce_sum3A_9 [1, 2] : vector<1x32x16xf32> to vector<1xf32>
    %reduce_sum3A_11 = vector.shape_cast %reduce_sum3A_10 : vector<1xf32> to vector<1x1x1xf32>
    %reduce_sum3A_12 = vector.extract %reduce_sum3A_11[0, 0, 0] : f32 from vector<1x1x1xf32>
    %iota3A = tpu.iota {dimensions = array<i32: 0>} : vector<128x128xi32>
    %iota3A_13 = tpu.iota {dimensions = array<i32: 1>} : vector<128x128xi32>
    %ge3A = arith.cmpi sge, %iota3A, %iota3A_13 : vector<128x128xi32>
    %convert_element_type3A = arith.extui %ge3A : vector<128x128xi1> to vector<128x128xi32>
    %convert_element_type3A_14 = arith.sitofp %convert_element_type3A : vector<128x128xi32> to vector<128x128xf32>
    %dot_general3A = arith.constant dense<0.000000e+00> : vector<16x128xf32>
    %dot_general3A_15 = tpu.matmul %reshape3A, %convert_element_type3A_14, %dot_general3A {dimension_numbers = #tpu.dot_dimension_numbers<[1], [0], [0], [1], [0, 0, 1, 1], [], []>, precision = #tpu.contract_precision<fp32>, transpose_lhs_hint = false} : vector<16x128xf32>, vector<128x128xf32>, vector<16x128xf32> -> vector<16x128xf32>
    %dot_general3A_16 = arith.constant dense<0.000000e+00> : vector<16x128xf32>
    %dot_general3A_17 = tpu.matmul %reshape3A_4, %convert_element_type3A_14, %dot_general3A_16 {dimension_numbers = #tpu.dot_dimension_numbers<[1], [0], [0], [1], [0, 0, 1, 1], [], []>, precision = #tpu.contract_precision<fp32>, transpose_lhs_hint = false} : vector<16x128xf32>, vector<128x128xf32>, vector<16x128xf32> -> vector<16x128xf32>
    %iota3A_18 = tpu.iota {dimensions = array<i32: 1>} : vector<16x16xi32>
    %iota3A_19 = tpu.iota {dimensions = array<i32: 0>} : vector<16x16xi32>
    %gt3A = arith.cmpi sgt, %iota3A_18, %iota3A_19 : vector<16x16xi32>
    %convert_element_type3A_20 = arith.extui %gt3A : vector<16x16xi1> to vector<16x16xi32>
    %convert_element_type3A_21 = arith.sitofp %convert_element_type3A_20 : vector<16x16xi32> to vector<16x16xf32>
    %reduce_sum3A_22 = arith.constant dense<0.000000e+00> : vector<16xf32>
    %reduce_sum3A_23 = vector.multi_reduction <add>, %reshape3A, %reduce_sum3A_22 [1] : vector<16x128xf32> to vector<16xf32>
    %broadcast_in_dim3A = vector.shape_cast %reduce_sum3A_23 : vector<16xf32> to vector<16x1xf32>
    %reduce_sum3A_24 = arith.constant dense<0.000000e+00> : vector<16xf32>
    %reduce_sum3A_25 = vector.multi_reduction <add>, %reshape3A_4, %reduce_sum3A_24 [1] : vector<16x128xf32> to vector<16xf32>
    %broadcast_in_dim3A_26 = vector.shape_cast %reduce_sum3A_25 : vector<16xf32> to vector<16x1xf32>
    %dot_general3A_27 = arith.constant dense<0.000000e+00> : vector<16x1xf32>
    %dot_general3A_28 = tpu.matmul %convert_element_type3A_21, %broadcast_in_dim3A, %dot_general3A_27 {dimension_numbers = #tpu.dot_dimension_numbers<[1], [0], [0], [1], [0, 0, 1, 1], [], []>, precision = #tpu.contract_precision<fp32>, transpose_lhs_hint = false} : vector<16x16xf32>, vector<16x1xf32>, vector<16x1xf32> -> vector<16x1xf32>
    %add3A_29 = vector.broadcast %dot_general3A_28 : vector<16x1xf32> to vector<16x128xf32>
    %add3A_30 = arith.addf %dot_general3A_15, %add3A_29 : vector<16x128xf32>
    %dot_general3A_31 = arith.constant dense<0.000000e+00> : vector<16x1xf32>
    %dot_general3A_32 = tpu.matmul %convert_element_type3A_21, %broadcast_in_dim3A_26, %dot_general3A_31 {dimension_numbers = #tpu.dot_dimension_numbers<[1], [0], [0], [1], [0, 0, 1, 1], [], []>, precision = #tpu.contract_precision<fp32>, transpose_lhs_hint = false} : vector<16x16xf32>, vector<16x1xf32>, vector<16x1xf32> -> vector<16x1xf32>
    %add3A_33 = vector.broadcast %dot_general3A_32 : vector<16x1xf32> to vector<16x128xf32>
    %add3A_34 = arith.addf %dot_general3A_17, %add3A_33 : vector<16x128xf32>
    %iota3A_35 = tpu.iota {dimensions = array<i32: 0>} : vector<16x128xi32>
    %mul3A = arith.constant 128 : i32
    %mul3A_36 = vector.broadcast %mul3A : i32 to vector<16x128xi32>
    %mul3A_37 = arith.muli %iota3A_35, %mul3A_36 : vector<16x128xi32>
    %iota3A_38 = tpu.iota {dimensions = array<i32: 1>} : vector<16x128xi32>
    %add3A_39 = arith.addi %mul3A_37, %iota3A_38 : vector<16x128xi32>
    %convert_element_type3A_40 = arith.sitofp %add3A_39 : vector<16x128xi32> to vector<16x128xf32>
    %add3A_41 = arith.constant 5.000000e-01 : f32
    %add3A_42 = vector.broadcast %add3A_41 : f32 to vector<16x128xf32>
    %add3A_43 = arith.addf %convert_element_type3A_40, %add3A_42 : vector<16x128xf32>
    %mul3A_44 = arith.constant 3.906250e-03 : f32
    %mul3A_45 = vector.broadcast %mul3A_44 : f32 to vector<16x128xf32>
    %mul3A_46 = arith.mulf %add3A_43, %mul3A_45 : vector<16x128xf32>
    %add3A_47 = vector.broadcast %reduce_sum3A_12 : f32 to vector<16x128xf32>
    %add3A_48 = arith.addf %add3A_47, %add3A_30 : vector<16x128xf32>
    %sub3A = arith.subf %add3A_48, %add3A_34 : vector<16x128xf32>
    %gt3A_49 = arith.constant 0.000000e+00 : f32
    %gt3A_50 = vector.broadcast %gt3A_49 : f32 to vector<16x128xf32>
    %gt3A_51 = arith.cmpf ogt, %add3A_30, %gt3A_50 : vector<16x128xf32>
    %jit3A = arith.constant 1.000000e+00 : f32
    %broadcast_in_dim3A_52 = vector.broadcast %jit3A : f32 to vector<16x128xf32>
    %select_n3A = arith.select %gt3A_51, %sub3A, %broadcast_in_dim3A_52 : vector<16x128xi1>, vector<16x128xf32>
    %gt3A_53 = arith.constant 0.000000e+00 : f32
    %gt3A_54 = vector.broadcast %gt3A_53 : f32 to vector<16x128xf32>
    %gt3A_55 = arith.cmpf ogt, %add3A_30, %gt3A_54 : vector<16x128xf32>
    %sub3A_56 = vector.broadcast %reduce_sum3A_12 : f32 to vector<16x128xf32>
    %sub3A_57 = arith.subf %sub3A_56, %add3A_34 : vector<16x128xf32>
    %div3A = arith.divf %sub3A_57, %select_n3A : vector<16x128xf32>
    %sub3A_58 = arith.constant 1.000000e+00 : f32
    %sub3A_59 = vector.broadcast %sub3A_58 : f32 to vector<16x128xf32>
    %sub3A_60 = arith.subf %sub3A_59, %div3A : vector<16x128xf32>
    %jit3A_61 = arith.constant 0.000000e+00 : f32
    %broadcast_in_dim3A_62 = vector.broadcast %jit3A_61 : f32 to vector<16x128xf32>
    %select_n3A_63 = arith.select %gt3A_55, %sub3A_60, %broadcast_in_dim3A_62 : vector<16x128xi1>, vector<16x128xf32>
    %sub3A_64 = arith.subf %add3A_30, %reshape3A : vector<16x128xf32>
    %sub3A_65 = arith.subf %add3A_34, %reshape3A_4 : vector<16x128xf32>
    %add3A_66 = vector.broadcast %reduce_sum3A_12 : f32 to vector<16x128xf32>
    %add3A_67 = arith.addf %add3A_66, %sub3A_64 : vector<16x128xf32>
    %sub3A_68 = arith.subf %add3A_67, %sub3A_65 : vector<16x128xf32>
    %gt3A_69 = arith.constant 0.000000e+00 : f32
    %gt3A_70 = vector.broadcast %gt3A_69 : f32 to vector<16x128xf32>
    %gt3A_71 = arith.cmpf ogt, %sub3A_64, %gt3A_70 : vector<16x128xf32>
    %jit3A_72 = arith.constant 1.000000e+00 : f32
    %broadcast_in_dim3A_73 = vector.broadcast %jit3A_72 : f32 to vector<16x128xf32>
    %select_n3A_74 = arith.select %gt3A_71, %sub3A_68, %broadcast_in_dim3A_73 : vector<16x128xi1>, vector<16x128xf32>
    %gt3A_75 = arith.constant 0.000000e+00 : f32
    %gt3A_76 = vector.broadcast %gt3A_75 : f32 to vector<16x128xf32>
    %gt3A_77 = arith.cmpf ogt, %sub3A_64, %gt3A_76 : vector<16x128xf32>
    %sub3A_78 = vector.broadcast %reduce_sum3A_12 : f32 to vector<16x128xf32>
    %sub3A_79 = arith.subf %sub3A_78, %sub3A_65 : vector<16x128xf32>
    %div3A_80 = arith.divf %sub3A_79, %select_n3A_74 : vector<16x128xf32>
    %sub3A_81 = arith.constant 1.000000e+00 : f32
    %sub3A_82 = vector.broadcast %sub3A_81 : f32 to vector<16x128xf32>
    %sub3A_83 = arith.subf %sub3A_82, %div3A_80 : vector<16x128xf32>
    %jit3A_84 = arith.constant 0.000000e+00 : f32
    %broadcast_in_dim3A_85 = vector.broadcast %jit3A_84 : f32 to vector<16x128xf32>
    %select_n3A_86 = arith.select %gt3A_77, %sub3A_83, %broadcast_in_dim3A_85 : vector<16x128xi1>, vector<16x128xf32>
    %sub3A_87 = arith.subf %select_n3A_63, %select_n3A_86 : vector<16x128xf32>
    %mul3A_88 = arith.mulf %mul3A_46, %sub3A_87 : vector<16x128xf32>
    %reduce_sum3A_89 = vector.shape_cast %mul3A_88 : vector<16x128xf32> to vector<1x16x128xf32>
    %reduce_sum3A_90 = arith.constant dense<0.000000e+00> : vector<1xf32>
    %reduce_sum3A_91 = vector.multi_reduction <add>, %reduce_sum3A_89, %reduce_sum3A_90 [1, 2] : vector<1x16x128xf32> to vector<1xf32>
    %reduce_sum3A_92 = vector.shape_cast %reduce_sum3A_91 : vector<1xf32> to vector<1x1x1xf32>
    %reduce_sum3A_93 = vector.extract %reduce_sum3A_92[0, 0, 0] : f32 from vector<1x1x1xf32>
    %reshape3A_94 = vector.broadcast %reduce_sum3A_93 : f32 to vector<1x1xf32>
    %swap3A = arith.constant 0 : index
    %swap3A_95 = arith.constant 0 : index
    %swap3A_96 = vector.load %arg2[%swap3A, %swap3A_95] : memref<1x1xf32, #tpu.memory_space<vmem>>, vector<1x1xf32>
    tpu.vector_store %arg2[%swap3A, %swap3A_95], %reshape3A_94 {strides = array<i32>} : memref<1x1xf32, #tpu.memory_space<vmem>>, vector<1x1xf32>,
    return
  }
}

</mosaic_0001>

<sc_bundles>
// kernel: kernel.4.cloned.1.call-start
scs
__scs_entry_jumppad:
0x0: {  	(pc) =	sbr.rel $0x88, $3  }
0x1: {  	(tag) =	ssettag $0x0;
	lr =	simm.s32 $0x1  }
0x2: {  	[smem:$0x3F9F] =	sst lr;
	_ =	strace $0xD0000000  }
0x3: {  	_ = 	snop  }
0x4: {  	_ = 	snop  }
0x5: {  	_ = 	snop  }
0x6: {  	_ = 	snop  }
0x7: {  	_ = 	snop  }
__scs_overlays_trampoline_lowered:
0x8: {  	[smem:$0x3FAE] =	sst s0  }
0x9: {  	[smem:$0x3FAF] =	sst s1  }
0xa: {  	[smem:$0x3FB0] =	sst s2  }
0xb: {  	[smem:$0x3FB1] =	sst s3  }
0xc: {  	[smem:$0x3FB2] =	sst s4  }
0xd: {  	[smem:$0x3FB3] =	sst s5  }
0xe: {  	[smem:$0x3FB4] =	sst s6  }
0xf: {  	[smem:$0x3FB5] =	sst s7  }
0x10: {  	[smem:$0x3FB6] =	sst s8  }
0x11: {  	[smem:$0x3FB7] =	sst s9;
	s0 =	simm.s32 @!p0 $0x0  }
0x12: {  	s1 =	sld [smem:$0x3F9D];
	s0 =	simm.s32 @p0 $0x1  }
0x13: {  	[smem:$0x3FB8] =	sst s0;
	s0 =	simm.s32 @!p1 $0x0  }
0x14: {  	s2 =	sld [smem:$0x3F9C];
	s0 =	simm.s32 @p1 $0x1  }
0x15: {  	[smem:$0x3FB9] =	sst s0;
	s0 =	simm.s32 @!p2 $0x0  }
0x16: {  	s3 =	sld [smem:$0x3FDB];
	s0 =	simm.s32 @p2 $0x1  }
0x17: {  	s4 =	simm.s32 $0x1BF5;
	[smem:$0x3FBB] =	sst s0  }
0x18: {  	s0 =	sld [smem:$0x3F9E];
	_ =	swait.ge [sflag:s4], $0x0  }
0x19: {  	s7 =	sld [smem:$0x3F9F]  }
0x1a: {  	s8 =	sadd.s32 $0xFFFFE003, lr  }
0x1b: {  	s9 =	sadd.s32 $0xFFFFFEF7, lr;
	s5 =	simm.s32 $0xFFFFFFFF;
	p2 =	slt.u32 s8, $0xFFFFF086  }
0x1c: {  	p1 =	slt.u32 s9, $0xF7A;
	s5 =	simm.s32 @!p2 $0x0  }
0x1d: {  	s5 =	simm.s32 @p1 $0x1;
	p0 =	seq.s32 s7, s2  }
0x1e: {  	s7 =	smul.u32 @!p0 $0xF7A, s2;
	p2 =	seq.s32 @!p0 s5, $0x0  }
0x1f: {  	s9 =	smul.u32 $0xF7A, s1;
	s8 =	simm.s32 @!p0 $0x1BF5;
	p2 =	por !p2, p0  }
0x20: {  	[sflag:s8] =	ssyncset.s32 @!p0 $0xFFFFF086;
	s6 =	sadd.s32 @!p0 s3, s7;
	s7 =	simm.s32 @!p0 $0x108  }
0x21: {  	s3 =	sadd.s32 s3, s9;
	s6 =	sadd.s32 @!p0 $0x88, s6;
	s7 =	simm.s32 @p2 $0x1082  }
0x22: {  	[simem:s7], [sflag:s8] =	dma.local @!p0 [hbm:s6], $0xF7A  }
0x23: {  	s9 =	sor.u32 $0xD0000000, s2;
	s6 =	simm.s32 $0x108;
	_ =	swait.ge @!p0 [sflag:s8], $0x0  }
0x24: {  	s3 =	sadd.s32 $0x88, s3;
	s6 =	simm.s32 @!p1 $0x1082;
	[sflag:s4] =	ssyncset.s32 $0xFFFFF086  }
0x25: {  	[simem:s6], [sflag:s4] =	dma.local [hbm:s3], $0xF7A  }
0x26: {  	[smem:$0x3F9F] =	sst s1;
	(tag) =	ssettag s2;
	_ =	strace s9  }
0x27: {  	s1 =	sld [smem:$0x3FAF]  }
0x28: {  	s2 =	sld [smem:$0x3FB0]  }
0x29: {  	s4 =	sld [smem:$0x3FB2]  }
0x2a: {  	p0 =	seq.s32 s5, $0x0;
	s5 =	sld [smem:$0x3FB3]  }
0x2b: {  	s6 =	sld [smem:$0x3FB4]  }
0x2c: {  	s7 =	sld [smem:$0x3FB5]  }
0x2d: {  	s3 =	simm.s32 $0x108;
	s8 =	sld [smem:$0x3FB6]  }
0x2e: {  	s3 =	simm.s32 @!p0 $0x1082;
	s9 =	sld [smem:$0x3FB7]  }
0x2f: {  	lr =	sadd.s32 s0, s3;
	s0 =	sld [smem:$0x3FAE]  }
0x30: {  	s3 =	sld [smem:$0x3FB1]  }
0x31: {  	[smem:$0x3FBA] =	sst s10  }
0x32: {  	s10 =	sld [smem:$0x3FB8];
	_ =	sdelay $0x3  }
0x33: {  	p0 =	seq.s32 s10, $0x1;
	s10 =	sld [smem:$0x3FBA];
	_ =	sdelay $0x3  }
0x34: {  	[smem:$0x3FBA] =	sst s10  }
0x35: {  	s10 =	sld [smem:$0x3FB9];
	_ =	sdelay $0x3  }
0x36: {  	p1 =	seq.s32 s10, $0x1;
	s10 =	sld [smem:$0x3FBA];
	_ =	sdelay $0x3  }
0x37: {  	[smem:$0x3FBA] =	sst s10  }
0x38: {  	s10 =	sld [smem:$0x3FBB]  }
0x39: {  	_ = 	snop;
	(pc) =	sbr.ind lr, $3  }
0x3a: {  	_ = 	snop  }
0x3b: {  	_ = 	snop  }
0x3c: {  	p2 =	seq.s32 s10, $0x1;
	s10 =	sld [smem:$0x3FBA]  }
0x3d: {  	_ =	shalt  }
0x3e: {  	_ =	shalt  }
0x3f: {  	_ =	shalt  }
0x40: {  	_ =	shalt  }
0x41: {  	_ =	shalt  }
0x42: {  	_ =	shalt  }
0x43: {  	_ =	shalt  }
0x44: {  	_ =	shalt  }
0x45: {  	_ =	shalt  }
0x46: {  	_ =	shalt  }
0x47: {  	_ =	shalt  }
0x48: {  	_ =	shalt  }
0x49: {  	_ =	shalt  }
0x4a: {  	_ =	shalt  }
0x4b: {  	_ =	shalt  }
0x4c: {  	_ =	shalt  }
0x4d: {  	_ =	shalt  }
0x4e: {  	_ =	shalt  }
0x4f: {  	_ =	shalt  }
0x50: {  	_ =	shalt  }
0x51: {  	_ =	shalt  }
0x52: {  	_ =	shalt  }
0x53: {  	_ =	shalt  }
0x54: {  	_ =	shalt  }
0x55: {  	_ =	shalt  }
0x56: {  	_ =	shalt  }
0x57: {  	_ =	shalt  }
0x58: {  	_ =	shalt  }
0x59: {  	_ =	shalt  }
0x5a: {  	_ =	shalt  }
0x5b: {  	_ =	shalt  }
0x5c: {  	_ =	shalt  }
0x5d: {  	_ =	shalt  }
0x5e: {  	_ =	shalt  }
0x5f: {  	_ =	shalt  }
0x60: {  	_ =	shalt  }
0x61: {  	_ =	shalt  }
0x62: {  	_ =	shalt  }
0x63: {  	_ =	shalt  }
0x64: {  	_ =	shalt  }
0x65: {  	_ =	shalt  }
0x66: {  	_ =	shalt  }
0x67: {  	_ =	shalt  }
0x68: {  	_ =	shalt  }
0x69: {  	_ =	shalt  }
0x6a: {  	_ =	shalt  }
0x6b: {  	_ =	shalt  }
0x6c: {  	_ =	shalt  }
0x6d: {  	_ =	shalt  }
0x6e: {  	_ =	shalt  }
0x6f: {  	_ =	shalt  }
0x70: {  	_ =	shalt  }
0x71: {  	_ =	shalt  }
0x72: {  	_ =	shalt  }
0x73: {  	_ =	shalt  }
0x74: {  	_ =	shalt  }
0x75: {  	_ =	shalt  }
0x76: {  	_ =	shalt  }
0x77: {  	_ =	shalt  }
0x78: {  	_ =	shalt  }
0x79: {  	_ =	shalt  }
0x7a: {  	_ =	shalt  }
0x7b: {  	_ =	shalt  }
0x7c: {  	_ =	shalt  }
0x7d: {  	_ =	shalt  }
0x7e: {  	_ =	shalt  }
0x7f: {  	_ =	shalt  }
0x80: {  	_ =	shalt  }
0x81: {  	_ =	shalt  }
0x82: {  	_ =	shalt  }
0x83: {  	_ =	shalt  }
0x84: {  	_ =	shalt  }
0x85: {  	_ =	shalt  }
0x86: {  	_ =	shalt  }
0x87: {  	_ =	shalt  }
.Lfunc_end0:
.L_simem_size_0:
called_computation_lowered:
.L_overlay_start_0:
0x88: {  	s2 =	sld [smem:$0x3FD9]  }
0x89: {  	s3 =	sld [smem:$0x3FFE];
	_ =	sdelay $0x1  }
0x8a: {  	s1 =	srdreg.scid  }
0x8b: {  	s0 =	sand.u32 $0x1, s1  }
0x8c: {  	s16 =	sshll.u32 s0, $0xA;
	s2 =	sadd.s32 s3, s2  }
0x8d: {  	s2 =	sadd.s32 s2, s16  }
0x8e: {  	[smem:$0x3FC6] =	sst s2  }
0x8f: {  	_ = 	snop  }
0x90: {  	(tm) =	ssettm $0x1  }
0x91: {  	s17 =	sld [smem:$0x3FFB];
	_ =	sdelay $0x3  }
0x92: {  	_ =	strace s17  }
0x93: {  	s2 =	sld [smem:$0x3FFC];
	_ =	sdelay $0x3  }
0x94: {  	_ =	strace s2  }
0x95: {  	s2 =	sld [smem:$0x3FFD];
	_ =	sdelay $0x3  }
0x96: {  	_ =	strace s2  }
0x97: {  	_ =	strace $0x8FFFFFFF  }
0x98: {  	s18 =	sld [smem:$0x3FDB];
	_ =	sdelay $0x1  }
0x99: {  	s19 =	simm.s32 $_scs_section_size  }
0x9a: {  	s4 =	simm.s32 $_size__tile_overlayer_lowered;
	s5 =	simm.s32 $_tile_overlayer_lowered  }
0x9b: {  	s22 =	simm.s32 $0x1BFF;
	s21 =	sshll.u32 s5, $0x1;
	s2 =	sadd.s32 s19, s18  }
0x9c: {  	s6 =	simm.s32 $0x0;
	s20 =	sshll.u32 s4, $0x1;
	s4 =	sadd.s32 s21, s2  }
0x9d: {  	[timem:s6], [sflag:s22] =	dma.local [hbm:s4], s20  }
0x9e: {  	_ =	swait.ge [sflag:s22], s20  }
0x9f: {  	s3 =	ssub.s32 $0x0, s20;
	[sflag:s22] =	ssyncset.done $0x0  }
0xa0: {  	[sflag:s22] =	ssyncadd.s32 s3;
	_ =	sdelay $0x1  }
0xa1: {  	s23 =	simm.s32 $0x1B8B  }
0xa2: {  	_ =	swait.ge [sflag:s23], $0x1  }
0xa3: {  	[sflag:s23] =	ssyncset.done $0x0  }
0xa4: {  	s25 =	simm.s32 $0x1B8E;
	s24 =	sld [smem:$0x3FFE];
	[sflag:s23] =	ssyncadd.s32 $0xFFFFFFFF  }
0xa5: {  	s26 =	simm.s32 $execute0_lowered;
	[smem:$0x3FD2] =	sst s25  }
0xa6: {  	s4 =	sshll.u32 s26, $0x1;
	_ =	strace $0x80000046;
	[dreg:$0x1] =	wrdreg $0xFFFFFFFF  }
0xa7: {  	s28 =	simm.s32 $_size_execute0_lowered;
	s2 =	sadd.s32 s2, s4;
	[dreg:$0x0] =	wrdreg $0x0  }
0xa8: {  	s4 =	sshll.u32 s28, $0x1;
	[dreg:$0x2] =	wrdreg s2  }
0xa9: {  	[dreg:$0x3] =	wrdreg s4  }
0xaa: {  	[dreg:$0x4] =	wrdreg $0xC0  }
0xab: {  	_ =	task [dreg:s6], $0x5FFFF  }
0xac: {  	[dreg:$0x1] =	wrdreg $0xFFFFFFFF  }
0xad: {  	[dreg:$0x0] =	wrdreg $0x60  }
0xae: {  	[dreg:$0x2] =	wrdreg s24  }
0xaf: {  	[dreg:$0x3] =	wrdreg $0x0  }
0xb0: {  	[dreg:$0x4] =	wrdreg $0x9  }
0xb1: {  	_ =	task.clear_ibuf [dreg:s6], $0x5FFFF;
	_ =	strace $0x90000046  }
0xb2: {  	s29 =	simm.s32 $0x9;
	_ =	strace $0x80000048  }
0xb3: {  	_ =	swait.ge [sflag:s29], $0x1  }
0xb4: {  	[sflag:s29] =	ssyncadd.s32 $0xFFFFFFFF  }
0xb5: {  	_ =	strace $0x90000048  }
0xb6: {  	_ =	sfence  }
0xb7: {  	s30 =	sld [smem:$0x0];
	_ =	sdelay $0x2  }
0xb8: {  	s31 =	sshll.u32 s1, $0xD;
	s1 =	sshrl.u32 s1, $0x2  }
0xb9: {  	s3 =	sand.u32 $0x4000, s31;
	s1 =	sadd.s32 s1, s30  }
0xba: {  	s0 =	sor.u32 s3, s0;
	s1 =	sshll.u32 s1, $0x11  }
0xbb: {  	s0 =	sor.u32 s1, s0  }
0xbc: {  	s0 =	sadd.s32 $0x8F2B, s0  }
0xbd: {  	[sflag:s0] =	ssyncadd.remote.s32 $0x1  }
0xbe: {  	_ =	sfence.sel $0xFFFF  }
0xbf: {  	[dreg:$0x0] =	wrdreg $0xFFFFFFFF;
	(pc) =	sbr.abs _section_cstart, $3  }
0xc0: {  	[dreg:$0x1] =	wrdreg $0xFFFFFFFF  }
0xc1: {  	_ =	task.clear_ibuf [dreg:s6], $0x2FFFF;
	_ =	strace $0x9FFFFFFF  }
0xc2: {  	(tm) =	ssettm $0x7FFFFFFF  }
0xc3: {  	_ =	shalt  }
tec
execute0_lowered:
.L_overlay_start_1:
0x0: {  	(tag) =	ssettag $0x1  }
0x1: {  	s0 =	rddreg [dreg:$0x0];
	s1 =	srdreg.scid  }
0x2: {  	s11 =	stileid.u32;
	s2 =	rddreg [dreg:$0x1]  }
0x3: {  	s6 =	simm.s32 $0x0;
	s1 =	sand.u32 $0x1, s1;
	s3 =	sshll.u32 s11, $0x1  }
0x4: {  	s4 =	sshrl.u32 s11, $0x2;
	[smem:$0x7FF] =	sst s6;
	s7 =	sadd.s32 $0xE00, s0  }
0x5: {  	s8 =	sadd.s32 $0x80E00, s0;
	s3 =	sor.u32 s1, s3;
	s21 =	sshll.u32 s4, $0xF  }
0x6: {  	_ =	strace $0x80000047;
	s4 =	sshll.u32 s4, $0xA;
	s1 =	ssub.s32 $0x2, s1  }
0x7: {  	s5 =	sshll.u32 s3, $0x7;
	s22 =	sshrl.u32 s1, $0x1;
	s3 =	sshll.u32 s3, $0xE  }
0x8: {  	s5 =	sand.u32 $0x380, s5;
	s10 =	ssub.s32 s1, s22;
	s23 =	sor.u32 $0x400, s3  }
0x9: {  	s25 =	sor.u32 $0x800, s3;
	s28 =	sor.u32 $0xC00, s3;
	s30 =	sor.u32 $0x1000, s3  }
0xa: {  	s12 =	sor.u32 $0x1800, s3;
	s14 =	sor.u32 $0x1C00, s3;
	s24 =	sadd.s32 s7, s23  }
0xb: {  	s16 =	sor.u32 $0x2000, s3;
	s26 =	sadd.s32 s7, s25;
	[dreg:$0x3] =	wrdreg s24  }
0xc: {  	s18 =	sor.u32 $0x2400, s3;
	s29 =	sadd.s32 s7, s28;
	[dreg:$0x5] =	wrdreg s26  }
0xd: {  	s20 =	sor.u32 $0x2800, s3;
	s31 =	sadd.s32 s7, s30;
	[dreg:$0x7] =	wrdreg s29  }
0xe: {  	s22 =	sor.u32 $0x2C00, s3;
	s13 =	sadd.s32 s7, s12;
	[dreg:$0x9] =	wrdreg s31  }
0xf: {  	s1 =	sadd.s32 s8, s3;
	s15 =	sadd.s32 s7, s14;
	[dreg:$0xd] =	wrdreg s13  }
0x10: {  	s6 =	sor.u32 s21, s5;
	s17 =	sadd.s32 s7, s16;
	[dreg:$0xf] =	wrdreg s15  }
0x11: {  	s4 =	sor.u32 s4, s5;
	s19 =	sadd.s32 s7, s18;
	[dreg:$0x11] =	wrdreg s17  }
0x12: {  	s21 =	sadd.s32 s7, s20;
	s6 =	sshrl.u32 s6, $0x3;
	[dreg:$0x13] =	wrdreg s19  }
0x13: {  	s4 =	sshrl.u32 s4, $0x3;
	[dreg:$0x15] =	wrdreg s21;
	s24 =	sor.u32 $0x3000, s3  }
0x14: {  	s26 =	sor.u32 $0x3400, s3;
	s29 =	sadd.s32 s7, s3;
	s31 =	sor.u32 $0x3C00, s3  }
0x15: {  	s13 =	simm.s32 $0x3000;
	s15 =	simm.s32 $0x5000;
	s6 =	sadd.s32 s6, s0  }
0x16: {  	s9 =	sadd.s32 s4, s0;
	s0 =	sadd.s32 s8, s23;
	[dreg:$0x1d] =	wrdreg s29  }
0x17: {  	s17 =	simm.s32 $0x2000;
	s23 =	sadd.s32 s7, s22;
	[dreg:$0x4] =	wrdreg s0  }
0x18: {  	s4 =	sor.u32 $0x1400, s3;
	s0 =	sadd.s32 s8, s25;
	[dreg:$0x17] =	wrdreg s23  }
0x19: {  	s19 =	simm.s32 $0x2;
	s5 =	sadd.s32 s7, s4;
	[dreg:$0x6] =	wrdreg s0  }
0x1a: {  	s21 =	simm.s32 $0xF000;
	s25 =	sadd.s32 s7, s24;
	[dreg:$0xb] =	wrdreg s5  }
0x1b: {  	s6 =	sadd.s32 $0x100E00, s6;
	s0 =	sadd.s32 s8, s28;
	[dreg:$0x19] =	wrdreg s25  }
0x1c: {  	s23 =	simm.s32 $0x4;
	s28 =	sadd.s32 s7, s26;
	[dreg:$0x8] =	wrdreg s0  }
0x1d: {  	s5 =	sadd.s32 s8, s31;
	s0 =	sadd.s32 s8, s30;
	[dreg:$0x1b] =	wrdreg s28  }
0x1e: {  	s30 =	sor.u32 $0x3800, s3;
	[dreg:$0xa] =	wrdreg s0;
	s0 =	sadd.s32 s8, s4  }
0x1f: {  	s3 =	sadd.s32 s7, s30;
	s4 =	sadd.s32 s7, s31;
	s7 =	sadd.s32 $0x104E00, s9  }
0x20: {  	[dreg:$0xc] =	wrdreg s0;
	s0 =	sadd.s32 s8, s12;
	s12 =	simm.s32 $0x1000  }
0x21: {  	[dreg:$0xe] =	wrdreg s0;
	s0 =	sadd.s32 s8, s14;
	s14 =	simm.s32 $0x1  }
0x22: {  	[dreg:$0x10] =	wrdreg s0;
	s0 =	sadd.s32 s8, s16;
	s16 =	simm.s32 $0x7000  }
0x23: {  	[dreg:$0x12] =	wrdreg s0;
	s0 =	sadd.s32 s8, s18;
	s18 =	simm.s32 $0x9000  }
0x24: {  	[dreg:$0x14] =	wrdreg s0;
	s0 =	sadd.s32 s8, s20;
	s20 =	simm.s32 $0xD000  }
0x25: {  	[dreg:$0x16] =	wrdreg s0;
	s0 =	sadd.s32 s8, s22;
	s22 =	simm.s32 $0x3  }
0x26: {  	[dreg:$0x18] =	wrdreg s0;
	s0 =	sadd.s32 s8, s24;
	s24 =	sshll.u32 s11, $0xC  }
0x27: {  	s11 =	simm.s32 $0x5;
	[dreg:$0x1a] =	wrdreg s0;
	s0 =	sadd.s32 s8, s26  }
0x28: {  	s9 =	sadd.s32 s24, s2;
	v0 =	vmov s24;
	s24 =	simm.s32 $0x0;
	[dreg:$0x1c] =	wrdreg s0  }
0x29: {  	v1 =	vimm.f32 $0.0e+00;
	s0 =	sadd.s32 s8, s30;
	s8 =	smax.u32 s10, $0x1;
	s10 =	simm.s32 $0xB000  }
.LBB2_1:
0x2a: {  	s25 =	simm.s32 $0x40;
	s26 =	simm.s32 $0x0  }
.LBB2_2:
0x2b: {  	p0 =	sne.s32 s25, $0x3FC0;
	[tilespmem:s26+$0xB000] =	vst v1;
	s26 =	smov.u32 s25;
	s25 =	sadd.s32 $0x40, s25  }
.Ltmp0:
0x2c: {  	(pc) =	sbr.rel @p0 .LBB2_2-.Ltmp0, $2  }
0x2d: {  	_ =	sdelay $0x2  }
0x2e: {  	s26 =	sshra.s32 s26, $0x2  }
0x2f: {  	[tilespmem:s26+$0xB000] =	vst v1  }
0x30: {  	[spmem:s9] =	stream.linear.scatter [tilespmem:s10], [sflag:$0x5], $0x1000, $0x38;
	[tilespmem:$0x11080] =	vst v63  }
0x31: {  	_ =	swait.ge [sflag:s11], $0x1000  }
0x32: {  	[sflag:s11] =	ssyncset.done $0x0  }
0x33: {  	s25 =	simm.s32 $0x0;
	s31 =	rddreg [dreg:$0x1d];
	[sflag:s11] =	ssyncadd.s32 $0xFFFFF000  }
0x34: {  	[tilespmem:s12], [sflag:$0x1] =	stream.linear.gather [hbm4b:s31+s25], $0x2000, $0x38;
	[tilespmem:$0x11080] =	vst v63  }
0x35: {  	_ = 	snop  }
0x36: {  	[tilespmem:s13], [sflag:$0x1] =	stream.linear.gather [hbm4b:s1+s25], $0x2000, $0x38;
	[tilespmem:$0x11080] =	vst v63  }
0x37: {  	_ =	swait.ge [sflag:s14], $0x2000  }
0x38: {  	[sflag:s14] =	ssyncset.done $0x0  }
0x39: {  	[sflag:s14] =	ssyncadd.s32 $0xFFFFE000  }
0x3a: {  	_ =	swait.ge [sflag:s14], $0x2000  }
0x3b: {  	[sflag:s14] =	ssyncset.done $0x0  }
0x3c: {  	s31 =	rddreg [dreg:$0x3];
	[sflag:s14] =	ssyncadd.s32 $0xFFFFE000  }
0x3d: {  	[tilespmem:s15], [sflag:$0x2] =	stream.linear.gather [hbm4b:s31+s25], $0x2000, $0x38;
	[tilespmem:$0x11080] =	vst v63  }
0x3e: {  	s28 =	simm.s32 $0x0;
	s31 =	rddreg [dreg:$0x4]  }
0x3f: {  	[tilespmem:s16], [sflag:$0x2] =	stream.linear.gather [hbm4b:s31+s25], $0x2000, $0x38;
	[tilespmem:$0x11080] =	vst v63  }
0x40: {  	v8 =	vld [tilespmem:s28+$0x3000];
	_ =	sdelay $0x3  }
0x41: {  	s26 =	simm.s32 $0x10  }
0x42: {  	v5 =	vld [tilespmem:s26+$0x3000];
	v2 =	vcvt.s32.f32 v8  }
0x43: {  	v4 =	vld [tilespmem:s28+$0x1000]  }
0x44: {  	v3 =	vadd.f32 v2, v2;
	_ =	sdelay $0x1  }
0x45: {  	v6 =	vadd.f32 $-1.000000000e+00, v3  }
0x46: {  	s25 =	simm.s32 $0x20  }
0x47: {  	v7 =	vcvt.s32.f32 v5;
	v3 =	vld [tilespmem:s25+$0x3000];
	v4 =	vmul.f32 v6, v4  }
0x48: {  	v6 =	vld [tilespmem:s26+$0x1000]  }
0x49: {  	v9 =	vimm.f32 $0.0e+00;
	v10 =	vadd.f32 v7, v7;
	v11 =	vsub.f32 $1.000000000e+00, v4  }
0x4a: {  	v2 =	vadd.f32 v2, v9  }
0x4b: {  	v4 =	vadd.f32 $-1.000000000e+00, v10;
	v9 =	vmul.f32 $2.560000000e+02, v11  }
0x4c: {  	v2 =	vadd.f32 v7, v2;
	v7 =	vcvt.s32.f32 v3  }
0x4d: {  	s29 =	simm.s32 $0x30;
	v6 =	vmul.f32 v4, v6;
	v4 =	vtrunc.f32 v9  }
0x4e: {  	v12 =	vcvt.f32.s32 v4;
	v4 =	vld [tilespmem:s29+$0x3000]  }
0x4f: {  	v2 =	vadd.f32 v7, v2;
	v9 =	vadd.f32 v7, v7;
	v7 =	vld [tilespmem:s25+$0x1000]  }
0x50: {  	vm0 =	vgt.f32 v11, $0.0e+00;
	v6 =	vsub.f32 $1.000000000e+00, v6  }
0x51: {  	v8 =	vshll.u32 v8, $0xB;
	v10 =	vsel vm0, $0x3F800000, v1;
	vm15 =	vgt.s32 v12, $0x0  }
0x52: {  	s30 =	simm.s32 $0x100;
	[tilespmem:s28+$0xB000] =	vst v10;
	v9 =	vadd.f32 $-1.000000000e+00, v9;
	v10 =	vmul.f32 $2.560000000e+02, v6;
	v11 =	vnsel vm15, $0x0, v12  }
.LBB2_4:
0x53: {  	s31 =	sshra.s32 s30, $0x2;
	v12 =	vcvt.s32.f32 v4;
	v11 =	vmin.u32 v11, $0x7FF;
	v8 =	vadd.s32 v0, v8;
	v13 =	vmovc v4;
	p0 =	sne.s32 s30, $0x7FC0  }
.Ltmp1:
0x54: {  	s30 =	sadd.s32 $0x40, s30;
	v4 =	vld [tilespmem:s31+$0x3000];
	v9 =	vmul.f32 v9, v7;
	v10 =	vtrunc.f32 v10;
	v8 =	vor.u32 v8, v11;
	(pc) =	sbr.rel @p0 .LBB2_4-.Ltmp1, $4  }
0x55: {  	vm0 =	vgt.f32 v6, $0.0e+00;
	v7 =	vld [tilespmem:s29+$0x1000];
	v2 =	vadd.f32 v12, v2;
	v11 =	vcvt.f32.s32 v10;
	[tilespmem:s28+$0x9000] =	vst v8;
	s28 =	smov.u32 s26;
	s26 =	smov.u32 s25;
	s25 =	smov.u32 s29  }
0x56: {  	v10 =	vadd.f32 v12, v12;
	s29 =	smov.u32 s31;
	v6 =	vsub.f32 $1.000000000e+00, v9;
	v9 =	vsel vm0, $0x3F800000, v1  }
0x57: {  	v8 =	vshll.u32 v5, $0xB;
	v5 =	vmovc v3;
	v3 =	vmov v13;
	vm0 =	vgt.s32 v11, $0x0;
	[tilespmem:s28+$0xB000] =	vst v9  }
0x58: {  	v9 =	vadd.f32 $-1.000000000e+00, v10;
	v10 =	vmul.f32 $2.560000000e+02, v6;
	v11 =	vnsel vm0, $0x0, v11  }
0x59: {  	v12 =	vcvt.s32.f32 v4  }
0x5a: {  	v13 =	vld [tilespmem:s29+$0x1000]  }
0x5b: {  	v14 =	vadd.f32 v12, v12;
	_ =	sdelay $0x1  }
0x5c: {  	v7 =	vmul.f32 v9, v7;
	v9 =	vtrunc.f32 v10;
	v10 =	vadd.f32 $-1.000000000e+00, v14;
	_ =	sdelay $0x1  }
0x5d: {  	v11 =	vmin.u32 v11, $0x7FF;
	v7 =	vsub.f32 $1.000000000e+00, v7;
	v10 =	vmul.f32 v10, v13  }
0x5e: {  	v8 =	vadd.s32 v0, v8;
	v5 =	vshll.u32 v5, $0xB;
	v9 =	vcvt.f32.s32 v9  }
0x5f: {  	vm9 =	vgt.f32 v6, $0.0e+00;
	v62 =	vmul.f32 $2.560000000e+02, v7;
	v10 =	vsub.f32 $1.000000000e+00, v10  }
0x60: {  	v3 =	vshll.u32 v3, $0xB;
	v4 =	vshll.u32 v4, $0xB;
	vm0 =	vgt.s32 v9, $0x0  }
0x61: {  	v9 =	vnsel vm0, $0x0, v9;
	v13 =	vtrunc.f32 v62;
	v63 =	vmul.f32 $2.560000000e+02, v10  }
0x62: {  	v5 =	vadd.s32 v0, v5;
	v9 =	vmin.u32 v9, $0x7FF;
	v13 =	vcvt.f32.s32 v13  }
0x63: {  	v8 =	vor.u32 v8, v11;
	v5 =	vor.u32 v5, v9;
	v9 =	vtrunc.f32 v63  }
0x64: {  	v6 =	vsel vm9, $0x3F800000, v1;
	[tilespmem:s28+$0x9000] =	vst v8;
	vm10 =	vgt.s32 v13, $0x0;
	v9 =	vcvt.f32.s32 v9  }
0x65: {  	v3 =	vadd.s32 v0, v3;
	[tilespmem:s26+$0xB000] =	vst v6;
	vm11 =	vgt.f32 v7, $0.0e+00;
	v8 =	vnsel vm10, $0x0, v13  }
0x66: {  	[tilespmem:s26+$0x9000] =	vst v5;
	v5 =	vsel vm11, $0x3F800000, v1;
	v6 =	vmin.u32 v8, $0x7FF;
	vm12 =	vgt.s32 v9, $0x0  }
0x67: {  	[tilespmem:s25+$0xB000] =	vst v5;
	vm13 =	vgt.f32 v10, $0.0e+00;
	v3 =	vor.u32 v3, v6;
	v5 =	vnsel vm12, $0x0, v9  }
0x68: {  	v4 =	vadd.s32 v0, v4;
	[tilespmem:s25+$0x9000] =	vst v3;
	v3 =	vsel vm13, $0x3F800000, v1;
	v5 =	vmin.u32 v5, $0x7FF  }
0x69: {  	[tilespmem:s29+$0xB000] =	vst v3;
	v3 =	vor.u32 v4, v5  }
0x6a: {  	[tilespmem:s29+$0x9000] =	vst v3  }
0x6b: {  	[spmem:s2] =	stream.indirect.scatter.add.f32 [tilespmem:s10], [sflag:$0x3], $0x1, s18, s17, $0xb8;
	[tilespmem:$0x11080] =	vst v63  }
0x6c: {  	_ =	swait.ge [sflag:s19], $0x2000  }
0x6d: {  	[sflag:s19] =	ssyncset.done $0x0  }
0x6e: {  	[sflag:s19] =	ssyncadd.s32 $0xFFFFE000  }
0x6f: {  	_ =	swait.ge [sflag:s19], $0x2000  }
0x70: {  	[sflag:s19] =	ssyncset.done $0x0  }
0x71: {  	s25 =	simm.s32 $0x0;
	s31 =	rddreg [dreg:$0x5];
	[sflag:s19] =	ssyncadd.s32 $0xFFFFE000  }
0x72: {  	[tilespmem:s12], [sflag:$0x1] =	stream.linear.gather [hbm4b:s31+s25], $0x2000, $0x38;
	[tilespmem:$0x11080] =	vst v63  }
0x73: {  	s28 =	simm.s32 $0x0;
	s31 =	rddreg [dreg:$0x6]  }
0x74: {  	[tilespmem:s13], [sflag:$0x1] =	stream.linear.gather [hbm4b:s31+s25], $0x2000, $0x38;
	[tilespmem:$0x11080] =	vst v63  }
0x75: {  	v8 =	vld [tilespmem:s28+$0x7000];
	_ =	sdelay $0x3  }
0x76: {  	s26 =	simm.s32 $0x10  }
0x77: {  	v5 =	vld [tilespmem:s26+$0x7000];
	v4 =	vcvt.s32.f32 v8  }
0x78: {  	v6 =	vld [tilespmem:s28+$0x5000]  }
0x79: {  	v3 =	vadd.f32 v4, v4;
	_ =	sdelay $0x1  }
0x7a: {  	v7 =	vadd.f32 $-1.000000000e+00, v3;
	_ =	sdelay $0x1  }
0x7b: {  	v9 =	vcvt.s32.f32 v5;
	v6 =	vmul.f32 v7, v6  }
0x7c: {  	v2 =	vadd.f32 v12, v2;
	s25 =	simm.s32 $0x20;
	v7 =	vld [tilespmem:s26+$0x5000]  }
0x7d: {  	v10 =	vadd.f32 v9, v9;
	v3 =	vld [tilespmem:s25+$0x7000];
	v6 =	vsub.f32 $1.000000000e+00, v6;
	_ =	sdelay $0x1  }
0x7e: {  	v2 =	vadd.f32 v4, v2;
	v4 =	vadd.f32 $-1.000000000e+00, v10;
	v10 =	vmul.f32 $2.560000000e+02, v6;
	_ =	sdelay $0x1  }
0x7f: {  	s29 =	simm.s32 $0x30;
	v7 =	vmul.f32 v4, v7;
	v4 =	vtrunc.f32 v10  }
0x80: {  	v2 =	vadd.f32 v9, v2;
	v9 =	vcvt.s32.f32 v3;
	v11 =	vcvt.f32.s32 v4;
	v4 =	vld [tilespmem:s29+$0x7000]  }
0x81: {  	vm14 =	vgt.f32 v6, $0.0e+00;
	v6 =	vsub.f32 $1.000000000e+00, v7;
	v7 =	vld [tilespmem:s25+$0x5000]  }
0x82: {  	v2 =	vadd.f32 v9, v2;
	v9 =	vadd.f32 v9, v9  }
0x83: {  	v8 =	vshll.u32 v8, $0xB;
	v10 =	vsel vm14, $0x3F800000, v1;
	vm15 =	vgt.s32 v11, $0x0  }
0x84: {  	s30 =	simm.s32 $0x100;
	[tilespmem:s28+$0xF000] =	vst v10;
	v9 =	vadd.f32 $-1.000000000e+00, v9;
	v10 =	vmul.f32 $2.560000000e+02, v6;
	v11 =	vnsel vm15, $0x0, v11  }
.LBB2_6:
0x85: {  	s31 =	sshra.s32 s30, $0x2;
	v12 =	vcvt.s32.f32 v4;
	v11 =	vmin.u32 v11, $0x7FF;
	v8 =	vadd.s32 v0, v8;
	v13 =	vmovc v4;
	p0 =	sne.s32 s30, $0x7FC0  }
.Ltmp2:
0x86: {  	s30 =	sadd.s32 $0x40, s30;
	v4 =	vld [tilespmem:s31+$0x7000];
	v9 =	vmul.f32 v9, v7;
	v10 =	vtrunc.f32 v10;
	v8 =	vor.u32 v8, v11;
	(pc) =	sbr.rel @p0 .LBB2_6-.Ltmp2, $4  }
0x87: {  	vm0 =	vgt.f32 v6, $0.0e+00;
	v7 =	vld [tilespmem:s29+$0x5000];
	v2 =	vadd.f32 v12, v2;
	v11 =	vcvt.f32.s32 v10;
	[tilespmem:s28+$0xD000] =	vst v8;
	s28 =	smov.u32 s26;
	s26 =	smov.u32 s25;
	s25 =	smov.u32 s29  }
0x88: {  	v10 =	vadd.f32 v12, v12;
	s29 =	smov.u32 s31;
	v6 =	vsub.f32 $1.000000000e+00, v9;
	v9 =	vsel vm0, $0x3F800000, v1  }
0x89: {  	v8 =	vshll.u32 v5, $0xB;
	v5 =	vmovc v3;
	v3 =	vmov v13;
	vm0 =	vgt.s32 v11, $0x0;
	[tilespmem:s28+$0xF000] =	vst v9  }
0x8a: {  	v9 =	vadd.f32 $-1.000000000e+00, v10;
	v10 =	vmul.f32 $2.560000000e+02, v6;
	v11 =	vnsel vm0, $0x0, v11  }
0x8b: {  	v12 =	vcvt.s32.f32 v4  }
0x8c: {  	v13 =	vld [tilespmem:s29+$0x5000]  }
0x8d: {  	v14 =	vadd.f32 v12, v12;
	_ =	sdelay $0x1  }
0x8e: {  	v7 =	vmul.f32 v9, v7;
	v9 =	vtrunc.f32 v10;
	v10 =	vadd.f32 $-1.000000000e+00, v14;
	_ =	sdelay $0x1  }
0x8f: {  	v11 =	vmin.u32 v11, $0x7FF;
	v7 =	vsub.f32 $1.000000000e+00, v7;
	v10 =	vmul.f32 v10, v13  }
0x90: {  	v8 =	vadd.s32 v0, v8;
	v5 =	vshll.u32 v5, $0xB;
	v9 =	vcvt.f32.s32 v9  }
0x91: {  	vm9 =	vgt.f32 v6, $0.0e+00;
	v62 =	vmul.f32 $2.560000000e+02, v7;
	v10 =	vsub.f32 $1.000000000e+00, v10  }
0x92: {  	v3 =	vshll.u32 v3, $0xB;
	v4 =	vshll.u32 v4, $0xB;
	vm0 =	vgt.s32 v9, $0x0  }
0x93: {  	v9 =	vnsel vm0, $0x0, v9;
	v13 =	vtrunc.f32 v62;
	v63 =	vmul.f32 $2.560000000e+02, v10  }
0x94: {  	v5 =	vadd.s32 v0, v5;
	v9 =	vmin.u32 v9, $0x7FF;
	v13 =	vcvt.f32.s32 v13  }
0x95: {  	v8 =	vor.u32 v8, v11;
	v5 =	vor.u32 v5, v9;
	v9 =	vtrunc.f32 v63  }
0x96: {  	v6 =	vsel vm9, $0x3F800000, v1;
	[tilespmem:s28+$0xD000] =	vst v8;
	vm10 =	vgt.s32 v13, $0x0;
	v9 =	vcvt.f32.s32 v9  }
0x97: {  	v3 =	vadd.s32 v0, v3;
	[tilespmem:s26+$0xF000] =	vst v6;
	vm11 =	vgt.f32 v7, $0.0e+00;
	v8 =	vnsel vm10, $0x0, v13  }
0x98: {  	[tilespmem:s26+$0xD000] =	vst v5;
	v5 =	vsel vm11, $0x3F800000, v1;
	v6 =	vmin.u32 v8, $0x7FF;
	vm12 =	vgt.s32 v9, $0x0  }
0x99: {  	[tilespmem:s25+$0xF000] =	vst v5;
	vm13 =	vgt.f32 v10, $0.0e+00;
	v3 =	vor.u32 v3, v6;
	v5 =	vnsel vm12, $0x0, v9  }
0x9a: {  	v4 =	vadd.s32 v0, v4;
	[tilespmem:s25+$0xD000] =	vst v3;
	v3 =	vsel vm13, $0x3F800000, v1;
	v5 =	vmin.u32 v5, $0x7FF  }
0x9b: {  	[tilespmem:s29+$0xF000] =	vst v3;
	v3 =	vor.u32 v4, v5  }
0x9c: {  	[tilespmem:s29+$0xD000] =	vst v3  }
0x9d: {  	[spmem:s2] =	stream.indirect.scatter.add.f32 [tilespmem:s21], [sflag:$0x4], $0x1, s20, s17, $0xb8;
	[tilespmem:$0x11080] =	vst v63  }
0x9e: {  	_ =	swait.ge [sflag:s14], $0x2000  }
0x9f: {  	[sflag:s14] =	ssyncset.done $0x0  }
0xa0: {  	[sflag:s14] =	ssyncadd.s32 $0xFFFFE000  }
0xa1: {  	_ =	swait.ge [sflag:s14], $0x2000  }
0xa2: {  	[sflag:s14] =	ssyncset.done $0x0  }
0xa3: {  	s25 =	simm.s32 $0x0;
	s31 =	rddreg [dreg:$0x7];
	[sflag:s14] =	ssyncadd.s32 $0xFFFFE000  }
0xa4: {  	[tilespmem:s15], [sflag:$0x2] =	stream.linear.gather [hbm4b:s31+s25], $0x2000, $0x38;
	[tilespmem:$0x11080] =	vst v63  }
0xa5: {  	s31 =	rddreg [dreg:$0x8]  }
0xa6: {  	[tilespmem:s16], [sflag:$0x2] =	stream.linear.gather [hbm4b:s31+s25], $0x2000, $0x38;
	[tilespmem:$0x11080] =	vst v63  }
0xa7: {  	_ =	swait.ge [sflag:s22], $0x2000  }
0xa8: {  	[sflag:s22] =	ssyncset.done $0x0  }
0xa9: {  	s28 =	simm.s32 $0x0;
	[sflag:s22] =	ssyncadd.s32 $0xFFFFE000  }
0xaa: {  	v8 =	vld [tilespmem:s28+$0x3000];
	_ =	sdelay $0x3  }
0xab: {  	s26 =	simm.s32 $0x10  }
0xac: {  	v5 =	vld [tilespmem:s26+$0x3000];
	v4 =	vcvt.s32.f32 v8  }
0xad: {  	v6 =	vld [tilespmem:s28+$0x1000]  }
0xae: {  	v3 =	vadd.f32 v4, v4;
	_ =	sdelay $0x1  }
0xaf: {  	v7 =	vadd.f32 $-1.000000000e+00, v3;
	_ =	sdelay $0x1  }
0xb0: {  	v9 =	vcvt.s32.f32 v5;
	v6 =	vmul.f32 v7, v6  }
0xb1: {  	v2 =	vadd.f32 v12, v2;
	s25 =	simm.s32 $0x20;
	v7 =	vld [tilespmem:s26+$0x1000]  }
0xb2: {  	v10 =	vadd.f32 v9, v9;
	v3 =	vld [tilespmem:s25+$0x3000];
	v6 =	vsub.f32 $1.000000000e+00, v6;
	_ =	sdelay $0x1  }
0xb3: {  	v2 =	vadd.f32 v4, v2;
	v4 =	vadd.f32 $-1.000000000e+00, v10;
	v10 =	vmul.f32 $2.560000000e+02, v6;
	_ =	sdelay $0x1  }
0xb4: {  	s29 =	simm.s32 $0x30;
	v7 =	vmul.f32 v4, v7;
	v4 =	vtrunc.f32 v10  }
0xb5: {  	v2 =	vadd.f32 v9, v2;
	v9 =	vcvt.s32.f32 v3;
	v11 =	vcvt.f32.s32 v4;
	v4 =	vld [tilespmem:s29+$0x3000]  }
0xb6: {  	vm14 =	vgt.f32 v6, $0.0e+00;
	v6 =	vsub.f32 $1.000000000e+00, v7;
	v7 =	vld [tilespmem:s25+$0x1000]  }
0xb7: {  	v2 =	vadd.f32 v9, v2;
	v9 =	vadd.f32 v9, v9  }
0xb8: {  	v8 =	vshll.u32 v8, $0xB;
	v10 =	vsel vm14, $0x3F800000, v1;
	vm15 =	vgt.s32 v11, $0x0  }
0xb9: {  	s30 =	simm.s32 $0x100;
	[tilespmem:s28+$0xB000] =	vst v10;
	v9 =	vadd.f32 $-1.000000000e+00, v9;
	v10 =	vmul.f32 $2.560000000e+02, v6;
	v11 =	vnsel vm15, $0x0, v11  }
.LBB2_8:
0xba: {  	s31 =	sshra.s32 s30, $0x2;
	v12 =	vcvt.s32.f32 v4;
	v11 =	vmin.u32 v11, $0x7FF;
	v8 =	vadd.s32 v0, v8;
	v13 =	vmovc v4;
	p0 =	sne.s32 s30, $0x7FC0  }
.Ltmp3:
0xbb: {  	s30 =	sadd.s32 $0x40, s30;
	v4 =	vld [tilespmem:s31+$0x3000];
	v9 =	vmul.f32 v9, v7;
	v10 =	vtrunc.f32 v10;
	v8 =	vor.u32 v8, v11;
	(pc) =	sbr.rel @p0 .LBB2_8-.Ltmp3, $4  }
0xbc: {  	vm0 =	vgt.f32 v6, $0.0e+00;
	v7 =	vld [tilespmem:s29+$0x1000];
	v2 =	vadd.f32 v12, v2;
	v11 =	vcvt.f32.s32 v10;
	[tilespmem:s28+$0x9000] =	vst v8;
	s28 =	smov.u32 s26;
	s26 =	smov.u32 s25;
	s25 =	smov.u32 s29  }
0xbd: {  	v10 =	vadd.f32 v12, v12;
	s29 =	smov.u32 s31;
	v6 =	vsub.f32 $1.000000000e+00, v9;
	v9 =	vsel vm0, $0x3F800000, v1  }
0xbe: {  	v8 =	vshll.u32 v5, $0xB;
	v5 =	vmovc v3;
	v3 =	vmov v13;
	vm0 =	vgt.s32 v11, $0x0;
	[tilespmem:s28+$0xB000] =	vst v9  }
0xbf: {  	v9 =	vadd.f32 $-1.000000000e+00, v10;
	v10 =	vmul.f32 $2.560000000e+02, v6;
	v11 =	vnsel vm0, $0x0, v11  }
0xc0: {  	v12 =	vcvt.s32.f32 v4  }
0xc1: {  	v13 =	vld [tilespmem:s29+$0x1000]  }
0xc2: {  	v14 =	vadd.f32 v12, v12;
	_ =	sdelay $0x1  }
0xc3: {  	v7 =	vmul.f32 v9, v7;
	v9 =	vtrunc.f32 v10;
	v10 =	vadd.f32 $-1.000000000e+00, v14;
	_ =	sdelay $0x1  }
0xc4: {  	v11 =	vmin.u32 v11, $0x7FF;
	v7 =	vsub.f32 $1.000000000e+00, v7;
	v10 =	vmul.f32 v10, v13  }
0xc5: {  	v8 =	vadd.s32 v0, v8;
	v5 =	vshll.u32 v5, $0xB;
	v9 =	vcvt.f32.s32 v9  }
0xc6: {  	vm9 =	vgt.f32 v6, $0.0e+00;
	v62 =	vmul.f32 $2.560000000e+02, v7;
	v10 =	vsub.f32 $1.000000000e+00, v10  }
0xc7: {  	v3 =	vshll.u32 v3, $0xB;
	v4 =	vshll.u32 v4, $0xB;
	vm0 =	vgt.s32 v9, $0x0  }
0xc8: {  	v9 =	vnsel vm0, $0x0, v9;
	v13 =	vtrunc.f32 v62;
	v63 =	vmul.f32 $2.560000000e+02, v10  }
0xc9: {  	v5 =	vadd.s32 v0, v5;
	v9 =	vmin.u32 v9, $0x7FF;
	v13 =	vcvt.f32.s32 v13  }
0xca: {  	v8 =	vor.u32 v8, v11;
	v5 =	vor.u32 v5, v9;
	v9 =	vtrunc.f32 v63  }
0xcb: {  	v6 =	vsel vm9, $0x3F800000, v1;
	[tilespmem:s28+$0x9000] =	vst v8;
	vm10 =	vgt.s32 v13, $0x0;
	v9 =	vcvt.f32.s32 v9  }
0xcc: {  	v3 =	vadd.s32 v0, v3;
	[tilespmem:s26+$0xB000] =	vst v6;
	vm11 =	vgt.f32 v7, $0.0e+00;
	v8 =	vnsel vm10, $0x0, v13  }
0xcd: {  	[tilespmem:s26+$0x9000] =	vst v5;
	v5 =	vsel vm11, $0x3F800000, v1;
	v6 =	vmin.u32 v8, $0x7FF;
	vm12 =	vgt.s32 v9, $0x0  }
0xce: {  	[tilespmem:s25+$0xB000] =	vst v5;
	vm13 =	vgt.f32 v10, $0.0e+00;
	v3 =	vor.u32 v3, v6;
	v5 =	vnsel vm12, $0x0, v9  }
0xcf: {  	v4 =	vadd.s32 v0, v4;
	[tilespmem:s25+$0x9000] =	vst v3;
	v3 =	vsel vm13, $0x3F800000, v1;
	v5 =	vmin.u32 v5, $0x7FF  }
0xd0: {  	[tilespmem:s29+$0xB000] =	vst v3;
	v3 =	vor.u32 v4, v5  }
0xd1: {  	[tilespmem:s29+$0x9000] =	vst v3  }
0xd2: {  	[spmem:s2] =	stream.indirect.scatter.add.f32 [tilespmem:s10], [sflag:$0x3], $0x1, s18, s17, $0xb8;
	[tilespmem:$0x11080] =	vst v63  }
0xd3: {  	_ =	swait.ge [sflag:s19], $0x2000  }
0xd4: {  	[sflag:s19] =	ssyncset.done $0x0  }
0xd5: {  	[sflag:s19] =	ssyncadd.s32 $0xFFFFE000  }
0xd6: {  	_ =	swait.ge [sflag:s19], $0x2000  }
0xd7: {  	[sflag:s19] =	ssyncset.done $0x0  }
0xd8: {  	s25 =	simm.s32 $0x0;
	s31 =	rddreg [dreg:$0x9];
	[sflag:s19] =	ssyncadd.s32 $0xFFFFE000  }
0xd9: {  	[tilespmem:s12], [sflag:$0x1] =	stream.linear.gather [hbm4b:s31+s25], $0x2000, $0x38;
	[tilespmem:$0x11080] =	vst v63  }
0xda: {  	s31 =	rddreg [dreg:$0xa]  }
0xdb: {  	[tilespmem:s13], [sflag:$0x1] =	stream.linear.gather [hbm4b:s31+s25], $0x2000, $0x38;
	[tilespmem:$0x11080] =	vst v63  }
0xdc: {  	_ =	swait.ge [sflag:s23], $0x2000  }
0xdd: {  	[sflag:s23] =	ssyncset.done $0x0  }
0xde: {  	s28 =	simm.s32 $0x0;
	[sflag:s23] =	ssyncadd.s32 $0xFFFFE000  }
0xdf: {  	v8 =	vld [tilespmem:s28+$0x7000];
	_ =	sdelay $0x3  }
0xe0: {  	s26 =	simm.s32 $0x10  }
0xe1: {  	v5 =	vld [tilespmem:s26+$0x7000];
	v4 =	vcvt.s32.f32 v8  }
0xe2: {  	v6 =	vld [tilespmem:s28+$0x5000]  }
0xe3: {  	v3 =	vadd.f32 v4, v4;
	_ =	sdelay $0x1  }
0xe4: {  	v7 =	vadd.f32 $-1.000000000e+00, v3;
	_ =	sdelay $0x1  }
0xe5: {  	v9 =	vcvt.s32.f32 v5;
	v6 =	vmul.f32 v7, v6  }
0xe6: {  	v2 =	vadd.f32 v12, v2;
	s25 =	simm.s32 $0x20;
	v7 =	vld [tilespmem:s26+$0x5000]  }
0xe7: {  	v10 =	vadd.f32 v9, v9;
	v3 =	vld [tilespmem:s25+$0x7000];
	v6 =	vsub.f32 $1.000000000e+00, v6;
	_ =	sdelay $0x1  }
0xe8: {  	v2 =	vadd.f32 v4, v2;
	v4 =	vadd.f32 $-1.000000000e+00, v10;
	v10 =	vmul.f32 $2.560000000e+02, v6;
	_ =	sdelay $0x1  }
0xe9: {  	s29 =	simm.s32 $0x30;
	v7 =	vmul.f32 v4, v7;
	v4 =	vtrunc.f32 v10  }
0xea: {  	v2 =	vadd.f32 v9, v2;
	v9 =	vcvt.s32.f32 v3;
	v11 =	vcvt.f32.s32 v4;
	v4 =	vld [tilespmem:s29+$0x7000]  }
0xeb: {  	vm14 =	vgt.f32 v6, $0.0e+00;
	v6 =	vsub.f32 $1.000000000e+00, v7;
	v7 =	vld [tilespmem:s25+$0x5000]  }
0xec: {  	v2 =	vadd.f32 v9, v2;
	v9 =	vadd.f32 v9, v9  }
0xed: {  	v8 =	vshll.u32 v8, $0xB;
	v10 =	vsel vm14, $0x3F800000, v1;
	vm15 =	vgt.s32 v11, $0x0  }
0xee: {  	s30 =	simm.s32 $0x100;
	[tilespmem:s28+$0xF000] =	vst v10;
	v9 =	vadd.f32 $-1.000000000e+00, v9;
	v10 =	vmul.f32 $2.560000000e+02, v6;
	v11 =	vnsel vm15, $0x0, v11  }
.LBB2_10:
0xef: {  	s31 =	sshra.s32 s30, $0x2;
	v12 =	vcvt.s32.f32 v4;
	v11 =	vmin.u32 v11, $0x7FF;
	v8 =	vadd.s32 v0, v8;
	v13 =	vmovc v4;
	p0 =	sne.s32 s30, $0x7FC0  }
.Ltmp4:
0xf0: {  	s30 =	sadd.s32 $0x40, s30;
	v4 =	vld [tilespmem:s31+$0x7000];
	v9 =	vmul.f32 v9, v7;
	v10 =	vtrunc.f32 v10;
	v8 =	vor.u32 v8, v11;
	(pc) =	sbr.rel @p0 .LBB2_10-.Ltmp4, $4  }
0xf1: {  	vm0 =	vgt.f32 v6, $0.0e+00;
	v7 =	vld [tilespmem:s29+$0x5000];
	v2 =	vadd.f32 v12, v2;
	v11 =	vcvt.f32.s32 v10;
	[tilespmem:s28+$0xD000] =	vst v8;
	s28 =	smov.u32 s26;
	s26 =	smov.u32 s25;
	s25 =	smov.u32 s29  }
0xf2: {  	v10 =	vadd.f32 v12, v12;
	s29 =	smov.u32 s31;
	v6 =	vsub.f32 $1.000000000e+00, v9;
	v9 =	vsel vm0, $0x3F800000, v1  }
0xf3: {  	v8 =	vshll.u32 v5, $0xB;
	v5 =	vmovc v3;
	v3 =	vmov v13;
	vm0 =	vgt.s32 v11, $0x0;
	[tilespmem:s28+$0xF000] =	vst v9  }
0xf4: {  	v9 =	vadd.f32 $-1.000000000e+00, v10;
	v10 =	vmul.f32 $2.560000000e+02, v6;
	v11 =	vnsel vm0, $0x0, v11  }
0xf5: {  	v12 =	vcvt.s32.f32 v4  }
0xf6: {  	v13 =	vld [tilespmem:s29+$0x5000]  }
0xf7: {  	v14 =	vadd.f32 v12, v12;
	_ =	sdelay $0x1  }
0xf8: {  	v7 =	vmul.f32 v9, v7;
	v9 =	vtrunc.f32 v10;
	v10 =	vadd.f32 $-1.000000000e+00, v14;
	_ =	sdelay $0x1  }
0xf9: {  	v11 =	vmin.u32 v11, $0x7FF;
	v7 =	vsub.f32 $1.000000000e+00, v7;
	v10 =	vmul.f32 v10, v13  }
0xfa: {  	v8 =	vadd.s32 v0, v8;
	v5 =	vshll.u32 v5, $0xB;
	v9 =	vcvt.f32.s32 v9  }
0xfb: {  	vm9 =	vgt.f32 v6, $0.0e+00;
	v62 =	vmul.f32 $2.560000000e+02, v7;
	v10 =	vsub.f32 $1.000000000e+00, v10  }
0xfc: {  	v3 =	vshll.u32 v3, $0xB;
	v4 =	vshll.u32 v4, $0xB;
	vm0 =	vgt.s32 v9, $0x0  }
0xfd: {  	v9 =	vnsel vm0, $0x0, v9;
	v13 =	vtrunc.f32 v62;
	v63 =	vmul.f32 $2.560000000e+02, v10  }
0xfe: {  	v5 =	vadd.s32 v0, v5;
	v9 =	vmin.u32 v9, $0x7FF;
	v13 =	vcvt.f32.s32 v13  }
0xff: {  	v8 =	vor.u32 v8, v11;
	v5 =	vor.u32 v5, v9;
	v9 =	vtrunc.f32 v63  }
0x100: {  	v6 =	vsel vm9, $0x3F800000, v1;
	[tilespmem:s28+$0xD000] =	vst v8;
	vm10 =	vgt.s32 v13, $0x0;
	v9 =	vcvt.f32.s32 v9  }
0x101: {  	v3 =	vadd.s32 v0, v3;
	[tilespmem:s26+$0xF000] =	vst v6;
	vm11 =	vgt.f32 v7, $0.0e+00;
	v8 =	vnsel vm10, $0x0, v13  }
0x102: {  	[tilespmem:s26+$0xD000] =	vst v5;
	v5 =	vsel vm11, $0x3F800000, v1;
	v6 =	vmin.u32 v8, $0x7FF;
	vm12 =	vgt.s32 v9, $0x0  }
0x103: {  	[tilespmem:s25+$0xF000] =	vst v5;
	vm13 =	vgt.f32 v10, $0.0e+00;
	v3 =	vor.u32 v3, v6;
	v5 =	vnsel vm12, $0x0, v9  }
0x104: {  	v4 =	vadd.s32 v0, v4;
	[tilespmem:s25+$0xD000] =	vst v3;
	v3 =	vsel vm13, $0x3F800000, v1;
	v5 =	vmin.u32 v5, $0x7FF  }
0x105: {  	[tilespmem:s29+$0xF000] =	vst v3;
	v3 =	vor.u32 v4, v5  }
0x106: {  	[tilespmem:s29+$0xD000] =	vst v3  }
0x107: {  	[spmem:s2] =	stream.indirect.scatter.add.f32 [tilespmem:s21], [sflag:$0x4], $0x1, s20, s17, $0xb8;
	[tilespmem:$0x11080] =	vst v63  }
0x108: {  	_ =	swait.ge [sflag:s14], $0x2000  }
0x109: {  	[sflag:s14] =	ssyncset.done $0x0  }
0x10a: {  	[sflag:s14] =	ssyncadd.s32 $0xFFFFE000  }
0x10b: {  	_ =	swait.ge [sflag:s14], $0x2000  }
0x10c: {  	[sflag:s14] =	ssyncset.done $0x0  }
0x10d: {  	s25 =	simm.s32 $0x0;
	s31 =	rddreg [dreg:$0xb];
	[sflag:s14] =	ssyncadd.s32 $0xFFFFE000  }
0x10e: {  	[tilespmem:s15], [sflag:$0x2] =	stream.linear.gather [hbm4b:s31+s25], $0x2000, $0x38;
	[tilespmem:$0x11080] =	vst v63  }
0x10f: {  	s31 =	rddreg [dreg:$0xc]  }
0x110: {  	[tilespmem:s16], [sflag:$0x2] =	stream.linear.gather [hbm4b:s31+s25], $0x2000, $0x38;
	[tilespmem:$0x11080] =	vst v63  }
0x111: {  	_ =	swait.ge [sflag:s22], $0x2000  }
0x112: {  	[sflag:s22] =	ssyncset.done $0x0  }
0x113: {  	s28 =	simm.s32 $0x0;
	[sflag:s22] =	ssyncadd.s32 $0xFFFFE000  }
0x114: {  	v8 =	vld [tilespmem:s28+$0x3000];
	_ =	sdelay $0x3  }
0x115: {  	s26 =	simm.s32 $0x10  }
0x116: {  	v5 =	vld [tilespmem:s26+$0x3000];
	v4 =	vcvt.s32.f32 v8  }
0x117: {  	v6 =	vld [tilespmem:s28+$0x1000]  }
0x118: {  	v3 =	vadd.f32 v4, v4;
	_ =	sdelay $0x1  }
0x119: {  	v7 =	vadd.f32 $-1.000000000e+00, v3;
	_ =	sdelay $0x1  }
0x11a: {  	v9 =	vcvt.s32.f32 v5;
	v6 =	vmul.f32 v7, v6  }
0x11b: {  	v2 =	vadd.f32 v12, v2;
	s25 =	simm.s32 $0x20;
	v7 =	vld [tilespmem:s26+$0x1000]  }
0x11c: {  	v10 =	vadd.f32 v9, v9;
	v3 =	vld [tilespmem:s25+$0x3000];
	v6 =	vsub.f32 $1.000000000e+00, v6;
	_ =	sdelay $0x1  }
0x11d: {  	v2 =	vadd.f32 v4, v2;
	v4 =	vadd.f32 $-1.000000000e+00, v10;
	v10 =	vmul.f32 $2.560000000e+02, v6;
	_ =	sdelay $0x1  }
0x11e: {  	s29 =	simm.s32 $0x30;
	v7 =	vmul.f32 v4, v7;
	v4 =	vtrunc.f32 v10  }
0x11f: {  	v2 =	vadd.f32 v9, v2;
	v9 =	vcvt.s32.f32 v3;
	v11 =	vcvt.f32.s32 v4;
	v4 =	vld [tilespmem:s29+$0x3000]  }
0x120: {  	vm14 =	vgt.f32 v6, $0.0e+00;
	v6 =	vsub.f32 $1.000000000e+00, v7;
	v7 =	vld [tilespmem:s25+$0x1000]  }
0x121: {  	v2 =	vadd.f32 v9, v2;
	v9 =	vadd.f32 v9, v9  }
0x122: {  	v8 =	vshll.u32 v8, $0xB;
	v10 =	vsel vm14, $0x3F800000, v1;
	vm15 =	vgt.s32 v11, $0x0  }
0x123: {  	s30 =	simm.s32 $0x100;
	[tilespmem:s28+$0xB000] =	vst v10;
	v9 =	vadd.f32 $-1.000000000e+00, v9;
	v10 =	vmul.f32 $2.560000000e+02, v6;
	v11 =	vnsel vm15, $0x0, v11  }
.LBB2_12:
0x124: {  	s31 =	sshra.s32 s30, $0x2;
	v12 =	vcvt.s32.f32 v4;
	v11 =	vmin.u32 v11, $0x7FF;
	v8 =	vadd.s32 v0, v8;
	v13 =	vmovc v4;
	p0 =	sne.s32 s30, $0x7FC0  }
.Ltmp5:
0x125: {  	s30 =	sadd.s32 $0x40, s30;
	v4 =	vld [tilespmem:s31+$0x3000];
	v9 =	vmul.f32 v9, v7;
	v10 =	vtrunc.f32 v10;
	v8 =	vor.u32 v8, v11;
	(pc) =	sbr.rel @p0 .LBB2_12-.Ltmp5, $4  }
0x126: {  	vm0 =	vgt.f32 v6, $0.0e+00;
	v7 =	vld [tilespmem:s29+$0x1000];
	v2 =	vadd.f32 v12, v2;
	v11 =	vcvt.f32.s32 v10;
	[tilespmem:s28+$0x9000] =	vst v8;
	s28 =	smov.u32 s26;
	s26 =	smov.u32 s25;
	s25 =	smov.u32 s29  }
0x127: {  	v10 =	vadd.f32 v12, v12;
	s29 =	smov.u32 s31;
	v6 =	vsub.f32 $1.000000000e+00, v9;
	v9 =	vsel vm0, $0x3F800000, v1  }
0x128: {  	v8 =	vshll.u32 v5, $0xB;
	v5 =	vmovc v3;
	v3 =	vmov v13;
	vm0 =	vgt.s32 v11, $0x0;
	[tilespmem:s28+$0xB000] =	vst v9  }
0x129: {  	v9 =	vadd.f32 $-1.000000000e+00, v10;
	v10 =	vmul.f32 $2.560000000e+02, v6;
	v11 =	vnsel vm0, $0x0, v11  }
0x12a: {  	v12 =	vcvt.s32.f32 v4  }
0x12b: {  	v13 =	vld [tilespmem:s29+$0x1000]  }
0x12c: {  	v14 =	vadd.f32 v12, v12;
	_ =	sdelay $0x1  }
0x12d: {  	v7 =	vmul.f32 v9, v7;
	v9 =	vtrunc.f32 v10;
	v10 =	vadd.f32 $-1.000000000e+00, v14;
	_ =	sdelay $0x1  }
0x12e: {  	v11 =	vmin.u32 v11, $0x7FF;
	v7 =	vsub.f32 $1.000000000e+00, v7;
	v10 =	vmul.f32 v10, v13  }
0x12f: {  	v8 =	vadd.s32 v0, v8;
	v5 =	vshll.u32 v5, $0xB;
	v9 =	vcvt.f32.s32 v9  }
0x130: {  	vm9 =	vgt.f32 v6, $0.0e+00;
	v62 =	vmul.f32 $2.560000000e+02, v7;
	v10 =	vsub.f32 $1.000000000e+00, v10  }
0x131: {  	v3 =	vshll.u32 v3, $0xB;
	v4 =	vshll.u32 v4, $0xB;
	vm0 =	vgt.s32 v9, $0x0  }
0x132: {  	v9 =	vnsel vm0, $0x0, v9;
	v13 =	vtrunc.f32 v62;
	v63 =	vmul.f32 $2.560000000e+02, v10  }
0x133: {  	v5 =	vadd.s32 v0, v5;
	v9 =	vmin.u32 v9, $0x7FF;
	v13 =	vcvt.f32.s32 v13  }
0x134: {  	v8 =	vor.u32 v8, v11;
	v5 =	vor.u32 v5, v9;
	v9 =	vtrunc.f32 v63  }
0x135: {  	v6 =	vsel vm9, $0x3F800000, v1;
	[tilespmem:s28+$0x9000] =	vst v8;
	vm10 =	vgt.s32 v13, $0x0;
	v9 =	vcvt.f32.s32 v9  }
0x136: {  	v3 =	vadd.s32 v0, v3;
	[tilespmem:s26+$0xB000] =	vst v6;
	vm11 =	vgt.f32 v7, $0.0e+00;
	v8 =	vnsel vm10, $0x0, v13  }
0x137: {  	[tilespmem:s26+$0x9000] =	vst v5;
	v5 =	vsel vm11, $0x3F800000, v1;
	v6 =	vmin.u32 v8, $0x7FF;
	vm12 =	vgt.s32 v9, $0x0  }
0x138: {  	[tilespmem:s25+$0xB000] =	vst v5;
	vm13 =	vgt.f32 v10, $0.0e+00;
	v3 =	vor.u32 v3, v6;
	v5 =	vnsel vm12, $0x0, v9  }
0x139: {  	v4 =	vadd.s32 v0, v4;
	[tilespmem:s25+$0x9000] =	vst v3;
	v3 =	vsel vm13, $0x3F800000, v1;
	v5 =	vmin.u32 v5, $0x7FF  }
0x13a: {  	[tilespmem:s29+$0xB000] =	vst v3;
	v3 =	vor.u32 v4, v5  }
0x13b: {  	[tilespmem:s29+$0x9000] =	vst v3  }
0x13c: {  	[spmem:s2] =	stream.indirect.scatter.add.f32 [tilespmem:s10], [sflag:$0x3], $0x1, s18, s17, $0xb8;
	[tilespmem:$0x11080] =	vst v63  }
0x13d: {  	_ =	swait.ge [sflag:s19], $0x2000  }
0x13e: {  	[sflag:s19] =	ssyncset.done $0x0  }
0x13f: {  	[sflag:s19] =	ssyncadd.s32 $0xFFFFE000  }
0x140: {  	_ =	swait.ge [sflag:s19], $0x2000  }
0x141: {  	[sflag:s19] =	ssyncset.done $0x0  }
0x142: {  	s25 =	simm.s32 $0x0;
	s31 =	rddreg [dreg:$0xd];
	[sflag:s19] =	ssyncadd.s32 $0xFFFFE000  }
0x143: {  	[tilespmem:s12], [sflag:$0x1] =	stream.linear.gather [hbm4b:s31+s25], $0x2000, $0x38;
	[tilespmem:$0x11080] =	vst v63  }
0x144: {  	s31 =	rddreg [dreg:$0xe]  }
0x145: {  	[tilespmem:s13], [sflag:$0x1] =	stream.linear.gather [hbm4b:s31+s25], $0x2000, $0x38;
	[tilespmem:$0x11080] =	vst v63  }
0x146: {  	_ =	swait.ge [sflag:s23], $0x2000  }
0x147: {  	[sflag:s23] =	ssyncset.done $0x0  }
0x148: {  	s28 =	simm.s32 $0x0;
	[sflag:s23] =	ssyncadd.s32 $0xFFFFE000  }
0x149: {  	v8 =	vld [tilespmem:s28+$0x7000];
	_ =	sdelay $0x3  }
0x14a: {  	s26 =	simm.s32 $0x10  }
0x14b: {  	v5 =	vld [tilespmem:s26+$0x7000];
	v4 =	vcvt.s32.f32 v8  }
0x14c: {  	v6 =	vld [tilespmem:s28+$0x5000]  }
0x14d: {  	v3 =	vadd.f32 v4, v4;
	_ =	sdelay $0x1  }
0x14e: {  	v7 =	vadd.f32 $-1.000000000e+00, v3;
	_ =	sdelay $0x1  }
0x14f: {  	v9 =	vcvt.s32.f32 v5;
	v6 =	vmul.f32 v7, v6  }
0x150: {  	v2 =	vadd.f32 v12, v2;
	s25 =	simm.s32 $0x20;
	v7 =	vld [tilespmem:s26+$0x5000]  }
0x151: {  	v10 =	vadd.f32 v9, v9;
	v3 =	vld [tilespmem:s25+$0x7000];
	v6 =	vsub.f32 $1.000000000e+00, v6;
	_ =	sdelay $0x1  }
0x152: {  	v2 =	vadd.f32 v4, v2;
	v4 =	vadd.f32 $-1.000000000e+00, v10;
	v10 =	vmul.f32 $2.560000000e+02, v6;
	_ =	sdelay $0x1  }
0x153: {  	s29 =	simm.s32 $0x30;
	v7 =	vmul.f32 v4, v7;
	v4 =	vtrunc.f32 v10  }
0x154: {  	v2 =	vadd.f32 v9, v2;
	v9 =	vcvt.s32.f32 v3;
	v11 =	vcvt.f32.s32 v4;
	v4 =	vld [tilespmem:s29+$0x7000]  }
0x155: {  	vm14 =	vgt.f32 v6, $0.0e+00;
	v6 =	vsub.f32 $1.000000000e+00, v7;
	v7 =	vld [tilespmem:s25+$0x5000]  }
0x156: {  	v2 =	vadd.f32 v9, v2;
	v9 =	vadd.f32 v9, v9  }
0x157: {  	v8 =	vshll.u32 v8, $0xB;
	v10 =	vsel vm14, $0x3F800000, v1;
	vm15 =	vgt.s32 v11, $0x0  }
0x158: {  	s30 =	simm.s32 $0x100;
	[tilespmem:s28+$0xF000] =	vst v10;
	v9 =	vadd.f32 $-1.000000000e+00, v9;
	v10 =	vmul.f32 $2.560000000e+02, v6;
	v11 =	vnsel vm15, $0x0, v11  }
.LBB2_14:
0x159: {  	s31 =	sshra.s32 s30, $0x2;
	v12 =	vcvt.s32.f32 v4;
	v11 =	vmin.u32 v11, $0x7FF;
	v8 =	vadd.s32 v0, v8;
	v13 =	vmovc v4;
	p0 =	sne.s32 s30, $0x7FC0  }
.Ltmp6:
0x15a: {  	s30 =	sadd.s32 $0x40, s30;
	v4 =	vld [tilespmem:s31+$0x7000];
	v9 =	vmul.f32 v9, v7;
	v10 =	vtrunc.f32 v10;
	v8 =	vor.u32 v8, v11;
	(pc) =	sbr.rel @p0 .LBB2_14-.Ltmp6, $4  }
0x15b: {  	vm0 =	vgt.f32 v6, $0.0e+00;
	v7 =	vld [tilespmem:s29+$0x5000];
	v2 =	vadd.f32 v12, v2;
	v11 =	vcvt.f32.s32 v10;
	[tilespmem:s28+$0xD000] =	vst v8;
	s28 =	smov.u32 s26;
	s26 =	smov.u32 s25;
	s25 =	smov.u32 s29  }
0x15c: {  	v10 =	vadd.f32 v12, v12;
	s29 =	smov.u32 s31;
	v6 =	vsub.f32 $1.000000000e+00, v9;
	v9 =	vsel vm0, $0x3F800000, v1  }
0x15d: {  	v8 =	vshll.u32 v5, $0xB;
	v5 =	vmovc v3;
	v3 =	vmov v13;
	vm0 =	vgt.s32 v11, $0x0;
	[tilespmem:s28+$0xF000] =	vst v9  }
0x15e: {  	v9 =	vadd.f32 $-1.000000000e+00, v10;
	v10 =	vmul.f32 $2.560000000e+02, v6;
	v11 =	vnsel vm0, $0x0, v11  }
0x15f: {  	v12 =	vcvt.s32.f32 v4  }
0x160: {  	v13 =	vld [tilespmem:s29+$0x5000]  }
0x161: {  	v14 =	vadd.f32 v12, v12;
	_ =	sdelay $0x1  }
0x162: {  	v7 =	vmul.f32 v9, v7;
	v9 =	vtrunc.f32 v10;
	v10 =	vadd.f32 $-1.000000000e+00, v14;
	_ =	sdelay $0x1  }
0x163: {  	v11 =	vmin.u32 v11, $0x7FF;
	v7 =	vsub.f32 $1.000000000e+00, v7;
	v10 =	vmul.f32 v10, v13  }
0x164: {  	v8 =	vadd.s32 v0, v8;
	v5 =	vshll.u32 v5, $0xB;
	v9 =	vcvt.f32.s32 v9  }
0x165: {  	vm9 =	vgt.f32 v6, $0.0e+00;
	v62 =	vmul.f32 $2.560000000e+02, v7;
	v10 =	vsub.f32 $1.000000000e+00, v10  }
0x166: {  	v3 =	vshll.u32 v3, $0xB;
	v4 =	vshll.u32 v4, $0xB;
	vm0 =	vgt.s32 v9, $0x0  }
0x167: {  	v9 =	vnsel vm0, $0x0, v9;
	v13 =	vtrunc.f32 v62;
	v63 =	vmul.f32 $2.560000000e+02, v10  }
0x168: {  	v5 =	vadd.s32 v0, v5;
	v9 =	vmin.u32 v9, $0x7FF;
	v13 =	vcvt.f32.s32 v13  }
0x169: {  	v8 =	vor.u32 v8, v11;
	v5 =	vor.u32 v5, v9;
	v9 =	vtrunc.f32 v63  }
0x16a: {  	v6 =	vsel vm9, $0x3F800000, v1;
	[tilespmem:s28+$0xD000] =	vst v8;
	vm10 =	vgt.s32 v13, $0x0;
	v9 =	vcvt.f32.s32 v9  }
0x16b: {  	v3 =	vadd.s32 v0, v3;
	[tilespmem:s26+$0xF000] =	vst v6;
	vm11 =	vgt.f32 v7, $0.0e+00;
	v8 =	vnsel vm10, $0x0, v13  }
0x16c: {  	[tilespmem:s26+$0xD000] =	vst v5;
	v5 =	vsel vm11, $0x3F800000, v1;
	v6 =	vmin.u32 v8, $0x7FF;
	vm12 =	vgt.s32 v9, $0x0  }
0x16d: {  	[tilespmem:s25+$0xF000] =	vst v5;
	vm13 =	vgt.f32 v10, $0.0e+00;
	v3 =	vor.u32 v3, v6;
	v5 =	vnsel vm12, $0x0, v9  }
0x16e: {  	v4 =	vadd.s32 v0, v4;
	[tilespmem:s25+$0xD000] =	vst v3;
	v3 =	vsel vm13, $0x3F800000, v1;
	v5 =	vmin.u32 v5, $0x7FF  }
0x16f: {  	[tilespmem:s29+$0xF000] =	vst v3;
	v3 =	vor.u32 v4, v5  }
0x170: {  	[tilespmem:s29+$0xD000] =	vst v3  }
0x171: {  	[spmem:s2] =	stream.indirect.scatter.add.f32 [tilespmem:s21], [sflag:$0x4], $0x1, s20, s17, $0xb8;
	[tilespmem:$0x11080] =	vst v63  }
0x172: {  	_ =	swait.ge [sflag:s14], $0x2000  }
0x173: {  	[sflag:s14] =	ssyncset.done $0x0  }
0x174: {  	[sflag:s14] =	ssyncadd.s32 $0xFFFFE000  }
0x175: {  	_ =	swait.ge [sflag:s14], $0x2000  }
0x176: {  	[sflag:s14] =	ssyncset.done $0x0  }
0x177: {  	s25 =	simm.s32 $0x0;
	s31 =	rddreg [dreg:$0xf];
	[sflag:s14] =	ssyncadd.s32 $0xFFFFE000  }
0x178: {  	[tilespmem:s15], [sflag:$0x2] =	stream.linear.gather [hbm4b:s31+s25], $0x2000, $0x38;
	[tilespmem:$0x11080] =	vst v63  }
0x179: {  	s31 =	rddreg [dreg:$0x10]  }
0x17a: {  	[tilespmem:s16], [sflag:$0x2] =	stream.linear.gather [hbm4b:s31+s25], $0x2000, $0x38;
	[tilespmem:$0x11080] =	vst v63  }
0x17b: {  	_ =	swait.ge [sflag:s22], $0x2000  }
0x17c: {  	[sflag:s22] =	ssyncset.done $0x0  }
0x17d: {  	s28 =	simm.s32 $0x0;
	[sflag:s22] =	ssyncadd.s32 $0xFFFFE000  }
0x17e: {  	v8 =	vld [tilespmem:s28+$0x3000];
	_ =	sdelay $0x3  }
0x17f: {  	s26 =	simm.s32 $0x10  }
0x180: {  	v5 =	vld [tilespmem:s26+$0x3000];
	v4 =	vcvt.s32.f32 v8  }
0x181: {  	v6 =	vld [tilespmem:s28+$0x1000]  }
0x182: {  	v3 =	vadd.f32 v4, v4;
	_ =	sdelay $0x1  }
0x183: {  	v7 =	vadd.f32 $-1.000000000e+00, v3;
	_ =	sdelay $0x1  }
0x184: {  	v9 =	vcvt.s32.f32 v5;
	v6 =	vmul.f32 v7, v6  }
0x185: {  	v2 =	vadd.f32 v12, v2;
	s25 =	simm.s32 $0x20;
	v7 =	vld [tilespmem:s26+$0x1000]  }
0x186: {  	v10 =	vadd.f32 v9, v9;
	v3 =	vld [tilespmem:s25+$0x3000];
	v6 =	vsub.f32 $1.000000000e+00, v6;
	_ =	sdelay $0x1  }
0x187: {  	v2 =	vadd.f32 v4, v2;
	v4 =	vadd.f32 $-1.000000000e+00, v10;
	v10 =	vmul.f32 $2.560000000e+02, v6;
	_ =	sdelay $0x1  }
0x188: {  	s29 =	simm.s32 $0x30;
	v7 =	vmul.f32 v4, v7;
	v4 =	vtrunc.f32 v10  }
0x189: {  	v2 =	vadd.f32 v9, v2;
	v9 =	vcvt.s32.f32 v3;
	v11 =	vcvt.f32.s32 v4;
	v4 =	vld [tilespmem:s29+$0x3000]  }
0x18a: {  	vm14 =	vgt.f32 v6, $0.0e+00;
	v6 =	vsub.f32 $1.000000000e+00, v7;
	v7 =	vld [tilespmem:s25+$0x1000]  }
0x18b: {  	v2 =	vadd.f32 v9, v2;
	v9 =	vadd.f32 v9, v9  }
0x18c: {  	v8 =	vshll.u32 v8, $0xB;
	v10 =	vsel vm14, $0x3F800000, v1;
	vm15 =	vgt.s32 v11, $0x0  }
0x18d: {  	s30 =	simm.s32 $0x100;
	[tilespmem:s28+$0xB000] =	vst v10;
	v9 =	vadd.f32 $-1.000000000e+00, v9;
	v10 =	vmul.f32 $2.560000000e+02, v6;
	v11 =	vnsel vm15, $0x0, v11  }
.LBB2_16:
0x18e: {  	s31 =	sshra.s32 s30, $0x2;
	v12 =	vcvt.s32.f32 v4;
	v11 =	vmin.u32 v11, $0x7FF;
	v8 =	vadd.s32 v0, v8;
	v13 =	vmovc v4;
	p0 =	sne.s32 s30, $0x7FC0  }
.Ltmp7:
0x18f: {  	s30 =	sadd.s32 $0x40, s30;
	v4 =	vld [tilespmem:s31+$0x3000];
	v9 =	vmul.f32 v9, v7;
	v10 =	vtrunc.f32 v10;
	v8 =	vor.u32 v8, v11;
	(pc) =	sbr.rel @p0 .LBB2_16-.Ltmp7, $4  }
0x190: {  	vm0 =	vgt.f32 v6, $0.0e+00;
	v7 =	vld [tilespmem:s29+$0x1000];
	v2 =	vadd.f32 v12, v2;
	v11 =	vcvt.f32.s32 v10;
	[tilespmem:s28+$0x9000] =	vst v8;
	s28 =	smov.u32 s26;
	s26 =	smov.u32 s25;
	s25 =	smov.u32 s29  }
0x191: {  	v10 =	vadd.f32 v12, v12;
	s29 =	smov.u32 s31;
	v6 =	vsub.f32 $1.000000000e+00, v9;
	v9 =	vsel vm0, $0x3F800000, v1  }
0x192: {  	v8 =	vshll.u32 v5, $0xB;
	v5 =	vmovc v3;
	v3 =	vmov v13;
	vm0 =	vgt.s32 v11, $0x0;
	[tilespmem:s28+$0xB000] =	vst v9  }
0x193: {  	v9 =	vadd.f32 $-1.000000000e+00, v10;
	v10 =	vmul.f32 $2.560000000e+02, v6;
	v11 =	vnsel vm0, $0x0, v11  }
0x194: {  	v12 =	vcvt.s32.f32 v4  }
0x195: {  	v13 =	vld [tilespmem:s29+$0x1000]  }
0x196: {  	v14 =	vadd.f32 v12, v12;
	_ =	sdelay $0x1  }
0x197: {  	v7 =	vmul.f32 v9, v7;
	v9 =	vtrunc.f32 v10;
	v10 =	vadd.f32 $-1.000000000e+00, v14;
	_ =	sdelay $0x1  }
0x198: {  	v11 =	vmin.u32 v11, $0x7FF;
	v7 =	vsub.f32 $1.000000000e+00, v7;
	v10 =	vmul.f32 v10, v13  }
0x199: {  	v8 =	vadd.s32 v0, v8;
	v5 =	vshll.u32 v5, $0xB;
	v9 =	vcvt.f32.s32 v9  }
0x19a: {  	vm9 =	vgt.f32 v6, $0.0e+00;
	v62 =	vmul.f32 $2.560000000e+02, v7;
	v10 =	vsub.f32 $1.000000000e+00, v10  }
0x19b: {  	v3 =	vshll.u32 v3, $0xB;
	v4 =	vshll.u32 v4, $0xB;
	vm0 =	vgt.s32 v9, $0x0  }
0x19c: {  	v9 =	vnsel vm0, $0x0, v9;
	v13 =	vtrunc.f32 v62;
	v63 =	vmul.f32 $2.560000000e+02, v10  }
0x19d: {  	v5 =	vadd.s32 v0, v5;
	v9 =	vmin.u32 v9, $0x7FF;
	v13 =	vcvt.f32.s32 v13  }
0x19e: {  	v8 =	vor.u32 v8, v11;
	v5 =	vor.u32 v5, v9;
	v9 =	vtrunc.f32 v63  }
0x19f: {  	v6 =	vsel vm9, $0x3F800000, v1;
	[tilespmem:s28+$0x9000] =	vst v8;
	vm10 =	vgt.s32 v13, $0x0;
	v9 =	vcvt.f32.s32 v9  }
0x1a0: {  	v3 =	vadd.s32 v0, v3;
	[tilespmem:s26+$0xB000] =	vst v6;
	vm11 =	vgt.f32 v7, $0.0e+00;
	v8 =	vnsel vm10, $0x0, v13  }
0x1a1: {  	[tilespmem:s26+$0x9000] =	vst v5;
	v5 =	vsel vm11, $0x3F800000, v1;
	v6 =	vmin.u32 v8, $0x7FF;
	vm12 =	vgt.s32 v9, $0x0  }
0x1a2: {  	[tilespmem:s25+$0xB000] =	vst v5;
	vm13 =	vgt.f32 v10, $0.0e+00;
	v3 =	vor.u32 v3, v6;
	v5 =	vnsel vm12, $0x0, v9  }
0x1a3: {  	v4 =	vadd.s32 v0, v4;
	[tilespmem:s25+$0x9000] =	vst v3;
	v3 =	vsel vm13, $0x3F800000, v1;
	v5 =	vmin.u32 v5, $0x7FF  }
0x1a4: {  	[tilespmem:s29+$0xB000] =	vst v3;
	v3 =	vor.u32 v4, v5  }
0x1a5: {  	[tilespmem:s29+$0x9000] =	vst v3  }
0x1a6: {  	[spmem:s2] =	stream.indirect.scatter.add.f32 [tilespmem:s10], [sflag:$0x3], $0x1, s18, s17, $0xb8;
	[tilespmem:$0x11080] =	vst v63  }
0x1a7: {  	_ =	swait.ge [sflag:s19], $0x2000  }
0x1a8: {  	[sflag:s19] =	ssyncset.done $0x0  }
0x1a9: {  	[sflag:s19] =	ssyncadd.s32 $0xFFFFE000  }
0x1aa: {  	_ =	swait.ge [sflag:s19], $0x2000  }
0x1ab: {  	[sflag:s19] =	ssyncset.done $0x0  }
0x1ac: {  	s25 =	simm.s32 $0x0;
	s31 =	rddreg [dreg:$0x11];
	[sflag:s19] =	ssyncadd.s32 $0xFFFFE000  }
0x1ad: {  	[tilespmem:s12], [sflag:$0x1] =	stream.linear.gather [hbm4b:s31+s25], $0x2000, $0x38;
	[tilespmem:$0x11080] =	vst v63  }
0x1ae: {  	s31 =	rddreg [dreg:$0x12]  }
0x1af: {  	[tilespmem:s13], [sflag:$0x1] =	stream.linear.gather [hbm4b:s31+s25], $0x2000, $0x38;
	[tilespmem:$0x11080] =	vst v63  }
0x1b0: {  	_ =	swait.ge [sflag:s23], $0x2000  }
0x1b1: {  	[sflag:s23] =	ssyncset.done $0x0  }
0x1b2: {  	s28 =	simm.s32 $0x0;
	[sflag:s23] =	ssyncadd.s32 $0xFFFFE000  }
0x1b3: {  	v8 =	vld [tilespmem:s28+$0x7000];
	_ =	sdelay $0x3  }
0x1b4: {  	s26 =	simm.s32 $0x10  }
0x1b5: {  	v5 =	vld [tilespmem:s26+$0x7000];
	v4 =	vcvt.s32.f32 v8  }
0x1b6: {  	v6 =	vld [tilespmem:s28+$0x5000]  }
0x1b7: {  	v3 =	vadd.f32 v4, v4;
	_ =	sdelay $0x1  }
0x1b8: {  	v7 =	vadd.f32 $-1.000000000e+00, v3;
	_ =	sdelay $0x1  }
0x1b9: {  	v9 =	vcvt.s32.f32 v5;
	v6 =	vmul.f32 v7, v6  }
0x1ba: {  	v2 =	vadd.f32 v12, v2;
	s25 =	simm.s32 $0x20;
	v7 =	vld [tilespmem:s26+$0x5000]  }
0x1bb: {  	v10 =	vadd.f32 v9, v9;
	v3 =	vld [tilespmem:s25+$0x7000];
	v6 =	vsub.f32 $1.000000000e+00, v6;
	_ =	sdelay $0x1  }
0x1bc: {  	v2 =	vadd.f32 v4, v2;
	v4 =	vadd.f32 $-1.000000000e+00, v10;
	v10 =	vmul.f32 $2.560000000e+02, v6;
	_ =	sdelay $0x1  }
0x1bd: {  	s29 =	simm.s32 $0x30;
	v7 =	vmul.f32 v4, v7;
	v4 =	vtrunc.f32 v10  }
0x1be: {  	v2 =	vadd.f32 v9, v2;
	v9 =	vcvt.s32.f32 v3;
	v11 =	vcvt.f32.s32 v4;
	v4 =	vld [tilespmem:s29+$0x7000]  }
0x1bf: {  	vm14 =	vgt.f32 v6, $0.0e+00;
	v6 =	vsub.f32 $1.000000000e+00, v7;
	v7 =	vld [tilespmem:s25+$0x5000]  }
0x1c0: {  	v2 =	vadd.f32 v9, v2;
	v9 =	vadd.f32 v9, v9  }
0x1c1: {  	v8 =	vshll.u32 v8, $0xB;
	v10 =	vsel vm14, $0x3F800000, v1;
	vm15 =	vgt.s32 v11, $0x0  }
0x1c2: {  	s30 =	simm.s32 $0x100;
	[tilespmem:s28+$0xF000] =	vst v10;
	v9 =	vadd.f32 $-1.000000000e+00, v9;
	v10 =	vmul.f32 $2.560000000e+02, v6;
	v11 =	vnsel vm15, $0x0, v11  }
.LBB2_18:
0x1c3: {  	s31 =	sshra.s32 s30, $0x2;
	v12 =	vcvt.s32.f32 v4;
	v11 =	vmin.u32 v11, $0x7FF;
	v8 =	vadd.s32 v0, v8;
	v13 =	vmovc v4;
	p0 =	sne.s32 s30, $0x7FC0  }
.Ltmp8:
0x1c4: {  	s30 =	sadd.s32 $0x40, s30;
	v4 =	vld [tilespmem:s31+$0x7000];
	v9 =	vmul.f32 v9, v7;
	v10 =	vtrunc.f32 v10;
	v8 =	vor.u32 v8, v11;
	(pc) =	sbr.rel @p0 .LBB2_18-.Ltmp8, $4  }
0x1c5: {  	vm0 =	vgt.f32 v6, $0.0e+00;
	v7 =	vld [tilespmem:s29+$0x5000];
	v2 =	vadd.f32 v12, v2;
	v11 =	vcvt.f32.s32 v10;
	[tilespmem:s28+$0xD000] =	vst v8;
	s28 =	smov.u32 s26;
	s26 =	smov.u32 s25;
	s25 =	smov.u32 s29  }
0x1c6: {  	v10 =	vadd.f32 v12, v12;
	s29 =	smov.u32 s31;
	v6 =	vsub.f32 $1.000000000e+00, v9;
	v9 =	vsel vm0, $0x3F800000, v1  }
0x1c7: {  	v8 =	vshll.u32 v5, $0xB;
	v5 =	vmovc v3;
	v3 =	vmov v13;
	vm0 =	vgt.s32 v11, $0x0;
	[tilespmem:s28+$0xF000] =	vst v9  }
0x1c8: {  	v9 =	vadd.f32 $-1.000000000e+00, v10;
	v10 =	vmul.f32 $2.560000000e+02, v6;
	v11 =	vnsel vm0, $0x0, v11  }
0x1c9: {  	v12 =	vcvt.s32.f32 v4  }
0x1ca: {  	v13 =	vld [tilespmem:s29+$0x5000]  }
0x1cb: {  	v14 =	vadd.f32 v12, v12;
	_ =	sdelay $0x1  }
0x1cc: {  	v7 =	vmul.f32 v9, v7;
	v9 =	vtrunc.f32 v10;
	v10 =	vadd.f32 $-1.000000000e+00, v14;
	_ =	sdelay $0x1  }
0x1cd: {  	v11 =	vmin.u32 v11, $0x7FF;
	v7 =	vsub.f32 $1.000000000e+00, v7;
	v10 =	vmul.f32 v10, v13  }
0x1ce: {  	v8 =	vadd.s32 v0, v8;
	v5 =	vshll.u32 v5, $0xB;
	v9 =	vcvt.f32.s32 v9  }
0x1cf: {  	vm9 =	vgt.f32 v6, $0.0e+00;
	v62 =	vmul.f32 $2.560000000e+02, v7;
	v10 =	vsub.f32 $1.000000000e+00, v10  }
0x1d0: {  	v3 =	vshll.u32 v3, $0xB;
	v4 =	vshll.u32 v4, $0xB;
	vm0 =	vgt.s32 v9, $0x0  }
0x1d1: {  	v9 =	vnsel vm0, $0x0, v9;
	v13 =	vtrunc.f32 v62;
	v63 =	vmul.f32 $2.560000000e+02, v10  }
0x1d2: {  	v5 =	vadd.s32 v0, v5;
	v9 =	vmin.u32 v9, $0x7FF;
	v13 =	vcvt.f32.s32 v13  }
0x1d3: {  	v8 =	vor.u32 v8, v11;
	v5 =	vor.u32 v5, v9;
	v9 =	vtrunc.f32 v63  }
0x1d4: {  	v6 =	vsel vm9, $0x3F800000, v1;
	[tilespmem:s28+$0xD000] =	vst v8;
	vm10 =	vgt.s32 v13, $0x0;
	v9 =	vcvt.f32.s32 v9  }
0x1d5: {  	v3 =	vadd.s32 v0, v3;
	[tilespmem:s26+$0xF000] =	vst v6;
	vm11 =	vgt.f32 v7, $0.0e+00;
	v8 =	vnsel vm10, $0x0, v13  }
0x1d6: {  	[tilespmem:s26+$0xD000] =	vst v5;
	v5 =	vsel vm11, $0x3F800000, v1;
	v6 =	vmin.u32 v8, $0x7FF;
	vm12 =	vgt.s32 v9, $0x0  }
0x1d7: {  	[tilespmem:s25+$0xF000] =	vst v5;
	vm13 =	vgt.f32 v10, $0.0e+00;
	v3 =	vor.u32 v3, v6;
	v5 =	vnsel vm12, $0x0, v9  }
0x1d8: {  	v4 =	vadd.s32 v0, v4;
	[tilespmem:s25+$0xD000] =	vst v3;
	v3 =	vsel vm13, $0x3F800000, v1;
	v5 =	vmin.u32 v5, $0x7FF  }
0x1d9: {  	[tilespmem:s29+$0xF000] =	vst v3;
	v3 =	vor.u32 v4, v5  }
0x1da: {  	[tilespmem:s29+$0xD000] =	vst v3  }
0x1db: {  	[spmem:s2] =	stream.indirect.scatter.add.f32 [tilespmem:s21], [sflag:$0x4], $0x1, s20, s17, $0xb8;
	[tilespmem:$0x11080] =	vst v63  }
0x1dc: {  	_ =	swait.ge [sflag:s14], $0x2000  }
0x1dd: {  	[sflag:s14] =	ssyncset.done $0x0  }
0x1de: {  	[sflag:s14] =	ssyncadd.s32 $0xFFFFE000  }
0x1df: {  	_ =	swait.ge [sflag:s14], $0x2000  }
0x1e0: {  	[sflag:s14] =	ssyncset.done $0x0  }
0x1e1: {  	s25 =	simm.s32 $0x0;
	s31 =	rddreg [dreg:$0x13];
	[sflag:s14] =	ssyncadd.s32 $0xFFFFE000  }
0x1e2: {  	[tilespmem:s15], [sflag:$0x2] =	stream.linear.gather [hbm4b:s31+s25], $0x2000, $0x38;
	[tilespmem:$0x11080] =	vst v63  }
0x1e3: {  	s31 =	rddreg [dreg:$0x14]  }
0x1e4: {  	[tilespmem:s16], [sflag:$0x2] =	stream.linear.gather [hbm4b:s31+s25], $0x2000, $0x38;
	[tilespmem:$0x11080] =	vst v63  }
0x1e5: {  	_ =	swait.ge [sflag:s22], $0x2000  }
0x1e6: {  	[sflag:s22] =	ssyncset.done $0x0  }
0x1e7: {  	s28 =	simm.s32 $0x0;
	[sflag:s22] =	ssyncadd.s32 $0xFFFFE000  }
0x1e8: {  	v8 =	vld [tilespmem:s28+$0x3000];
	_ =	sdelay $0x3  }
0x1e9: {  	s26 =	simm.s32 $0x10  }
0x1ea: {  	v5 =	vld [tilespmem:s26+$0x3000];
	v4 =	vcvt.s32.f32 v8  }
0x1eb: {  	v6 =	vld [tilespmem:s28+$0x1000]  }
0x1ec: {  	v3 =	vadd.f32 v4, v4;
	_ =	sdelay $0x1  }
0x1ed: {  	v7 =	vadd.f32 $-1.000000000e+00, v3;
	_ =	sdelay $0x1  }
0x1ee: {  	v9 =	vcvt.s32.f32 v5;
	v6 =	vmul.f32 v7, v6  }
0x1ef: {  	v2 =	vadd.f32 v12, v2;
	s25 =	simm.s32 $0x20;
	v7 =	vld [tilespmem:s26+$0x1000]  }
0x1f0: {  	v10 =	vadd.f32 v9, v9;
	v3 =	vld [tilespmem:s25+$0x3000];
	v6 =	vsub.f32 $1.000000000e+00, v6;
	_ =	sdelay $0x1  }
0x1f1: {  	v2 =	vadd.f32 v4, v2;
	v4 =	vadd.f32 $-1.000000000e+00, v10;
	v10 =	vmul.f32 $2.560000000e+02, v6;
	_ =	sdelay $0x1  }
0x1f2: {  	s29 =	simm.s32 $0x30;
	v7 =	vmul.f32 v4, v7;
	v4 =	vtrunc.f32 v10  }
0x1f3: {  	v2 =	vadd.f32 v9, v2;
	v9 =	vcvt.s32.f32 v3;
	v11 =	vcvt.f32.s32 v4;
	v4 =	vld [tilespmem:s29+$0x3000]  }
0x1f4: {  	vm14 =	vgt.f32 v6, $0.0e+00;
	v6 =	vsub.f32 $1.000000000e+00, v7;
	v7 =	vld [tilespmem:s25+$0x1000]  }
0x1f5: {  	v2 =	vadd.f32 v9, v2;
	v9 =	vadd.f32 v9, v9  }
0x1f6: {  	v8 =	vshll.u32 v8, $0xB;
	v10 =	vsel vm14, $0x3F800000, v1;
	vm15 =	vgt.s32 v11, $0x0  }
0x1f7: {  	s30 =	simm.s32 $0x100;
	[tilespmem:s28+$0xB000] =	vst v10;
	v9 =	vadd.f32 $-1.000000000e+00, v9;
	v10 =	vmul.f32 $2.560000000e+02, v6;
	v11 =	vnsel vm15, $0x0, v11  }
.LBB2_20:
0x1f8: {  	s31 =	sshra.s32 s30, $0x2;
	v12 =	vcvt.s32.f32 v4;
	v11 =	vmin.u32 v11, $0x7FF;
	v8 =	vadd.s32 v0, v8;
	v13 =	vmovc v4;
	p0 =	sne.s32 s30, $0x7FC0  }
.Ltmp9:
0x1f9: {  	s30 =	sadd.s32 $0x40, s30;
	v4 =	vld [tilespmem:s31+$0x3000];
	v9 =	vmul.f32 v9, v7;
	v10 =	vtrunc.f32 v10;
	v8 =	vor.u32 v8, v11;
	(pc) =	sbr.rel @p0 .LBB2_20-.Ltmp9, $4  }
0x1fa: {  	vm0 =	vgt.f32 v6, $0.0e+00;
	v7 =	vld [tilespmem:s29+$0x1000];
	v2 =	vadd.f32 v12, v2;
	v11 =	vcvt.f32.s32 v10;
	[tilespmem:s28+$0x9000] =	vst v8;
	s28 =	smov.u32 s26;
	s26 =	smov.u32 s25;
	s25 =	smov.u32 s29  }
0x1fb: {  	v10 =	vadd.f32 v12, v12;
	s29 =	smov.u32 s31;
	v6 =	vsub.f32 $1.000000000e+00, v9;
	v9 =	vsel vm0, $0x3F800000, v1  }
0x1fc: {  	v8 =	vshll.u32 v5, $0xB;
	v5 =	vmovc v3;
	v3 =	vmov v13;
	vm0 =	vgt.s32 v11, $0x0;
	[tilespmem:s28+$0xB000] =	vst v9  }
0x1fd: {  	v9 =	vadd.f32 $-1.000000000e+00, v10;
	v10 =	vmul.f32 $2.560000000e+02, v6;
	v11 =	vnsel vm0, $0x0, v11  }
0x1fe: {  	v12 =	vcvt.s32.f32 v4  }
0x1ff: {  	v13 =	vld [tilespmem:s29+$0x1000]  }
0x200: {  	v14 =	vadd.f32 v12, v12;
	_ =	sdelay $0x1  }
0x201: {  	v7 =	vmul.f32 v9, v7;
	v9 =	vtrunc.f32 v10;
	v10 =	vadd.f32 $-1.000000000e+00, v14;
	_ =	sdelay $0x1  }
0x202: {  	v11 =	vmin.u32 v11, $0x7FF;
	v7 =	vsub.f32 $1.000000000e+00, v7;
	v10 =	vmul.f32 v10, v13  }
0x203: {  	v8 =	vadd.s32 v0, v8;
	v5 =	vshll.u32 v5, $0xB;
	v9 =	vcvt.f32.s32 v9  }
0x204: {  	vm9 =	vgt.f32 v6, $0.0e+00;
	v62 =	vmul.f32 $2.560000000e+02, v7;
	v10 =	vsub.f32 $1.000000000e+00, v10  }
0x205: {  	v3 =	vshll.u32 v3, $0xB;
	v4 =	vshll.u32 v4, $0xB;
	vm0 =	vgt.s32 v9, $0x0  }
0x206: {  	v9 =	vnsel vm0, $0x0, v9;
	v13 =	vtrunc.f32 v62;
	v63 =	vmul.f32 $2.560000000e+02, v10  }
0x207: {  	v5 =	vadd.s32 v0, v5;
	v9 =	vmin.u32 v9, $0x7FF;
	v13 =	vcvt.f32.s32 v13  }
0x208: {  	v8 =	vor.u32 v8, v11;
	v5 =	vor.u32 v5, v9;
	v9 =	vtrunc.f32 v63  }
0x209: {  	v6 =	vsel vm9, $0x3F800000, v1;
	[tilespmem:s28+$0x9000] =	vst v8;
	vm10 =	vgt.s32 v13, $0x0;
	v9 =	vcvt.f32.s32 v9  }
0x20a: {  	v3 =	vadd.s32 v0, v3;
	[tilespmem:s26+$0xB000] =	vst v6;
	vm11 =	vgt.f32 v7, $0.0e+00;
	v8 =	vnsel vm10, $0x0, v13  }
0x20b: {  	[tilespmem:s26+$0x9000] =	vst v5;
	v5 =	vsel vm11, $0x3F800000, v1;
	v6 =	vmin.u32 v8, $0x7FF;
	vm12 =	vgt.s32 v9, $0x0  }
0x20c: {  	[tilespmem:s25+$0xB000] =	vst v5;
	vm13 =	vgt.f32 v10, $0.0e+00;
	v3 =	vor.u32 v3, v6;
	v5 =	vnsel vm12, $0x0, v9  }
0x20d: {  	v4 =	vadd.s32 v0, v4;
	[tilespmem:s25+$0x9000] =	vst v3;
	v3 =	vsel vm13, $0x3F800000, v1;
	v5 =	vmin.u32 v5, $0x7FF  }
0x20e: {  	[tilespmem:s29+$0xB000] =	vst v3;
	v3 =	vor.u32 v4, v5  }
0x20f: {  	[tilespmem:s29+$0x9000] =	vst v3  }
0x210: {  	[spmem:s2] =	stream.indirect.scatter.add.f32 [tilespmem:s10], [sflag:$0x3], $0x1, s18, s17, $0xb8;
	[tilespmem:$0x11080] =	vst v63  }
0x211: {  	_ =	swait.ge [sflag:s19], $0x2000  }
0x212: {  	[sflag:s19] =	ssyncset.done $0x0  }
0x213: {  	[sflag:s19] =	ssyncadd.s32 $0xFFFFE000  }
0x214: {  	_ =	swait.ge [sflag:s19], $0x2000  }
0x215: {  	[sflag:s19] =	ssyncset.done $0x0  }
0x216: {  	s25 =	simm.s32 $0x0;
	s31 =	rddreg [dreg:$0x15];
	[sflag:s19] =	ssyncadd.s32 $0xFFFFE000  }
0x217: {  	[tilespmem:s12], [sflag:$0x1] =	stream.linear.gather [hbm4b:s31+s25], $0x2000, $0x38;
	[tilespmem:$0x11080] =	vst v63  }
0x218: {  	s31 =	rddreg [dreg:$0x16]  }
0x219: {  	[tilespmem:s13], [sflag:$0x1] =	stream.linear.gather [hbm4b:s31+s25], $0x2000, $0x38;
	[tilespmem:$0x11080] =	vst v63  }
0x21a: {  	_ =	swait.ge [sflag:s23], $0x2000  }
0x21b: {  	[sflag:s23] =	ssyncset.done $0x0  }
0x21c: {  	s28 =	simm.s32 $0x0;
	[sflag:s23] =	ssyncadd.s32 $0xFFFFE000  }
0x21d: {  	v8 =	vld [tilespmem:s28+$0x7000];
	_ =	sdelay $0x3  }
0x21e: {  	s26 =	simm.s32 $0x10  }
0x21f: {  	v5 =	vld [tilespmem:s26+$0x7000];
	v4 =	vcvt.s32.f32 v8  }
0x220: {  	v6 =	vld [tilespmem:s28+$0x5000]  }
0x221: {  	v3 =	vadd.f32 v4, v4;
	_ =	sdelay $0x1  }
0x222: {  	v7 =	vadd.f32 $-1.000000000e+00, v3;
	_ =	sdelay $0x1  }
0x223: {  	v9 =	vcvt.s32.f32 v5;
	v6 =	vmul.f32 v7, v6  }
0x224: {  	v2 =	vadd.f32 v12, v2;
	s25 =	simm.s32 $0x20;
	v7 =	vld [tilespmem:s26+$0x5000]  }
0x225: {  	v10 =	vadd.f32 v9, v9;
	v3 =	vld [tilespmem:s25+$0x7000];
	v6 =	vsub.f32 $1.000000000e+00, v6;
	_ =	sdelay $0x1  }
0x226: {  	v2 =	vadd.f32 v4, v2;
	v4 =	vadd.f32 $-1.000000000e+00, v10;
	v10 =	vmul.f32 $2.560000000e+02, v6;
	_ =	sdelay $0x1  }
0x227: {  	s29 =	simm.s32 $0x30;
	v7 =	vmul.f32 v4, v7;
	v4 =	vtrunc.f32 v10  }
0x228: {  	v2 =	vadd.f32 v9, v2;
	v9 =	vcvt.s32.f32 v3;
	v11 =	vcvt.f32.s32 v4;
	v4 =	vld [tilespmem:s29+$0x7000]  }
0x229: {  	vm14 =	vgt.f32 v6, $0.0e+00;
	v6 =	vsub.f32 $1.000000000e+00, v7;
	v7 =	vld [tilespmem:s25+$0x5000]  }
0x22a: {  	v2 =	vadd.f32 v9, v2;
	v9 =	vadd.f32 v9, v9  }
0x22b: {  	v8 =	vshll.u32 v8, $0xB;
	v10 =	vsel vm14, $0x3F800000, v1;
	vm15 =	vgt.s32 v11, $0x0  }
0x22c: {  	s30 =	simm.s32 $0x100;
	[tilespmem:s28+$0xF000] =	vst v10;
	v9 =	vadd.f32 $-1.000000000e+00, v9;
	v10 =	vmul.f32 $2.560000000e+02, v6;
	v11 =	vnsel vm15, $0x0, v11  }
.LBB2_22:
0x22d: {  	s31 =	sshra.s32 s30, $0x2;
	v12 =	vcvt.s32.f32 v4;
	v11 =	vmin.u32 v11, $0x7FF;
	v8 =	vadd.s32 v0, v8;
	v13 =	vmovc v4;
	p0 =	sne.s32 s30, $0x7FC0  }
.Ltmp10:
0x22e: {  	s30 =	sadd.s32 $0x40, s30;
	v4 =	vld [tilespmem:s31+$0x7000];
	v9 =	vmul.f32 v9, v7;
	v10 =	vtrunc.f32 v10;
	v8 =	vor.u32 v8, v11;
	(pc) =	sbr.rel @p0 .LBB2_22-.Ltmp10, $4  }
0x22f: {  	vm0 =	vgt.f32 v6, $0.0e+00;
	v7 =	vld [tilespmem:s29+$0x5000];
	v2 =	vadd.f32 v12, v2;
	v11 =	vcvt.f32.s32 v10;
	[tilespmem:s28+$0xD000] =	vst v8;
	s28 =	smov.u32 s26;
	s26 =	smov.u32 s25;
	s25 =	smov.u32 s29  }
0x230: {  	v10 =	vadd.f32 v12, v12;
	s29 =	smov.u32 s31;
	v6 =	vsub.f32 $1.000000000e+00, v9;
	v9 =	vsel vm0, $0x3F800000, v1  }
0x231: {  	v8 =	vshll.u32 v5, $0xB;
	v5 =	vmovc v3;
	v3 =	vmov v13;
	vm0 =	vgt.s32 v11, $0x0;
	[tilespmem:s28+$0xF000] =	vst v9  }
0x232: {  	v9 =	vadd.f32 $-1.000000000e+00, v10;
	v10 =	vmul.f32 $2.560000000e+02, v6;
	v11 =	vnsel vm0, $0x0, v11  }
0x233: {  	v12 =	vcvt.s32.f32 v4  }
0x234: {  	v13 =	vld [tilespmem:s29+$0x5000]  }
0x235: {  	v14 =	vadd.f32 v12, v12;
	_ =	sdelay $0x1  }
0x236: {  	v7 =	vmul.f32 v9, v7;
	v9 =	vtrunc.f32 v10;
	v10 =	vadd.f32 $-1.000000000e+00, v14;
	_ =	sdelay $0x1  }
0x237: {  	v11 =	vmin.u32 v11, $0x7FF;
	v7 =	vsub.f32 $1.000000000e+00, v7;
	v10 =	vmul.f32 v10, v13  }
0x238: {  	v8 =	vadd.s32 v0, v8;
	v5 =	vshll.u32 v5, $0xB;
	v9 =	vcvt.f32.s32 v9  }
0x239: {  	vm9 =	vgt.f32 v6, $0.0e+00;
	v62 =	vmul.f32 $2.560000000e+02, v7;
	v10 =	vsub.f32 $1.000000000e+00, v10  }
0x23a: {  	v3 =	vshll.u32 v3, $0xB;
	v4 =	vshll.u32 v4, $0xB;
	vm0 =	vgt.s32 v9, $0x0  }
0x23b: {  	v9 =	vnsel vm0, $0x0, v9;
	v13 =	vtrunc.f32 v62;
	v63 =	vmul.f32 $2.560000000e+02, v10  }
0x23c: {  	v5 =	vadd.s32 v0, v5;
	v9 =	vmin.u32 v9, $0x7FF;
	v13 =	vcvt.f32.s32 v13  }
0x23d: {  	v8 =	vor.u32 v8, v11;
	v5 =	vor.u32 v5, v9;
	v9 =	vtrunc.f32 v63  }
0x23e: {  	v6 =	vsel vm9, $0x3F800000, v1;
	[tilespmem:s28+$0xD000] =	vst v8;
	vm10 =	vgt.s32 v13, $0x0;
	v9 =	vcvt.f32.s32 v9  }
0x23f: {  	v3 =	vadd.s32 v0, v3;
	[tilespmem:s26+$0xF000] =	vst v6;
	vm11 =	vgt.f32 v7, $0.0e+00;
	v8 =	vnsel vm10, $0x0, v13  }
0x240: {  	[tilespmem:s26+$0xD000] =	vst v5;
	v5 =	vsel vm11, $0x3F800000, v1;
	v6 =	vmin.u32 v8, $0x7FF;
	vm12 =	vgt.s32 v9, $0x0  }
0x241: {  	[tilespmem:s25+$0xF000] =	vst v5;
	vm13 =	vgt.f32 v10, $0.0e+00;
	v3 =	vor.u32 v3, v6;
	v5 =	vnsel vm12, $0x0, v9  }
0x242: {  	v4 =	vadd.s32 v0, v4;
	[tilespmem:s25+$0xD000] =	vst v3;
	v3 =	vsel vm13, $0x3F800000, v1;
	v5 =	vmin.u32 v5, $0x7FF  }
0x243: {  	[tilespmem:s29+$0xF000] =	vst v3;
	v3 =	vor.u32 v4, v5  }
0x244: {  	[tilespmem:s29+$0xD000] =	vst v3  }
0x245: {  	[spmem:s2] =	stream.indirect.scatter.add.f32 [tilespmem:s21], [sflag:$0x4], $0x1, s20, s17, $0xb8;
	[tilespmem:$0x11080] =	vst v63  }
0x246: {  	_ =	swait.ge [sflag:s14], $0x2000  }
0x247: {  	[sflag:s14] =	ssyncset.done $0x0  }
0x248: {  	[sflag:s14] =	ssyncadd.s32 $0xFFFFE000  }
0x249: {  	_ =	swait.ge [sflag:s14], $0x2000  }
0x24a: {  	[sflag:s14] =	ssyncset.done $0x0  }
0x24b: {  	s25 =	simm.s32 $0x0;
	s31 =	rddreg [dreg:$0x17];
	[sflag:s14] =	ssyncadd.s32 $0xFFFFE000  }
0x24c: {  	[tilespmem:s15], [sflag:$0x2] =	stream.linear.gather [hbm4b:s31+s25], $0x2000, $0x38;
	[tilespmem:$0x11080] =	vst v63  }
0x24d: {  	s31 =	rddreg [dreg:$0x18]  }
0x24e: {  	[tilespmem:s16], [sflag:$0x2] =	stream.linear.gather [hbm4b:s31+s25], $0x2000, $0x38;
	[tilespmem:$0x11080] =	vst v63  }
0x24f: {  	_ =	swait.ge [sflag:s22], $0x2000  }
0x250: {  	[sflag:s22] =	ssyncset.done $0x0  }
0x251: {  	s28 =	simm.s32 $0x0;
	[sflag:s22] =	ssyncadd.s32 $0xFFFFE000  }
0x252: {  	v8 =	vld [tilespmem:s28+$0x3000];
	_ =	sdelay $0x3  }
0x253: {  	s26 =	simm.s32 $0x10  }
0x254: {  	v5 =	vld [tilespmem:s26+$0x3000];
	v4 =	vcvt.s32.f32 v8  }
0x255: {  	v6 =	vld [tilespmem:s28+$0x1000]  }
0x256: {  	v3 =	vadd.f32 v4, v4;
	_ =	sdelay $0x1  }
0x257: {  	v7 =	vadd.f32 $-1.000000000e+00, v3;
	_ =	sdelay $0x1  }
0x258: {  	v9 =	vcvt.s32.f32 v5;
	v6 =	vmul.f32 v7, v6  }
0x259: {  	v2 =	vadd.f32 v12, v2;
	s25 =	simm.s32 $0x20;
	v7 =	vld [tilespmem:s26+$0x1000]  }
0x25a: {  	v10 =	vadd.f32 v9, v9;
	v3 =	vld [tilespmem:s25+$0x3000];
	v6 =	vsub.f32 $1.000000000e+00, v6;
	_ =	sdelay $0x1  }
0x25b: {  	v2 =	vadd.f32 v4, v2;
	v4 =	vadd.f32 $-1.000000000e+00, v10;
	v10 =	vmul.f32 $2.560000000e+02, v6;
	_ =	sdelay $0x1  }
0x25c: {  	s29 =	simm.s32 $0x30;
	v7 =	vmul.f32 v4, v7;
	v4 =	vtrunc.f32 v10  }
0x25d: {  	v2 =	vadd.f32 v9, v2;
	v9 =	vcvt.s32.f32 v3;
	v11 =	vcvt.f32.s32 v4;
	v4 =	vld [tilespmem:s29+$0x3000]  }
0x25e: {  	vm14 =	vgt.f32 v6, $0.0e+00;
	v6 =	vsub.f32 $1.000000000e+00, v7;
	v7 =	vld [tilespmem:s25+$0x1000]  }
0x25f: {  	v2 =	vadd.f32 v9, v2;
	v9 =	vadd.f32 v9, v9  }
0x260: {  	v8 =	vshll.u32 v8, $0xB;
	v10 =	vsel vm14, $0x3F800000, v1;
	vm15 =	vgt.s32 v11, $0x0  }
0x261: {  	s30 =	simm.s32 $0x100;
	[tilespmem:s28+$0xB000] =	vst v10;
	v9 =	vadd.f32 $-1.000000000e+00, v9;
	v10 =	vmul.f32 $2.560000000e+02, v6;
	v11 =	vnsel vm15, $0x0, v11  }
.LBB2_24:
0x262: {  	s31 =	sshra.s32 s30, $0x2;
	v12 =	vcvt.s32.f32 v4;
	v11 =	vmin.u32 v11, $0x7FF;
	v8 =	vadd.s32 v0, v8;
	v13 =	vmovc v4;
	p0 =	sne.s32 s30, $0x7FC0  }
.Ltmp11:
0x263: {  	s30 =	sadd.s32 $0x40, s30;
	v4 =	vld [tilespmem:s31+$0x3000];
	v9 =	vmul.f32 v9, v7;
	v10 =	vtrunc.f32 v10;
	v8 =	vor.u32 v8, v11;
	(pc) =	sbr.rel @p0 .LBB2_24-.Ltmp11, $4  }
0x264: {  	vm0 =	vgt.f32 v6, $0.0e+00;
	v7 =	vld [tilespmem:s29+$0x1000];
	v2 =	vadd.f32 v12, v2;
	v11 =	vcvt.f32.s32 v10;
	[tilespmem:s28+$0x9000] =	vst v8;
	s28 =	smov.u32 s26;
	s26 =	smov.u32 s25;
	s25 =	smov.u32 s29  }
0x265: {  	v10 =	vadd.f32 v12, v12;
	s29 =	smov.u32 s31;
	v6 =	vsub.f32 $1.000000000e+00, v9;
	v9 =	vsel vm0, $0x3F800000, v1  }
0x266: {  	v8 =	vshll.u32 v5, $0xB;
	v5 =	vmovc v3;
	v3 =	vmov v13;
	vm0 =	vgt.s32 v11, $0x0;
	[tilespmem:s28+$0xB000] =	vst v9  }
0x267: {  	v9 =	vadd.f32 $-1.000000000e+00, v10;
	v10 =	vmul.f32 $2.560000000e+02, v6;
	v11 =	vnsel vm0, $0x0, v11  }
0x268: {  	v12 =	vcvt.s32.f32 v4  }
0x269: {  	v13 =	vld [tilespmem:s29+$0x1000]  }
0x26a: {  	v14 =	vadd.f32 v12, v12;
	_ =	sdelay $0x1  }
0x26b: {  	v7 =	vmul.f32 v9, v7;
	v9 =	vtrunc.f32 v10;
	v10 =	vadd.f32 $-1.000000000e+00, v14;
	_ =	sdelay $0x1  }
0x26c: {  	v11 =	vmin.u32 v11, $0x7FF;
	v7 =	vsub.f32 $1.000000000e+00, v7;
	v10 =	vmul.f32 v10, v13  }
0x26d: {  	v8 =	vadd.s32 v0, v8;
	v5 =	vshll.u32 v5, $0xB;
	v9 =	vcvt.f32.s32 v9  }
0x26e: {  	vm9 =	vgt.f32 v6, $0.0e+00;
	v62 =	vmul.f32 $2.560000000e+02, v7;
	v10 =	vsub.f32 $1.000000000e+00, v10  }
0x26f: {  	v3 =	vshll.u32 v3, $0xB;
	v4 =	vshll.u32 v4, $0xB;
	vm0 =	vgt.s32 v9, $0x0  }
0x270: {  	v9 =	vnsel vm0, $0x0, v9;
	v13 =	vtrunc.f32 v62;
	v63 =	vmul.f32 $2.560000000e+02, v10  }
0x271: {  	v5 =	vadd.s32 v0, v5;
	v9 =	vmin.u32 v9, $0x7FF;
	v13 =	vcvt.f32.s32 v13  }
0x272: {  	v8 =	vor.u32 v8, v11;
	v5 =	vor.u32 v5, v9;
	v9 =	vtrunc.f32 v63  }
0x273: {  	v6 =	vsel vm9, $0x3F800000, v1;
	[tilespmem:s28+$0x9000] =	vst v8;
	vm10 =	vgt.s32 v13, $0x0;
	v9 =	vcvt.f32.s32 v9  }
0x274: {  	v3 =	vadd.s32 v0, v3;
	[tilespmem:s26+$0xB000] =	vst v6;
	vm11 =	vgt.f32 v7, $0.0e+00;
	v8 =	vnsel vm10, $0x0, v13  }
0x275: {  	[tilespmem:s26+$0x9000] =	vst v5;
	v5 =	vsel vm11, $0x3F800000, v1;
	v6 =	vmin.u32 v8, $0x7FF;
	vm12 =	vgt.s32 v9, $0x0  }
0x276: {  	[tilespmem:s25+$0xB000] =	vst v5;
	vm13 =	vgt.f32 v10, $0.0e+00;
	v3 =	vor.u32 v3, v6;
	v5 =	vnsel vm12, $0x0, v9  }
0x277: {  	v4 =	vadd.s32 v0, v4;
	[tilespmem:s25+$0x9000] =	vst v3;
	v3 =	vsel vm13, $0x3F800000, v1;
	v5 =	vmin.u32 v5, $0x7FF  }
0x278: {  	[tilespmem:s29+$0xB000] =	vst v3;
	v3 =	vor.u32 v4, v5  }
0x279: {  	[tilespmem:s29+$0x9000] =	vst v3  }
0x27a: {  	[spmem:s2] =	stream.indirect.scatter.add.f32 [tilespmem:s10], [sflag:$0x3], $0x1, s18, s17, $0xb8;
	[tilespmem:$0x11080] =	vst v63  }
0x27b: {  	_ =	swait.ge [sflag:s19], $0x2000  }
0x27c: {  	[sflag:s19] =	ssyncset.done $0x0  }
0x27d: {  	[sflag:s19] =	ssyncadd.s32 $0xFFFFE000  }
0x27e: {  	_ =	swait.ge [sflag:s19], $0x2000  }
0x27f: {  	[sflag:s19] =	ssyncset.done $0x0  }
0x280: {  	s25 =	simm.s32 $0x0;
	s31 =	rddreg [dreg:$0x19];
	[sflag:s19] =	ssyncadd.s32 $0xFFFFE000  }
0x281: {  	[tilespmem:s12], [sflag:$0x1] =	stream.linear.gather [hbm4b:s31+s25], $0x2000, $0x38;
	[tilespmem:$0x11080] =	vst v63  }
0x282: {  	s31 =	rddreg [dreg:$0x1a]  }
0x283: {  	[tilespmem:s13], [sflag:$0x1] =	stream.linear.gather [hbm4b:s31+s25], $0x2000, $0x38;
	[tilespmem:$0x11080] =	vst v63  }
0x284: {  	_ =	swait.ge [sflag:s23], $0x2000  }
0x285: {  	[sflag:s23] =	ssyncset.done $0x0  }
0x286: {  	s28 =	simm.s32 $0x0;
	[sflag:s23] =	ssyncadd.s32 $0xFFFFE000  }
0x287: {  	v8 =	vld [tilespmem:s28+$0x7000];
	_ =	sdelay $0x3  }
0x288: {  	s26 =	simm.s32 $0x10  }
0x289: {  	v5 =	vld [tilespmem:s26+$0x7000];
	v4 =	vcvt.s32.f32 v8  }
0x28a: {  	v6 =	vld [tilespmem:s28+$0x5000]  }
0x28b: {  	v3 =	vadd.f32 v4, v4;
	_ =	sdelay $0x1  }
0x28c: {  	v7 =	vadd.f32 $-1.000000000e+00, v3;
	_ =	sdelay $0x1  }
0x28d: {  	v9 =	vcvt.s32.f32 v5;
	v6 =	vmul.f32 v7, v6  }
0x28e: {  	v2 =	vadd.f32 v12, v2;
	s25 =	simm.s32 $0x20;
	v7 =	vld [tilespmem:s26+$0x5000]  }
0x28f: {  	v10 =	vadd.f32 v9, v9;
	v3 =	vld [tilespmem:s25+$0x7000];
	v6 =	vsub.f32 $1.000000000e+00, v6;
	_ =	sdelay $0x1  }
0x290: {  	v2 =	vadd.f32 v4, v2;
	v4 =	vadd.f32 $-1.000000000e+00, v10;
	v10 =	vmul.f32 $2.560000000e+02, v6;
	_ =	sdelay $0x1  }
0x291: {  	s29 =	simm.s32 $0x30;
	v7 =	vmul.f32 v4, v7;
	v4 =	vtrunc.f32 v10  }
0x292: {  	v2 =	vadd.f32 v9, v2;
	v9 =	vcvt.s32.f32 v3;
	v11 =	vcvt.f32.s32 v4;
	v4 =	vld [tilespmem:s29+$0x7000]  }
0x293: {  	vm14 =	vgt.f32 v6, $0.0e+00;
	v6 =	vsub.f32 $1.000000000e+00, v7;
	v7 =	vld [tilespmem:s25+$0x5000]  }
0x294: {  	v2 =	vadd.f32 v9, v2;
	v9 =	vadd.f32 v9, v9  }
0x295: {  	v8 =	vshll.u32 v8, $0xB;
	v10 =	vsel vm14, $0x3F800000, v1;
	vm15 =	vgt.s32 v11, $0x0  }
0x296: {  	s30 =	simm.s32 $0x100;
	[tilespmem:s28+$0xF000] =	vst v10;
	v9 =	vadd.f32 $-1.000000000e+00, v9;
	v10 =	vmul.f32 $2.560000000e+02, v6;
	v11 =	vnsel vm15, $0x0, v11  }
.LBB2_26:
0x297: {  	s31 =	sshra.s32 s30, $0x2;
	v12 =	vcvt.s32.f32 v4;
	v11 =	vmin.u32 v11, $0x7FF;
	v8 =	vadd.s32 v0, v8;
	v13 =	vmovc v4;
	p0 =	sne.s32 s30, $0x7FC0  }
.Ltmp12:
0x298: {  	s30 =	sadd.s32 $0x40, s30;
	v4 =	vld [tilespmem:s31+$0x7000];
	v9 =	vmul.f32 v9, v7;
	v10 =	vtrunc.f32 v10;
	v8 =	vor.u32 v8, v11;
	(pc) =	sbr.rel @p0 .LBB2_26-.Ltmp12, $4  }
0x299: {  	vm0 =	vgt.f32 v6, $0.0e+00;
	v7 =	vld [tilespmem:s29+$0x5000];
	v2 =	vadd.f32 v12, v2;
	v11 =	vcvt.f32.s32 v10;
	[tilespmem:s28+$0xD000] =	vst v8;
	s28 =	smov.u32 s26;
	s26 =	smov.u32 s25;
	s25 =	smov.u32 s29  }
0x29a: {  	v10 =	vadd.f32 v12, v12;
	s29 =	smov.u32 s31;
	v6 =	vsub.f32 $1.000000000e+00, v9;
	v9 =	vsel vm0, $0x3F800000, v1  }
0x29b: {  	v8 =	vshll.u32 v5, $0xB;
	v5 =	vmovc v3;
	v3 =	vmov v13;
	vm0 =	vgt.s32 v11, $0x0;
	[tilespmem:s28+$0xF000] =	vst v9  }
0x29c: {  	v9 =	vadd.f32 $-1.000000000e+00, v10;
	v10 =	vmul.f32 $2.560000000e+02, v6;
	v11 =	vnsel vm0, $0x0, v11  }
0x29d: {  	v12 =	vcvt.s32.f32 v4  }
0x29e: {  	v13 =	vld [tilespmem:s29+$0x5000]  }
0x29f: {  	v14 =	vadd.f32 v12, v12;
	_ =	sdelay $0x1  }
0x2a0: {  	v7 =	vmul.f32 v9, v7;
	v9 =	vtrunc.f32 v10;
	v10 =	vadd.f32 $-1.000000000e+00, v14;
	_ =	sdelay $0x1  }
0x2a1: {  	v11 =	vmin.u32 v11, $0x7FF;
	v7 =	vsub.f32 $1.000000000e+00, v7;
	v10 =	vmul.f32 v10, v13  }
0x2a2: {  	v8 =	vadd.s32 v0, v8;
	v5 =	vshll.u32 v5, $0xB;
	v9 =	vcvt.f32.s32 v9  }
0x2a3: {  	vm9 =	vgt.f32 v6, $0.0e+00;
	v62 =	vmul.f32 $2.560000000e+02, v7;
	v10 =	vsub.f32 $1.000000000e+00, v10  }
0x2a4: {  	v3 =	vshll.u32 v3, $0xB;
	v4 =	vshll.u32 v4, $0xB;
	vm0 =	vgt.s32 v9, $0x0  }
0x2a5: {  	v9 =	vnsel vm0, $0x0, v9;
	v13 =	vtrunc.f32 v62;
	v63 =	vmul.f32 $2.560000000e+02, v10  }
0x2a6: {  	v5 =	vadd.s32 v0, v5;
	v9 =	vmin.u32 v9, $0x7FF;
	v13 =	vcvt.f32.s32 v13  }
0x2a7: {  	v8 =	vor.u32 v8, v11;
	v5 =	vor.u32 v5, v9;
	v9 =	vtrunc.f32 v63  }
0x2a8: {  	v6 =	vsel vm9, $0x3F800000, v1;
	[tilespmem:s28+$0xD000] =	vst v8;
	vm10 =	vgt.s32 v13, $0x0;
	v9 =	vcvt.f32.s32 v9  }
0x2a9: {  	v3 =	vadd.s32 v0, v3;
	[tilespmem:s26+$0xF000] =	vst v6;
	vm11 =	vgt.f32 v7, $0.0e+00;
	v8 =	vnsel vm10, $0x0, v13  }
0x2aa: {  	[tilespmem:s26+$0xD000] =	vst v5;
	v5 =	vsel vm11, $0x3F800000, v1;
	v6 =	vmin.u32 v8, $0x7FF;
	vm12 =	vgt.s32 v9, $0x0  }
0x2ab: {  	[tilespmem:s25+$0xF000] =	vst v5;
	vm13 =	vgt.f32 v10, $0.0e+00;
	v3 =	vor.u32 v3, v6;
	v5 =	vnsel vm12, $0x0, v9  }
0x2ac: {  	v4 =	vadd.s32 v0, v4;
	[tilespmem:s25+$0xD000] =	vst v3;
	v3 =	vsel vm13, $0x3F800000, v1;
	v5 =	vmin.u32 v5, $0x7FF  }
0x2ad: {  	[tilespmem:s29+$0xF000] =	vst v3;
	v3 =	vor.u32 v4, v5  }
0x2ae: {  	[tilespmem:s29+$0xD000] =	vst v3  }
0x2af: {  	[spmem:s2] =	stream.indirect.scatter.add.f32 [tilespmem:s21], [sflag:$0x4], $0x1, s20, s17, $0xb8;
	[tilespmem:$0x11080] =	vst v63  }
0x2b0: {  	_ =	swait.ge [sflag:s14], $0x2000  }
0x2b1: {  	[sflag:s14] =	ssyncset.done $0x0  }
0x2b2: {  	[sflag:s14] =	ssyncadd.s32 $0xFFFFE000  }
0x2b3: {  	_ =	swait.ge [sflag:s14], $0x2000  }
0x2b4: {  	[sflag:s14] =	ssyncset.done $0x0  }
0x2b5: {  	s25 =	simm.s32 $0x0;
	s31 =	rddreg [dreg:$0x1b];
	[sflag:s14] =	ssyncadd.s32 $0xFFFFE000  }
0x2b6: {  	[tilespmem:s15], [sflag:$0x2] =	stream.linear.gather [hbm4b:s31+s25], $0x2000, $0x38;
	[tilespmem:$0x11080] =	vst v63  }
0x2b7: {  	s31 =	rddreg [dreg:$0x1c]  }
0x2b8: {  	[tilespmem:s16], [sflag:$0x2] =	stream.linear.gather [hbm4b:s31+s25], $0x2000, $0x38;
	[tilespmem:$0x11080] =	vst v63  }
0x2b9: {  	_ =	swait.ge [sflag:s22], $0x2000  }
0x2ba: {  	[sflag:s22] =	ssyncset.done $0x0  }
0x2bb: {  	s28 =	simm.s32 $0x0;
	[sflag:s22] =	ssyncadd.s32 $0xFFFFE000  }
0x2bc: {  	v8 =	vld [tilespmem:s28+$0x3000];
	_ =	sdelay $0x3  }
0x2bd: {  	s26 =	simm.s32 $0x10  }
0x2be: {  	v5 =	vld [tilespmem:s26+$0x3000];
	v4 =	vcvt.s32.f32 v8  }
0x2bf: {  	v6 =	vld [tilespmem:s28+$0x1000]  }
0x2c0: {  	v3 =	vadd.f32 v4, v4;
	_ =	sdelay $0x1  }
0x2c1: {  	v7 =	vadd.f32 $-1.000000000e+00, v3;
	_ =	sdelay $0x1  }
0x2c2: {  	v9 =	vcvt.s32.f32 v5;
	v6 =	vmul.f32 v7, v6  }
0x2c3: {  	v2 =	vadd.f32 v12, v2;
	s25 =	simm.s32 $0x20;
	v7 =	vld [tilespmem:s26+$0x1000]  }
0x2c4: {  	v10 =	vadd.f32 v9, v9;
	v3 =	vld [tilespmem:s25+$0x3000];
	v6 =	vsub.f32 $1.000000000e+00, v6;
	_ =	sdelay $0x1  }
0x2c5: {  	v2 =	vadd.f32 v4, v2;
	v4 =	vadd.f32 $-1.000000000e+00, v10;
	v10 =	vmul.f32 $2.560000000e+02, v6;
	_ =	sdelay $0x1  }
0x2c6: {  	s29 =	simm.s32 $0x30;
	v7 =	vmul.f32 v4, v7;
	v4 =	vtrunc.f32 v10  }
0x2c7: {  	v2 =	vadd.f32 v9, v2;
	v9 =	vcvt.s32.f32 v3;
	v11 =	vcvt.f32.s32 v4;
	v4 =	vld [tilespmem:s29+$0x3000]  }
0x2c8: {  	vm14 =	vgt.f32 v6, $0.0e+00;
	v6 =	vsub.f32 $1.000000000e+00, v7;
	v7 =	vld [tilespmem:s25+$0x1000]  }
0x2c9: {  	v2 =	vadd.f32 v9, v2;
	v9 =	vadd.f32 v9, v9  }
0x2ca: {  	v8 =	vshll.u32 v8, $0xB;
	v10 =	vsel vm14, $0x3F800000, v1;
	vm15 =	vgt.s32 v11, $0x0  }
0x2cb: {  	s30 =	simm.s32 $0x100;
	[tilespmem:s28+$0xB000] =	vst v10;
	v9 =	vadd.f32 $-1.000000000e+00, v9;
	v10 =	vmul.f32 $2.560000000e+02, v6;
	v11 =	vnsel vm15, $0x0, v11  }
.LBB2_28:
0x2cc: {  	s31 =	sshra.s32 s30, $0x2;
	v12 =	vcvt.s32.f32 v4;
	v11 =	vmin.u32 v11, $0x7FF;
	v8 =	vadd.s32 v0, v8;
	v13 =	vmovc v4;
	p0 =	sne.s32 s30, $0x7FC0  }
.Ltmp13:
0x2cd: {  	s30 =	sadd.s32 $0x40, s30;
	v4 =	vld [tilespmem:s31+$0x3000];
	v9 =	vmul.f32 v9, v7;
	v10 =	vtrunc.f32 v10;
	v8 =	vor.u32 v8, v11;
	(pc) =	sbr.rel @p0 .LBB2_28-.Ltmp13, $4  }
0x2ce: {  	vm0 =	vgt.f32 v6, $0.0e+00;
	v7 =	vld [tilespmem:s29+$0x1000];
	v2 =	vadd.f32 v12, v2;
	v11 =	vcvt.f32.s32 v10;
	[tilespmem:s28+$0x9000] =	vst v8;
	s28 =	smov.u32 s26;
	s26 =	smov.u32 s25;
	s25 =	smov.u32 s29  }
0x2cf: {  	v10 =	vadd.f32 v12, v12;
	s29 =	smov.u32 s31;
	v6 =	vsub.f32 $1.000000000e+00, v9;
	v9 =	vsel vm0, $0x3F800000, v1  }
0x2d0: {  	v8 =	vshll.u32 v5, $0xB;
	v5 =	vmovc v3;
	v3 =	vmov v13;
	vm0 =	vgt.s32 v11, $0x0;
	[tilespmem:s28+$0xB000] =	vst v9  }
0x2d1: {  	v9 =	vadd.f32 $-1.000000000e+00, v10;
	v10 =	vmul.f32 $2.560000000e+02, v6;
	v11 =	vnsel vm0, $0x0, v11  }
0x2d2: {  	v12 =	vcvt.s32.f32 v4  }
0x2d3: {  	v13 =	vld [tilespmem:s29+$0x1000]  }
0x2d4: {  	v14 =	vadd.f32 v12, v12;
	_ =	sdelay $0x1  }
0x2d5: {  	v7 =	vmul.f32 v9, v7;
	v9 =	vtrunc.f32 v10;
	v10 =	vadd.f32 $-1.000000000e+00, v14;
	_ =	sdelay $0x1  }
0x2d6: {  	v11 =	vmin.u32 v11, $0x7FF;
	v7 =	vsub.f32 $1.000000000e+00, v7;
	v10 =	vmul.f32 v10, v13  }
0x2d7: {  	v8 =	vadd.s32 v0, v8;
	v5 =	vshll.u32 v5, $0xB;
	v9 =	vcvt.f32.s32 v9  }
0x2d8: {  	vm9 =	vgt.f32 v6, $0.0e+00;
	v62 =	vmul.f32 $2.560000000e+02, v7;
	v10 =	vsub.f32 $1.000000000e+00, v10  }
0x2d9: {  	v3 =	vshll.u32 v3, $0xB;
	v4 =	vshll.u32 v4, $0xB;
	vm0 =	vgt.s32 v9, $0x0  }
0x2da: {  	v9 =	vnsel vm0, $0x0, v9;
	v13 =	vtrunc.f32 v62;
	v63 =	vmul.f32 $2.560000000e+02, v10  }
0x2db: {  	v5 =	vadd.s32 v0, v5;
	v9 =	vmin.u32 v9, $0x7FF;
	v13 =	vcvt.f32.s32 v13  }
0x2dc: {  	v8 =	vor.u32 v8, v11;
	v5 =	vor.u32 v5, v9;
	v9 =	vtrunc.f32 v63  }
0x2dd: {  	v6 =	vsel vm9, $0x3F800000, v1;
	[tilespmem:s28+$0x9000] =	vst v8;
	vm10 =	vgt.s32 v13, $0x0;
	v9 =	vcvt.f32.s32 v9  }
0x2de: {  	v3 =	vadd.s32 v0, v3;
	[tilespmem:s26+$0xB000] =	vst v6;
	vm11 =	vgt.f32 v7, $0.0e+00;
	v8 =	vnsel vm10, $0x0, v13  }
0x2df: {  	[tilespmem:s26+$0x9000] =	vst v5;
	v5 =	vsel vm11, $0x3F800000, v1;
	v6 =	vmin.u32 v8, $0x7FF;
	vm12 =	vgt.s32 v9, $0x0  }
0x2e0: {  	[tilespmem:s25+$0xB000] =	vst v5;
	vm13 =	vgt.f32 v10, $0.0e+00;
	v3 =	vor.u32 v3, v6;
	v5 =	vnsel vm12, $0x0, v9  }
0x2e1: {  	v4 =	vadd.s32 v0, v4;
	[tilespmem:s25+$0x9000] =	vst v3;
	v3 =	vsel vm13, $0x3F800000, v1;
	v5 =	vmin.u32 v5, $0x7FF  }
0x2e2: {  	[tilespmem:s29+$0xB000] =	vst v3;
	v3 =	vor.u32 v4, v5  }
0x2e3: {  	[tilespmem:s29+$0x9000] =	vst v3  }
0x2e4: {  	[spmem:s2] =	stream.indirect.scatter.add.f32 [tilespmem:s10], [sflag:$0x3], $0x1, s18, s17, $0xb8;
	[tilespmem:$0x11080] =	vst v63  }
0x2e5: {  	_ =	swait.ge [sflag:s19], $0x2000  }
0x2e6: {  	[sflag:s19] =	ssyncset.done $0x0  }
0x2e7: {  	[sflag:s19] =	ssyncadd.s32 $0xFFFFE000  }
0x2e8: {  	_ =	swait.ge [sflag:s19], $0x2000  }
0x2e9: {  	[sflag:s19] =	ssyncset.done $0x0  }
0x2ea: {  	s31 =	simm.s32 $0x0;
	[sflag:s19] =	ssyncadd.s32 $0xFFFFE000  }
0x2eb: {  	[tilespmem:s12], [sflag:$0x1] =	stream.linear.gather [hbm4b:s3+s31], $0x2000, $0x38;
	[tilespmem:$0x11080] =	vst v63  }
0x2ec: {  	_ = 	snop  }
0x2ed: {  	[tilespmem:s13], [sflag:$0x1] =	stream.linear.gather [hbm4b:s0+s31], $0x2000, $0x38;
	[tilespmem:$0x11080] =	vst v63  }
0x2ee: {  	_ =	swait.ge [sflag:s23], $0x2000  }
0x2ef: {  	[sflag:s23] =	ssyncset.done $0x0  }
0x2f0: {  	s28 =	simm.s32 $0x0;
	[sflag:s23] =	ssyncadd.s32 $0xFFFFE000  }
0x2f1: {  	v8 =	vld [tilespmem:s28+$0x7000];
	_ =	sdelay $0x3  }
0x2f2: {  	s26 =	simm.s32 $0x10  }
0x2f3: {  	v5 =	vld [tilespmem:s26+$0x7000];
	v4 =	vcvt.s32.f32 v8  }
0x2f4: {  	v6 =	vld [tilespmem:s28+$0x5000]  }
0x2f5: {  	v3 =	vadd.f32 v4, v4;
	_ =	sdelay $0x1  }
0x2f6: {  	v7 =	vadd.f32 $-1.000000000e+00, v3;
	_ =	sdelay $0x1  }
0x2f7: {  	v9 =	vcvt.s32.f32 v5;
	v6 =	vmul.f32 v7, v6  }
0x2f8: {  	v2 =	vadd.f32 v12, v2;
	s25 =	simm.s32 $0x20;
	v7 =	vld [tilespmem:s26+$0x5000]  }
0x2f9: {  	v10 =	vadd.f32 v9, v9;
	v3 =	vld [tilespmem:s25+$0x7000];
	v6 =	vsub.f32 $1.000000000e+00, v6;
	_ =	sdelay $0x1  }
0x2fa: {  	v2 =	vadd.f32 v4, v2;
	v4 =	vadd.f32 $-1.000000000e+00, v10;
	v10 =	vmul.f32 $2.560000000e+02, v6;
	_ =	sdelay $0x1  }
0x2fb: {  	s29 =	simm.s32 $0x30;
	v7 =	vmul.f32 v4, v7;
	v4 =	vtrunc.f32 v10  }
0x2fc: {  	v2 =	vadd.f32 v9, v2;
	v9 =	vcvt.s32.f32 v3;
	v11 =	vcvt.f32.s32 v4;
	v4 =	vld [tilespmem:s29+$0x7000]  }
0x2fd: {  	vm14 =	vgt.f32 v6, $0.0e+00;
	v6 =	vsub.f32 $1.000000000e+00, v7;
	v7 =	vld [tilespmem:s25+$0x5000]  }
0x2fe: {  	v2 =	vadd.f32 v9, v2;
	v9 =	vadd.f32 v9, v9  }
0x2ff: {  	v8 =	vshll.u32 v8, $0xB;
	v10 =	vsel vm14, $0x3F800000, v1;
	vm15 =	vgt.s32 v11, $0x0  }
0x300: {  	s30 =	simm.s32 $0x100;
	[tilespmem:s28+$0xF000] =	vst v10;
	v9 =	vadd.f32 $-1.000000000e+00, v9;
	v10 =	vmul.f32 $2.560000000e+02, v6;
	v11 =	vnsel vm15, $0x0, v11  }
.LBB2_30:
0x301: {  	s31 =	sshra.s32 s30, $0x2;
	v12 =	vcvt.s32.f32 v4;
	v11 =	vmin.u32 v11, $0x7FF;
	v8 =	vadd.s32 v0, v8;
	v13 =	vmovc v4;
	p0 =	sne.s32 s30, $0x7FC0  }
.Ltmp14:
0x302: {  	s30 =	sadd.s32 $0x40, s30;
	v4 =	vld [tilespmem:s31+$0x7000];
	v9 =	vmul.f32 v9, v7;
	v10 =	vtrunc.f32 v10;
	v8 =	vor.u32 v8, v11;
	(pc) =	sbr.rel @p0 .LBB2_30-.Ltmp14, $4  }
0x303: {  	vm0 =	vgt.f32 v6, $0.0e+00;
	v7 =	vld [tilespmem:s29+$0x5000];
	v2 =	vadd.f32 v12, v2;
	v11 =	vcvt.f32.s32 v10;
	[tilespmem:s28+$0xD000] =	vst v8;
	s28 =	smov.u32 s26;
	s26 =	smov.u32 s25;
	s25 =	smov.u32 s29  }
0x304: {  	v10 =	vadd.f32 v12, v12;
	s29 =	smov.u32 s31;
	v6 =	vsub.f32 $1.000000000e+00, v9;
	v9 =	vsel vm0, $0x3F800000, v1  }
0x305: {  	v8 =	vshll.u32 v5, $0xB;
	v5 =	vmovc v3;
	v3 =	vmov v13;
	vm0 =	vgt.s32 v11, $0x0;
	[tilespmem:s28+$0xF000] =	vst v9  }
0x306: {  	v9 =	vadd.f32 $-1.000000000e+00, v10;
	v10 =	vmul.f32 $2.560000000e+02, v6;
	v11 =	vnsel vm0, $0x0, v11  }
0x307: {  	v12 =	vcvt.s32.f32 v4  }
0x308: {  	v13 =	vld [tilespmem:s29+$0x5000]  }
0x309: {  	v14 =	vadd.f32 v12, v12;
	_ =	sdelay $0x1  }
0x30a: {  	v7 =	vmul.f32 v9, v7;
	v9 =	vtrunc.f32 v10;
	v10 =	vadd.f32 $-1.000000000e+00, v14;
	_ =	sdelay $0x1  }
0x30b: {  	v11 =	vmin.u32 v11, $0x7FF;
	v7 =	vsub.f32 $1.000000000e+00, v7;
	v10 =	vmul.f32 v10, v13  }
0x30c: {  	v8 =	vadd.s32 v0, v8;
	v5 =	vshll.u32 v5, $0xB;
	v9 =	vcvt.f32.s32 v9  }
0x30d: {  	vm9 =	vgt.f32 v6, $0.0e+00;
	v62 =	vmul.f32 $2.560000000e+02, v7;
	v10 =	vsub.f32 $1.000000000e+00, v10  }
0x30e: {  	v3 =	vshll.u32 v3, $0xB;
	v4 =	vshll.u32 v4, $0xB;
	vm0 =	vgt.s32 v9, $0x0  }
0x30f: {  	v9 =	vnsel vm0, $0x0, v9;
	v13 =	vtrunc.f32 v62;
	v63 =	vmul.f32 $2.560000000e+02, v10  }
0x310: {  	v5 =	vadd.s32 v0, v5;
	v9 =	vmin.u32 v9, $0x7FF;
	v13 =	vcvt.f32.s32 v13  }
0x311: {  	v8 =	vor.u32 v8, v11;
	v5 =	vor.u32 v5, v9;
	v9 =	vtrunc.f32 v63  }
0x312: {  	v6 =	vsel vm9, $0x3F800000, v1;
	[tilespmem:s28+$0xD000] =	vst v8;
	vm10 =	vgt.s32 v13, $0x0;
	v9 =	vcvt.f32.s32 v9  }
0x313: {  	v3 =	vadd.s32 v0, v3;
	[tilespmem:s26+$0xF000] =	vst v6;
	vm11 =	vgt.f32 v7, $0.0e+00;
	v8 =	vnsel vm10, $0x0, v13  }
0x314: {  	[tilespmem:s26+$0xD000] =	vst v5;
	v5 =	vsel vm11, $0x3F800000, v1;
	v6 =	vmin.u32 v8, $0x7FF;
	vm12 =	vgt.s32 v9, $0x0  }
0x315: {  	[tilespmem:s25+$0xF000] =	vst v5;
	vm13 =	vgt.f32 v10, $0.0e+00;
	v3 =	vor.u32 v3, v6;
	v5 =	vnsel vm12, $0x0, v9  }
0x316: {  	v4 =	vadd.s32 v0, v4;
	[tilespmem:s25+$0xD000] =	vst v3;
	v3 =	vsel vm13, $0x3F800000, v1;
	v5 =	vmin.u32 v5, $0x7FF  }
0x317: {  	[tilespmem:s29+$0xF000] =	vst v3;
	v3 =	vor.u32 v4, v5  }
0x318: {  	[tilespmem:s29+$0xD000] =	vst v3  }
0x319: {  	[spmem:s2] =	stream.indirect.scatter.add.f32 [tilespmem:s21], [sflag:$0x4], $0x1, s20, s17, $0xb8;
	[tilespmem:$0x11080] =	vst v63  }
0x31a: {  	_ =	swait.ge [sflag:s14], $0x2000  }
0x31b: {  	[sflag:s14] =	ssyncset.done $0x0  }
0x31c: {  	[sflag:s14] =	ssyncadd.s32 $0xFFFFE000  }
0x31d: {  	_ =	swait.ge [sflag:s14], $0x2000  }
0x31e: {  	[sflag:s14] =	ssyncset.done $0x0  }
0x31f: {  	s31 =	simm.s32 $0x0;
	[sflag:s14] =	ssyncadd.s32 $0xFFFFE000  }
0x320: {  	[tilespmem:s15], [sflag:$0x2] =	stream.linear.gather [hbm4b:s4+s31], $0x2000, $0x38;
	[tilespmem:$0x11080] =	vst v63  }
0x321: {  	_ = 	snop  }
0x322: {  	[tilespmem:s16], [sflag:$0x2] =	stream.linear.gather [hbm4b:s5+s31], $0x2000, $0x38;
	[tilespmem:$0x11080] =	vst v63  }
0x323: {  	_ =	swait.ge [sflag:s22], $0x2000  }
0x324: {  	[sflag:s22] =	ssyncset.done $0x0  }
0x325: {  	s28 =	simm.s32 $0x0;
	[sflag:s22] =	ssyncadd.s32 $0xFFFFE000  }
0x326: {  	v8 =	vld [tilespmem:s28+$0x3000];
	_ =	sdelay $0x3  }
0x327: {  	s26 =	simm.s32 $0x10  }
0x328: {  	v5 =	vld [tilespmem:s26+$0x3000];
	v4 =	vcvt.s32.f32 v8  }
0x329: {  	v6 =	vld [tilespmem:s28+$0x1000]  }
0x32a: {  	v3 =	vadd.f32 v4, v4;
	_ =	sdelay $0x1  }
0x32b: {  	v7 =	vadd.f32 $-1.000000000e+00, v3;
	_ =	sdelay $0x1  }
0x32c: {  	v9 =	vcvt.s32.f32 v5;
	v6 =	vmul.f32 v7, v6  }
0x32d: {  	v2 =	vadd.f32 v12, v2;
	s25 =	simm.s32 $0x20;
	v7 =	vld [tilespmem:s26+$0x1000]  }
0x32e: {  	v10 =	vadd.f32 v9, v9;
	v3 =	vld [tilespmem:s25+$0x3000];
	v6 =	vsub.f32 $1.000000000e+00, v6;
	_ =	sdelay $0x1  }
0x32f: {  	v2 =	vadd.f32 v4, v2;
	v4 =	vadd.f32 $-1.000000000e+00, v10;
	v10 =	vmul.f32 $2.560000000e+02, v6;
	_ =	sdelay $0x1  }
0x330: {  	s29 =	simm.s32 $0x30;
	v7 =	vmul.f32 v4, v7;
	v4 =	vtrunc.f32 v10  }
0x331: {  	v2 =	vadd.f32 v9, v2;
	v9 =	vcvt.s32.f32 v3;
	v11 =	vcvt.f32.s32 v4;
	v4 =	vld [tilespmem:s29+$0x3000]  }
0x332: {  	vm14 =	vgt.f32 v6, $0.0e+00;
	v6 =	vsub.f32 $1.000000000e+00, v7;
	v7 =	vld [tilespmem:s25+$0x1000]  }
0x333: {  	v2 =	vadd.f32 v9, v2;
	v9 =	vadd.f32 v9, v9  }
0x334: {  	v8 =	vshll.u32 v8, $0xB;
	v10 =	vsel vm14, $0x3F800000, v1;
	vm15 =	vgt.s32 v11, $0x0  }
0x335: {  	s30 =	simm.s32 $0x100;
	[tilespmem:s28+$0xB000] =	vst v10;
	v9 =	vadd.f32 $-1.000000000e+00, v9;
	v10 =	vmul.f32 $2.560000000e+02, v6;
	v11 =	vnsel vm15, $0x0, v11  }
.LBB2_32:
0x336: {  	s31 =	sshra.s32 s30, $0x2;
	v12 =	vcvt.s32.f32 v4;
	v11 =	vmin.u32 v11, $0x7FF;
	v8 =	vadd.s32 v0, v8;
	v13 =	vmovc v4;
	p0 =	sne.s32 s30, $0x7FC0  }
.Ltmp15:
0x337: {  	s30 =	sadd.s32 $0x40, s30;
	v4 =	vld [tilespmem:s31+$0x3000];
	v9 =	vmul.f32 v9, v7;
	v10 =	vtrunc.f32 v10;
	v8 =	vor.u32 v8, v11;
	(pc) =	sbr.rel @p0 .LBB2_32-.Ltmp15, $4  }
0x338: {  	vm0 =	vgt.f32 v6, $0.0e+00;
	v7 =	vld [tilespmem:s29+$0x1000];
	v2 =	vadd.f32 v12, v2;
	v11 =	vcvt.f32.s32 v10;
	[tilespmem:s28+$0x9000] =	vst v8;
	s28 =	smov.u32 s26;
	s26 =	smov.u32 s25;
	s25 =	smov.u32 s29  }
0x339: {  	v10 =	vadd.f32 v12, v12;
	s29 =	smov.u32 s31;
	v6 =	vsub.f32 $1.000000000e+00, v9;
	v9 =	vsel vm0, $0x3F800000, v1  }
0x33a: {  	v8 =	vshll.u32 v5, $0xB;
	v5 =	vmovc v3;
	v3 =	vmov v13;
	vm0 =	vgt.s32 v11, $0x0;
	[tilespmem:s28+$0xB000] =	vst v9  }
0x33b: {  	v9 =	vadd.f32 $-1.000000000e+00, v10;
	v10 =	vmul.f32 $2.560000000e+02, v6;
	v11 =	vnsel vm0, $0x0, v11  }
0x33c: {  	v12 =	vcvt.s32.f32 v4  }
0x33d: {  	v13 =	vld [tilespmem:s29+$0x1000]  }
0x33e: {  	v14 =	vadd.f32 v12, v12;
	_ =	sdelay $0x1  }
0x33f: {  	v7 =	vmul.f32 v9, v7;
	v9 =	vtrunc.f32 v10;
	v10 =	vadd.f32 $-1.000000000e+00, v14;
	_ =	sdelay $0x1  }
0x340: {  	v11 =	vmin.u32 v11, $0x7FF;
	v7 =	vsub.f32 $1.000000000e+00, v7;
	v10 =	vmul.f32 v10, v13  }
0x341: {  	v8 =	vadd.s32 v0, v8;
	v5 =	vshll.u32 v5, $0xB;
	v9 =	vcvt.f32.s32 v9  }
0x342: {  	vm9 =	vgt.f32 v6, $0.0e+00;
	v62 =	vmul.f32 $2.560000000e+02, v7;
	v10 =	vsub.f32 $1.000000000e+00, v10  }
0x343: {  	v3 =	vshll.u32 v3, $0xB;
	v4 =	vshll.u32 v4, $0xB;
	vm0 =	vgt.s32 v9, $0x0  }
0x344: {  	v9 =	vnsel vm0, $0x0, v9;
	v13 =	vtrunc.f32 v62;
	v63 =	vmul.f32 $2.560000000e+02, v10  }
0x345: {  	v5 =	vadd.s32 v0, v5;
	v9 =	vmin.u32 v9, $0x7FF;
	v13 =	vcvt.f32.s32 v13  }
0x346: {  	v8 =	vor.u32 v8, v11;
	v5 =	vor.u32 v5, v9;
	v9 =	vtrunc.f32 v63  }
0x347: {  	v6 =	vsel vm9, $0x3F800000, v1;
	[tilespmem:s28+$0x9000] =	vst v8;
	vm10 =	vgt.s32 v13, $0x0;
	v9 =	vcvt.f32.s32 v9  }
0x348: {  	v3 =	vadd.s32 v0, v3;
	[tilespmem:s26+$0xB000] =	vst v6;
	vm11 =	vgt.f32 v7, $0.0e+00;
	v8 =	vnsel vm10, $0x0, v13  }
0x349: {  	[tilespmem:s26+$0x9000] =	vst v5;
	v5 =	vsel vm11, $0x3F800000, v1;
	v6 =	vmin.u32 v8, $0x7FF;
	vm12 =	vgt.s32 v9, $0x0  }
0x34a: {  	[tilespmem:s25+$0xB000] =	vst v5;
	vm13 =	vgt.f32 v10, $0.0e+00;
	v3 =	vor.u32 v3, v6;
	v5 =	vnsel vm12, $0x0, v9  }
0x34b: {  	v4 =	vadd.s32 v0, v4;
	[tilespmem:s25+$0x9000] =	vst v3;
	v3 =	vsel vm13, $0x3F800000, v1;
	v5 =	vmin.u32 v5, $0x7FF  }
0x34c: {  	[tilespmem:s29+$0xB000] =	vst v3;
	v3 =	vor.u32 v4, v5  }
0x34d: {  	[tilespmem:s29+$0x9000] =	vst v3  }
0x34e: {  	[spmem:s2] =	stream.indirect.scatter.add.f32 [tilespmem:s10], [sflag:$0x3], $0x1, s18, s17, $0xb8;
	[tilespmem:$0x11080] =	vst v63  }
0x34f: {  	_ =	swait.ge [sflag:s19], $0x2000  }
0x350: {  	[sflag:s19] =	ssyncset.done $0x0  }
0x351: {  	[sflag:s19] =	ssyncadd.s32 $0xFFFFE000  }
0x352: {  	_ =	swait.ge [sflag:s19], $0x2000  }
0x353: {  	[sflag:s19] =	ssyncset.done $0x0  }
0x354: {  	[sflag:s19] =	ssyncadd.s32 $0xFFFFE000  }
0x355: {  	_ =	swait.ge [sflag:s23], $0x2000  }
0x356: {  	[sflag:s23] =	ssyncset.done $0x0  }
0x357: {  	s28 =	simm.s32 $0x0;
	[sflag:s23] =	ssyncadd.s32 $0xFFFFE000  }
0x358: {  	v8 =	vld [tilespmem:s28+$0x7000];
	_ =	sdelay $0x3  }
0x359: {  	s26 =	simm.s32 $0x10  }
0x35a: {  	v5 =	vld [tilespmem:s26+$0x7000];
	v4 =	vcvt.s32.f32 v8  }
0x35b: {  	v6 =	vld [tilespmem:s28+$0x5000]  }
0x35c: {  	v3 =	vadd.f32 v4, v4;
	_ =	sdelay $0x1  }
0x35d: {  	v7 =	vadd.f32 $-1.000000000e+00, v3;
	_ =	sdelay $0x1  }
0x35e: {  	v9 =	vcvt.s32.f32 v5;
	v6 =	vmul.f32 v7, v6  }
0x35f: {  	v2 =	vadd.f32 v12, v2;
	s25 =	simm.s32 $0x20;
	v7 =	vld [tilespmem:s26+$0x5000]  }
0x360: {  	v10 =	vadd.f32 v9, v9;
	v3 =	vld [tilespmem:s25+$0x7000];
	v6 =	vsub.f32 $1.000000000e+00, v6;
	_ =	sdelay $0x1  }
0x361: {  	v2 =	vadd.f32 v4, v2;
	v4 =	vadd.f32 $-1.000000000e+00, v10;
	v10 =	vmul.f32 $2.560000000e+02, v6;
	_ =	sdelay $0x1  }
0x362: {  	s29 =	simm.s32 $0x30;
	v7 =	vmul.f32 v4, v7;
	v4 =	vtrunc.f32 v10  }
0x363: {  	v2 =	vadd.f32 v9, v2;
	v9 =	vcvt.s32.f32 v3;
	v11 =	vcvt.f32.s32 v4;
	v4 =	vld [tilespmem:s29+$0x7000]  }
0x364: {  	vm14 =	vgt.f32 v6, $0.0e+00;
	v6 =	vsub.f32 $1.000000000e+00, v7;
	v7 =	vld [tilespmem:s25+$0x5000]  }
0x365: {  	v2 =	vadd.f32 v9, v2;
	v9 =	vadd.f32 v9, v9  }
0x366: {  	v8 =	vshll.u32 v8, $0xB;
	v10 =	vsel vm14, $0x3F800000, v1;
	vm15 =	vgt.s32 v11, $0x0  }
0x367: {  	s30 =	simm.s32 $0x100;
	[tilespmem:s28+$0xF000] =	vst v10;
	v9 =	vadd.f32 $-1.000000000e+00, v9;
	v10 =	vmul.f32 $2.560000000e+02, v6;
	v11 =	vnsel vm15, $0x0, v11  }
.LBB2_34:
0x368: {  	s31 =	sshra.s32 s30, $0x2;
	v12 =	vcvt.s32.f32 v4;
	v11 =	vmin.u32 v11, $0x7FF;
	v8 =	vadd.s32 v0, v8;
	v13 =	vmovc v4;
	p0 =	sne.s32 s30, $0x7FC0  }
.Ltmp16:
0x369: {  	s30 =	sadd.s32 $0x40, s30;
	v4 =	vld [tilespmem:s31+$0x7000];
	v9 =	vmul.f32 v9, v7;
	v10 =	vtrunc.f32 v10;
	v8 =	vor.u32 v8, v11;
	(pc) =	sbr.rel @p0 .LBB2_34-.Ltmp16, $4  }
0x36a: {  	vm0 =	vgt.f32 v6, $0.0e+00;
	v7 =	vld [tilespmem:s29+$0x5000];
	v2 =	vadd.f32 v12, v2;
	v11 =	vcvt.f32.s32 v10;
	[tilespmem:s28+$0xD000] =	vst v8;
	s28 =	smov.u32 s26;
	s26 =	smov.u32 s25;
	s25 =	smov.u32 s29  }
0x36b: {  	v10 =	vadd.f32 v12, v12;
	s29 =	smov.u32 s31;
	v6 =	vsub.f32 $1.000000000e+00, v9;
	v9 =	vsel vm0, $0x3F800000, v1  }
0x36c: {  	v8 =	vshll.u32 v5, $0xB;
	v5 =	vmovc v3;
	v3 =	vmov v13;
	vm0 =	vgt.s32 v11, $0x0;
	[tilespmem:s28+$0xF000] =	vst v9  }
0x36d: {  	v9 =	vadd.f32 $-1.000000000e+00, v10;
	v10 =	vmul.f32 $2.560000000e+02, v6;
	v11 =	vnsel vm0, $0x0, v11  }
0x36e: {  	v12 =	vcvt.s32.f32 v4  }
0x36f: {  	v13 =	vld [tilespmem:s29+$0x5000]  }
0x370: {  	v14 =	vadd.f32 v12, v12;
	_ =	sdelay $0x1  }
0x371: {  	v7 =	vmul.f32 v9, v7;
	v55 =	vadd.f32 $-1.000000000e+00, v14  }
0x372: {  	v11 =	vmin.u32 v11, $0x7FF  }
0x373: {  	v54 =	vtrunc.f32 v10;
	v7 =	vsub.f32 $1.000000000e+00, v7;
	v10 =	vmul.f32 v55, v13  }
0x374: {  	v8 =	vadd.s32 v0, v8;
	v5 =	vshll.u32 v5, $0xB;
	vm11 =	vgt.f32 v6, $0.0e+00  }
0x375: {  	v9 =	vcvt.f32.s32 v54;
	v56 =	vmul.f32 $2.560000000e+02, v7;
	v10 =	vsub.f32 $1.000000000e+00, v10  }
0x376: {  	v3 =	vshll.u32 v3, $0xB;
	v63 =	vshll.u32 v4, $0xB;
	v5 =	vadd.s32 v0, v5  }
0x377: {  	vm0 =	vgt.s32 v9, $0x0;
	v13 =	vtrunc.f32 v56;
	v57 =	vmul.f32 $2.560000000e+02, v10  }
0x378: {  	v8 =	vor.u32 v8, v11;
	v9 =	vnsel vm0, $0x0, v9;
	v13 =	vcvt.f32.s32 v13  }
0x379: {  	v6 =	vsel vm11, $0x3F800000, v1;
	v9 =	vmin.u32 v9, $0x7FF;
	v58 =	vtrunc.f32 v57  }
0x37a: {  	[tilespmem:s28+$0xD000] =	vst v8;
	v5 =	vor.u32 v5, v9;
	vm12 =	vgt.s32 v13, $0x0;
	v9 =	vcvt.f32.s32 v58  }
0x37b: {  	v3 =	vadd.s32 v0, v3;
	[tilespmem:s26+$0xF000] =	vst v6;
	vm13 =	vgt.f32 v7, $0.0e+00;
	v59 =	vnsel vm12, $0x0, v13  }
0x37c: {  	v61 =	vsel vm13, $0x3F800000, v1;
	[tilespmem:s26+$0xD000] =	vst v5;
	v60 =	vmin.u32 v59, $0x7FF;
	vm14 =	vgt.s32 v9, $0x0  }
0x37d: {  	[tilespmem:s25+$0xF000] =	vst v61;
	vm15 =	vgt.f32 v10, $0.0e+00;
	v3 =	vor.u32 v3, v60;
	v62 =	vnsel vm14, $0x0, v9  }
0x37e: {  	v4 =	vadd.s32 v0, v63;
	[tilespmem:s25+$0xD000] =	vst v3;
	v3 =	vsel vm15, $0x3F800000, v1;
	v5 =	vmin.u32 v62, $0x7FF  }
0x37f: {  	[tilespmem:s29+$0xF000] =	vst v3;
	v3 =	vor.u32 v4, v5  }
0x380: {  	[tilespmem:s29+$0xD000] =	vst v3  }
0x381: {  	[spmem:s2] =	stream.indirect.scatter.add.f32 [tilespmem:s21], [sflag:$0x4], $0x1, s20, s17, $0xb8;
	[tilespmem:$0x11080] =	vst v63  }
0x382: {  	_ =	swait.ge [sflag:s22], $0x2000  }
0x383: {  	[sflag:s22] =	ssyncset.done $0x0  }
0x384: {  	[sflag:s22] =	ssyncadd.s32 $0xFFFFE000  }
0x385: {  	s30 =	simm.s32 $0x80;
	s29 =	stileid.u32;
	_ =	swait.ge [sflag:s23], $0x2000  }
0x386: {  	s31 =	simm.s32 $0x10;
	s25 =	sshll.u32 s29, $0x6;
	[sflag:s23] =	ssyncset.done $0x0  }
0x387: {  	s26 =	sshrl.u32 s9, $0x3;
	s25 =	sor.u32 $0x1C05, s25;
	[sflag:s23] =	ssyncadd.s32 $0xFFFFE000  }
0x388: {  	[hbm:s6@s30], [sflag:s25] =	dma.strided [spmem:s26@s31], $0x200, s14, $0x10   }
0x389: {  	_ =	swait.ge [sflag:s11], $0x200  }
0x38a: {  	s24 =	sadd.s32 $0x1, s24;
	v2 =	vadd.f32 v12, v2;
	[sflag:s11] =	ssyncset.done $0x0  }
0x38b: {  	p0 =	sne.s32 s24, s8;
	[sflag:s11] =	ssyncadd.s32 $0xFFFFFE00  }
.Ltmp17:
0x38c: {  	s30 =	simm.s32 $0x0;
	s31 =	simm.s32 $0x11000;
	[tilespmem:$0x11000] =	vst v2;
	(pc) =	sbr.rel @p0 .LBB2_1-.Ltmp17, $4  }
0x38d: {  	[hbm4b:s7+s30] =	stream.linear.scatter [tilespmem:s31], [sflag:$0x5], $0x80, $0x38;
	[tilespmem:$0x11080] =	vst v63  }
0x38e: {  	_ =	swait.ge [sflag:s11], $0x80  }
0x38f: {  	[sflag:s11] =	ssyncset.done $0x0  }
0x390: {  	[sflag:s11] =	ssyncadd.s32 $0xFFFFFF80  }
0x391: {  	_ =	sfence.sel $0x180000  }
0x392: {  	[bflag:$0x0] =	sbarrier.arrive $0xFFFF  }
0x393: {  	_ =	strace $0x90000047  }
0x394: {  	s0 =	stileid.u32;
	[bflag:$0x2] =	sbarrier.arrive $0xFFFF  }
0x395: {  	p0 =	sne.s32 s0, $0x0;
	s0 =	rddreg [dreg:$0x2]  }
0x396: {  	s0 =	sadd.s32 @!p0 $0x100000, s0  }
0x397: {  	[sflag:s0] =	ssyncadd.tile.s32 @!p0 $0x1;
	_ =	shalt  }
.Lfunc_end2:
_tile_overlayer_lowered:
.L_overlay_start_2:
0x398: {  	(tag) =	ssettag $0x2  }
0x399: {  	s0 =	rddreg [dreg:$0x0];
	s2 =	stileid.u32  }
0x39a: {  	s1 =	rddreg [dreg:$0x1];
	p0 =	sne.s32 s2, $0x0  }
0x39b: {  	s3 =	rddreg [dreg:$0x2];
	[bflag:$0x3] =	sbarrier.arrive $0xFFFF;
	s2 =	simm.s32 @!p0 $0x1C05  }
0x39c: {  	[timem:s3], [sflag:s2] =	dma.local @!p0 [hbm:s0], s1  }
0x39d: {  	s0 =	simm.s32 @!p0 $0x5  }
0x39e: {  	_ =	swait.ge @!p0 [sflag:s0], s1  }
0x39f: {  	s1 =	ssub.s32 @!p0 $0x0, s1;
	[sflag:s0] =	ssyncset.done @!p0 $0x0  }
0x3a0: {  	[sflag:s0] =	ssyncadd.s32 @!p0 s1  }
0x3a1: {  	[bflag:$0x3] =	sbarrier.arrive $0xFFFF  }
0x3a2: {  	_ =	shalt  }

</sc_bundles>
